<compile_context>
chip_gen: v7x
topology: tpu7x:2x2x1
jax: 0.10.2.dev20260603
libtpu: 0.0.44.dev20260713+nightly
codegen_flags: <defaults>
</compile_context>

<pallas_src>
import functools

import jax
import jax.numpy as jnp
from jax import lax
from jax.experimental import pallas as pl
from jax.experimental.pallas import tpu as pltpu
from jax.experimental.pallas import tpu_sc as plsc

_NC = 2
_NS = 16
_BN_EPS = 1e-5


def _cdiv(a, b):
  return -(-a // b)


def _atom_call(af, gidx, sidx, zeros, n_half, kh, d):
  zr = 8 * _cdiv(_cdiv(n_half + 1, _NS), 8)
  ah = _NS * zr
  mesh = plsc.VectorSubcoreMesh(core_axis_name="c", subcore_axis_name="s")

  @functools.partial(
      pl.kernel,
      mesh=mesh,
      out_type=jax.ShapeDtypeStruct((_NC, ah, d), jnp.float32),
      scratch_types=[
          pltpu.VMEM((kh, 128), jnp.int32),
          pltpu.VMEM((kh, 128), jnp.int32),
          pltpu.VMEM((128, d), jnp.float32),
          pltpu.VMEM((128, d), jnp.float32),
          pltpu.VMEM_SHARED((ah, d), jnp.float32),
          pltpu.SemaphoreType.DMA,
          pltpu.SemaphoreType.DMA,
      ],
  )
  def k(af_hbm, g_hbm, s_hbm, z_hbm, out_hbm, gi, si, buf0, buf1, acc,
        sem0, sem1):
    cid = lax.axis_index("c")
    sid = lax.axis_index("s")
    pltpu.sync_copy(z_hbm.at[pl.ds(0, zr)], acc.at[pl.ds(sid * zr, zr)])
    pltpu.sync_copy(g_hbm.at[cid, sid], gi)
    pltpu.sync_copy(s_hbm.at[cid, sid], si)
    plsc.subcore_barrier()

    bufs = (buf0, buf1)
    sems = (sem0, sem1)

    def gissue(j, b):
      pltpu.async_copy(af_hbm.at[gi.at[j]], bufs[b], sems[b])

    def gwait(b):
      pltpu.make_async_copy(af_hbm.at[gi.at[0]], bufs[b], sems[b]).wait()

    gissue(0, 0)

    @pl.loop(0, kh // 2)
    def _(t):
      j = 2 * t
      gwait(0)
      gissue(j + 1, 1)
      pltpu.sync_copy(buf0, acc.at[si.at[j]], add=True)
      gwait(1)

      @pl.when(t < kh // 2 - 1)
      def _():
        gissue(j + 2, 0)

      pltpu.sync_copy(buf1, acc.at[si.at[j + 1]], add=True)

    plsc.subcore_barrier()
    pltpu.sync_copy(acc.at[pl.ds(sid * zr, zr)],
                    out_hbm.at[cid, pl.ds(sid * zr, zr)])

  return k(af, gidx, sidx, zeros)


def _edge_call(h, combo, src, dst, cidx, zeros, n, kc, d):
  zz = 8 * _cdiv(_cdiv(n + 1, _NS), 8)
  n_dum = _NS * zz
  mesh = plsc.VectorSubcoreMesh(core_axis_name="c", subcore_axis_name="s")

  @functools.partial(
      pl.kernel,
      mesh=mesh,
      out_type=jax.ShapeDtypeStruct((_NC, n_dum, d), jnp.float32),
      scratch_types=[
          pltpu.VMEM((16, 64), jnp.int32),
          pltpu.VMEM((16, 64), jnp.int32),
          pltpu.VMEM((16, 64), jnp.int32),
          pltpu.VMEM((64, d), jnp.float32),
          pltpu.VMEM((64, d), jnp.float32),
          pltpu.VMEM((64, d), jnp.float32),
          pltpu.VMEM((64, d), jnp.float32),
          pltpu.VMEM_SHARED((n_dum, d), jnp.float32),
          pltpu.SemaphoreType.DMA,
          pltpu.SemaphoreType.DMA,
          pltpu.SemaphoreType.DMA,
          pltpu.SemaphoreType.DMA,
      ],
  )
  def k(h_hbm, cmb_hbm, s_hbm, d_hbm, c_hbm, z_hbm, out_hbm,
        sv, dv, cv, hb0, hb1, eb0, eb1, acc, sh0, sh1, se0, se1):
    cid = lax.axis_index("c")
    sid = lax.axis_index("s")
    pltpu.sync_copy(z_hbm.at[pl.ds(0, zz)], acc.at[pl.ds(sid * zz, zz)])
    plsc.subcore_barrier()

    hbufs, ebufs = (hb0, hb1), (eb0, eb1)
    hsems, esems = (sh0, sh1), (se0, se1)

    def gissue(j, b):
      pltpu.async_copy(h_hbm.at[sv.at[j]], hbufs[b], hsems[b])
      pltpu.async_copy(cmb_hbm.at[cv.at[j]], ebufs[b], esems[b])

    def gwait(b):
      pltpu.make_async_copy(h_hbm.at[sv.at[0]], hbufs[b], hsems[b]).wait()
      pltpu.make_async_copy(cmb_hbm.at[cv.at[0]], ebufs[b], esems[b]).wait()

    def compute(b):
      hb, eb = hbufs[b], ebufs[b]

      @pl.loop(0, 64)
      def _(i):
        for c in range(d // 16):
          slc = (pl.ds(i, 1), pl.ds(c * 16, 16))
          hb[slc] = jnp.maximum(hb[slc] + eb[slc], 0.0)

    @pl.loop(0, kc // 16)
    def _(g):
      pltpu.sync_copy(s_hbm.at[cid, sid, pl.ds(g * 16, 16)], sv)
      pltpu.sync_copy(d_hbm.at[cid, sid, pl.ds(g * 16, 16)], dv)
      pltpu.sync_copy(c_hbm.at[cid, sid, pl.ds(g * 16, 16)], cv)
      gissue(0, 0)

      @pl.loop(0, 8)
      def _(t):
        j = 2 * t
        gwait(0)
        gissue(j + 1, 1)
        compute(0)
        pltpu.sync_copy(hb0, acc.at[dv.at[j]], add=True)
        gwait(1)

        @pl.when(t < 7)
        def _():
          gissue(j + 2, 0)

        compute(1)
        pltpu.sync_copy(hb1, acc.at[dv.at[j + 1]], add=True)

    plsc.subcore_barrier()
    pltpu.sync_copy(acc.at[pl.ds(sid * zz, zz)],
                    out_hbm.at[cid, pl.ds(sid * zz, zz)])

  return k(h, combo, src, dst, cidx, zeros)


def _mlp_call(h, p, hs, w1, t1, w2, t2, relu, n, d):
  bn = 1024
  grid = (_cdiv(n, bn),)

  def body(h_ref, p_ref, hs_ref, w1_ref, t1_ref, w2_ref, t2_ref, o_ref):
    z = h_ref[...] * hs_ref[...] + p_ref[0] + p_ref[1]
    z = jnp.dot(z, w1_ref[...], preferred_element_type=jnp.float32)
    z = jnp.maximum(z + t1_ref[...], 0.0)
    z = jnp.dot(z, w2_ref[...], preferred_element_type=jnp.float32)
    z = z + t2_ref[...]
    if relu:
      z = jnp.maximum(z, 0.0)
    o_ref[...] = z

  return pl.pallas_call(
      body,
      grid=grid,
      in_specs=[
          pl.BlockSpec((bn, d), lambda i: (i, 0)),
          pl.BlockSpec((2, bn, d), lambda i: (0, i, 0)),
          pl.BlockSpec((1, d), lambda i: (0, 0)),
          pl.BlockSpec((d, d), lambda i: (0, 0)),
          pl.BlockSpec((1, d), lambda i: (0, 0)),
          pl.BlockSpec((d, d), lambda i: (0, 0)),
          pl.BlockSpec((1, d), lambda i: (0, 0)),
      ],
      out_specs=pl.BlockSpec((bn, d), lambda i: (i, 0)),
      out_shape=jax.ShapeDtypeStruct((n, d), jnp.float32),
  )(h, p, hs, w1, t1, w2, t2)


def kernel(x, edge_index, edge_attr, atom_emb, bond_emb, W1, b1, bn1_g, bn1_b,
           W2, b2, eps_p, bn_g, bn_b):
  n, nf = x.shape
  e = edge_index.shape[1]
  ma = atom_emb.shape[1]
  d = atom_emb.shape[2]
  nl = W1.shape[0]
  mb = bond_emb.shape[2]

  src = edge_index[0].astype(jnp.int32)
  dst = edge_index[1].astype(jnp.int32)
  cidx = (edge_attr[:, 0] * (mb * mb) + edge_attr[:, 1] * mb
          + edge_attr[:, 2]).astype(jnp.int32)

  gidx = ((jnp.arange(nf, dtype=jnp.int32) * ma)[None, :]
          + x.astype(jnp.int32)).reshape(-1)
  sidx = jnp.broadcast_to(jnp.arange(n, dtype=jnp.int32)[:, None],
                          (n, nf)).reshape(-1)
  n_half = n // 2
  half = n_half * nf
  kh = 8 * _cdiv(_cdiv(half, _NS * 128), 8)
  ph = kh * _NS * 128
  zrow = nf * ma

  def padh(a, fill):
    return jnp.concatenate(
        [a, jnp.full((ph - half,), fill, jnp.int32)]).reshape(_NS, kh, 128)

  gidx2 = jnp.stack([padh(gidx[:half], zrow), padh(gidx[half:], zrow)])
  sidx2 = jnp.stack([padh(sidx[:half], n_half),
                     padh(sidx[half:] - n_half, n_half)])
  af = jnp.concatenate(
      [atom_emb.reshape(nf * ma, d), jnp.zeros((1, d), jnp.float32)])

  kc = 16 * _cdiv(e, _NC * _NS * 64 * 16)
  pe = kc * _NC * _NS * 64

  def pade(a, fill):
    return jnp.concatenate(
        [a, jnp.full((pe - e,), fill, jnp.int32)]).reshape(_NC, _NS, kc, 64)

  src2 = pade(src, 0)
  dst2 = pade(dst, n)
  cidx2 = pade(cidx, 0)

  zz = 8 * _cdiv(_cdiv(n + 1, _NS), 8)
  zeros = jnp.zeros((zz, d), jnp.float32)

  combo = (bond_emb[:, 0, :, None, None, :]
           + bond_emb[:, 1, None, :, None, :]
           + bond_emb[:, 2, None, None, :, :]).reshape(nl, mb ** 3, d)

  inv = 1.0 / jnp.sqrt(jnp.float32(1.0 + _BN_EPS))
  w1e = jnp.transpose(W1, (0, 2, 1)) * (inv * bn1_g)[:, None, :]
  t1 = (b1 * inv * bn1_g + bn1_b)[:, None, :]
  w2e = jnp.transpose(W2, (0, 2, 1)) * (inv * bn_g)[:, None, :]
  t2 = (b2 * inv * bn_g + bn_b)[:, None, :]
  hs = ((1.0 + eps_p)[:, None] * jnp.ones((1, d), jnp.float32))[:, None, :]

  pa = _atom_call(af, gidx2, sidx2, zeros, n_half, kh, d)
  h = jnp.concatenate([pa[0, :n_half], pa[1, :n_half]], axis=0)
  for l in range(nl):
    p = _edge_call(h, combo[l], src2, dst2, cidx2, zeros, n, kc, d)
    h = _mlp_call(h, p, hs[l], w1e[l], t1[l], w2e[l], t2[l],
                  relu=(l < nl - 1), n=n, d=d)
  return h

# --- scband reference (transcript-rebuilt; emitter-appended) ---
"""Pipeline reference for scband-gnn-node-44890998178249 (READ-ONLY COPY).

The authoritative reference and input builder live on the scoring server;
editing this copy changes nothing except your own understanding.
"""

import jax, jax.numpy as jnp
import numpy as np

N = 10000
E = 320000
D = 128
L = 3
NF_NODE = 9
NF_EDGE = 3
MAX_ATOM = 119
MAX_BOND = 6
BN_EPS = 1e-5


def setup_inputs(seed: int = 0):
    key = jax.random.key(seed)
    ks = jax.random.split(key, 16)
    x = jax.random.randint(ks[0], (N, NF_NODE), 0, 2, dtype=jnp.int32)
    edge_index = jax.random.randint(ks[1], (2, E), 0, N, dtype=jnp.int32)
    edge_attr = jax.random.randint(ks[2], (E, NF_EDGE), 0, 2, dtype=jnp.int32)
    atom_emb = jax.random.normal(ks[3], (NF_NODE, MAX_ATOM, D), dtype=jnp.float32) * 0.02
    bond_emb = jax.random.normal(ks[4], (L, NF_EDGE, MAX_BOND, D), dtype=jnp.float32) * 0.02
    W1 = jax.random.normal(ks[5], (L, D, D), dtype=jnp.float32) * (1.0 / np.sqrt(D))
    b1 = jnp.zeros((L, D), dtype=jnp.float32)
    bn1_g = jnp.ones((L, D), dtype=jnp.float32)
    bn1_b = jnp.zeros((L, D), dtype=jnp.float32)
    W2 = jax.random.normal(ks[6], (L, D, D), dtype=jnp.float32) * (1.0 / np.sqrt(D))
    b2 = jnp.zeros((L, D), dtype=jnp.float32)
    eps_p = jnp.zeros((L,), dtype=jnp.float32)
    bn_g = jnp.ones((L, D), dtype=jnp.float32)
    bn_b = jnp.zeros((L, D), dtype=jnp.float32)
    return dict(x=x, edge_index=edge_index, edge_attr=edge_attr, atom_emb=atom_emb,
                bond_emb=bond_emb, W1=W1, b1=b1, bn1_g=bn1_g, bn1_b=bn1_b,
                W2=W2, b2=b2, eps_p=eps_p, bn_g=bn_g, bn_b=bn_b)


def reference(x, edge_index, edge_attr, atom_emb, bond_emb, W1, b1, bn1_g, bn1_b, W2, b2, eps_p, bn_g, bn_b):
    src = edge_index[0]
    dst = edge_index[1]
    n = x.shape[0]
    # AtomEncoder: sum of per-feature embedding lookups
    h = jnp.zeros((n, atom_emb.shape[-1]), dtype=jnp.float32)
    for f in range(NF_NODE):
        h = h + atom_emb[f][x[:, f]]
    inv = 1.0 / jnp.sqrt(1.0 + BN_EPS)  # BN eval mode: running_mean=0, running_var=1
    for l in range(L):
        # BondEncoder (per-layer): sum of per-feature edge embedding lookups
        e = jnp.zeros((edge_attr.shape[0], h.shape[1]), dtype=jnp.float32)
        for f in range(NF_EDGE):
            e = e + bond_emb[l, f][edge_attr[:, f]]
        # GINConv: m = relu(x_src + edge_emb); agg = scatter-sum to dst
        m = jax.nn.relu(h[src] + e)
        agg = jax.ops.segment_sum(m, dst, num_segments=n)
        z = (1.0 + eps_p[l]) * h + agg
        # mlp: Linear -> BN(eval) -> ReLU -> Linear
        z = z @ W1[l].T + b1[l]
        z = (z * inv) * bn1_g[l] + bn1_b[l]
        z = jax.nn.relu(z)
        z = z @ W2[l].T + b2[l]
        # outer batch_norm (eval)
        z = (z * inv) * bn_g[l] + bn_b[l]
        # dropout disabled (eval); relu on non-final layers
        if l < L - 1:
            z = jax.nn.relu(z)
        h = z
    return h

if __name__ == "__main__":
    import jax
    _d = setup_inputs()
    print(jax.jit(kernel)(*tuple(_d.values())))

</pallas_src>

<mosaic_0001>
#map = affine_map<(d0, d1) -> (0, 0)>
#map1 = affine_map<(d0, d1) -> (0, 0, 0, 0)>
#map2 = affine_map<(d0, d1) -> (0, 0, 0)>
module attributes {stable_mosaic.version = 14 : i64} {
  func.func @k(%arg0: i32, %arg1: i32, %arg2: memref<10000x128xf32, #tpu.memory_space<hbm>>, %arg3: memref<216x128xf32, #tpu.memory_space<hbm>>, %arg4: memref<2x16x160x64xi32, #tpu.memory_space<hbm>>, %arg5: memref<2x16x160x64xi32, #tpu.memory_space<hbm>>, %arg6: memref<2x16x160x64xi32, #tpu.memory_space<hbm>>, %arg7: memref<632x128xf32, #tpu.memory_space<hbm>>, %arg8: memref<2x10112x128xf32, #tpu.memory_space<hbm>>, %arg9: memref<16x64xi32, #tpu.memory_space<vmem>>, %arg10: memref<16x64xi32, #tpu.memory_space<vmem>>, %arg11: memref<16x64xi32, #tpu.memory_space<vmem>>, %arg12: memref<64x128xf32, #tpu.memory_space<vmem>>, %arg13: memref<64x128xf32, #tpu.memory_space<vmem>>, %arg14: memref<64x128xf32, #tpu.memory_space<vmem>>, %arg15: memref<64x128xf32, #tpu.memory_space<vmem>>, %arg16: memref<10112x128xf32, #tpu.memory_space<vmem_shared>>, %arg17: memref<!tpu.dma_semaphore, #tpu.memory_space<semaphore_mem>>, %arg18: memref<!tpu.dma_semaphore, #tpu.memory_space<semaphore_mem>>, %arg19: memref<!tpu.dma_semaphore, #tpu.memory_space<semaphore_mem>>, %arg20: memref<!tpu.dma_semaphore, #tpu.memory_space<semaphore_mem>>) attributes {dimension_semantics = [#tpu.dimension_semantics<core_parallel>, #tpu.dimension_semantics<subcore_parallel>], iteration_bounds = array<i64: 2, 16>, scalar_prefetch = 0 : i64, scratch_operands = 12 : i64, tpu.core_type = #tpu.core_type<sc_vector_subcore>, window_params = [{transform_indices = #map}, {transform_indices = #map}, {transform_indices = #map1}, {transform_indices = #map1}, {transform_indices = #map1}, {transform_indices = #map}, {transform_indices = #map2}]} {
    %mul3A = arith.constant 632 : i32
    %mul3A_0 = arith.muli %arg1, %mul3A : i32
    "tpu.region"() ({
      %run_scoped3A = tpu.sem_alloc : memref<!tpu.dma_semaphore, #tpu.memory_space<semaphore_mem>>
      %dma_start3A = arith.constant 0 : i32
      %dma_start3A_10 = tpu.memref_slice %arg16[%mul3A_0, %dma_start3A] : memref<10112x128xf32, #tpu.memory_space<vmem_shared>> -> memref<632x128xf32, #tpu.memory_space<vmem_shared>>
      %dma_start3A_11 = arith.constant 0 : i32
      %dma_start3A_12 = arith.constant 0 : i32
      %dma_start3A_13 = tpu.memref_slice %arg7[%dma_start3A_11, %dma_start3A_12] : memref<632x128xf32, #tpu.memory_space<hbm>> -> memref<632x128xf32, #tpu.memory_space<hbm>>
      tpu.enqueue_dma source(%dma_start3A_13 : memref<632x128xf32, #tpu.memory_space<hbm>>) target(%dma_start3A_10 : memref<632x128xf32, #tpu.memory_space<vmem_shared>>) target_semaphore(%run_scoped3A : memref<!tpu.dma_semaphore, #tpu.memory_space<semaphore_mem>>)
      %dma_wait3A = arith.constant 0 : i32
      %dma_wait3A_14 = tpu.memref_slice %arg16[%mul3A_0, %dma_wait3A] : memref<10112x128xf32, #tpu.memory_space<vmem_shared>> -> memref<632x128xf32, #tpu.memory_space<vmem_shared>>
      %dma_wait3A_15 = arith.constant 0 : i32
      %dma_wait3A_16 = arith.constant 0 : i32
      %dma_wait3A_17 = tpu.memref_slice %arg7[%dma_wait3A_15, %dma_wait3A_16] : memref<632x128xf32, #tpu.memory_space<hbm>> -> memref<632x128xf32, #tpu.memory_space<hbm>>
      tpu.wait_dma2 semaphore(%run_scoped3A : memref<!tpu.dma_semaphore, #tpu.memory_space<semaphore_mem>>) src(%dma_wait3A_17 : memref<632x128xf32, #tpu.memory_space<hbm>>) dst(%dma_wait3A_14 : memref<632x128xf32, #tpu.memory_space<vmem_shared>>)
      tpu.yield
    }) : () -> ()
    %barrier3A = arith.constant 0 : index
    tpu.barrier barrier_id(%barrier3A)
    %scan3A = arith.constant 0 : i32
    %scan3A_1 = arith.constant 10 : i32
    %scan3A_2 = arith.addi %scan3A, %scan3A_1 : i32
    %scan3A_3 = arith.constant 1 : i32
    scf.for %scan3A_10 = %scan3A to %scan3A_2 step %scan3A_3  : i32 {
      %mul3A_11 = arith.constant 1 : i32
      %mul3A_12 = arith.muli %scan3A_10, %mul3A_11 : i32
      %add3A = arith.constant 0 : i32
      %add3A_13 = arith.addi %add3A, %mul3A_12 : i32
      %mul3A_14 = arith.constant 16 : i32
      %mul3A_15 = arith.muli %add3A_13, %mul3A_14 : i32
      "tpu.region"() ({
        %run_scoped3A = tpu.sem_alloc : memref<!tpu.dma_semaphore, #tpu.memory_space<semaphore_mem>>
        %dma_start3A_38 = arith.constant 0 : i32
        %dma_start3A_39 = tpu.memref_slice %arg4[%arg0, %arg1, %mul3A_15, %dma_start3A_38] : memref<2x16x160x64xi32, #tpu.memory_space<hbm>> -> memref<1x1x16x64xi32, #tpu.memory_space<hbm>>
        %dma_start3A_40 = tpu.memref_squeeze %dma_start3A_39 : memref<1x1x16x64xi32, #tpu.memory_space<hbm>> -> memref<16x64xi32, #tpu.memory_space<hbm>>
        %dma_start3A_41 = arith.constant 0 : i32
        %dma_start3A_42 = tpu.memref_slice %arg4[%arg0, %arg1, %mul3A_15, %dma_start3A_41] : memref<2x16x160x64xi32, #tpu.memory_space<hbm>> -> memref<1x1x16x64xi32, #tpu.memory_space<hbm>>
        %dma_start3A_43 = tpu.memref_squeeze %dma_start3A_42 : memref<1x1x16x64xi32, #tpu.memory_space<hbm>> -> memref<16x64xi32, #tpu.memory_space<hbm>>
        tpu.enqueue_dma source(%dma_start3A_43 : memref<16x64xi32, #tpu.memory_space<hbm>>) target(%arg9 : memref<16x64xi32, #tpu.memory_space<vmem>>) target_semaphore(%run_scoped3A : memref<!tpu.dma_semaphore, #tpu.memory_space<semaphore_mem>>)
        %dma_wait3A = arith.constant 0 : i32
        %dma_wait3A_44 = tpu.memref_slice %arg4[%arg0, %arg1, %mul3A_15, %dma_wait3A] : memref<2x16x160x64xi32, #tpu.memory_space<hbm>> -> memref<1x1x16x64xi32, #tpu.memory_space<hbm>>
        %dma_wait3A_45 = tpu.memref_squeeze %dma_wait3A_44 : memref<1x1x16x64xi32, #tpu.memory_space<hbm>> -> memref<16x64xi32, #tpu.memory_space<hbm>>
        %dma_wait3A_46 = arith.constant 0 : i32
        %dma_wait3A_47 = tpu.memref_slice %arg4[%arg0, %arg1, %mul3A_15, %dma_wait3A_46] : memref<2x16x160x64xi32, #tpu.memory_space<hbm>> -> memref<1x1x16x64xi32, #tpu.memory_space<hbm>>
        %dma_wait3A_48 = tpu.memref_squeeze %dma_wait3A_47 : memref<1x1x16x64xi32, #tpu.memory_space<hbm>> -> memref<16x64xi32, #tpu.memory_space<hbm>>
        tpu.wait_dma2 semaphore(%run_scoped3A : memref<!tpu.dma_semaphore, #tpu.memory_space<semaphore_mem>>) src(%dma_wait3A_48 : memref<16x64xi32, #tpu.memory_space<hbm>>) dst(%arg9 : memref<16x64xi32, #tpu.memory_space<vmem>>)
        tpu.yield
      }) : () -> ()
      %mul3A_16 = arith.constant 16 : i32
      %mul3A_17 = arith.muli %add3A_13, %mul3A_16 : i32
      "tpu.region"() ({
        %run_scoped3A = tpu.sem_alloc : memref<!tpu.dma_semaphore, #tpu.memory_space<semaphore_mem>>
        %dma_start3A_38 = arith.constant 0 : i32
        %dma_start3A_39 = tpu.memref_slice %arg5[%arg0, %arg1, %mul3A_17, %dma_start3A_38] : memref<2x16x160x64xi32, #tpu.memory_space<hbm>> -> memref<1x1x16x64xi32, #tpu.memory_space<hbm>>
        %dma_start3A_40 = tpu.memref_squeeze %dma_start3A_39 : memref<1x1x16x64xi32, #tpu.memory_space<hbm>> -> memref<16x64xi32, #tpu.memory_space<hbm>>
        %dma_start3A_41 = arith.constant 0 : i32
        %dma_start3A_42 = tpu.memref_slice %arg5[%arg0, %arg1, %mul3A_17, %dma_start3A_41] : memref<2x16x160x64xi32, #tpu.memory_space<hbm>> -> memref<1x1x16x64xi32, #tpu.memory_space<hbm>>
        %dma_start3A_43 = tpu.memref_squeeze %dma_start3A_42 : memref<1x1x16x64xi32, #tpu.memory_space<hbm>> -> memref<16x64xi32, #tpu.memory_space<hbm>>
        tpu.enqueue_dma source(%dma_start3A_43 : memref<16x64xi32, #tpu.memory_space<hbm>>) target(%arg10 : memref<16x64xi32, #tpu.memory_space<vmem>>) target_semaphore(%run_scoped3A : memref<!tpu.dma_semaphore, #tpu.memory_space<semaphore_mem>>)
        %dma_wait3A = arith.constant 0 : i32
        %dma_wait3A_44 = tpu.memref_slice %arg5[%arg0, %arg1, %mul3A_17, %dma_wait3A] : memref<2x16x160x64xi32, #tpu.memory_space<hbm>> -> memref<1x1x16x64xi32, #tpu.memory_space<hbm>>
        %dma_wait3A_45 = tpu.memref_squeeze %dma_wait3A_44 : memref<1x1x16x64xi32, #tpu.memory_space<hbm>> -> memref<16x64xi32, #tpu.memory_space<hbm>>
        %dma_wait3A_46 = arith.constant 0 : i32
        %dma_wait3A_47 = tpu.memref_slice %arg5[%arg0, %arg1, %mul3A_17, %dma_wait3A_46] : memref<2x16x160x64xi32, #tpu.memory_space<hbm>> -> memref<1x1x16x64xi32, #tpu.memory_space<hbm>>
        %dma_wait3A_48 = tpu.memref_squeeze %dma_wait3A_47 : memref<1x1x16x64xi32, #tpu.memory_space<hbm>> -> memref<16x64xi32, #tpu.memory_space<hbm>>
        tpu.wait_dma2 semaphore(%run_scoped3A : memref<!tpu.dma_semaphore, #tpu.memory_space<semaphore_mem>>) src(%dma_wait3A_48 : memref<16x64xi32, #tpu.memory_space<hbm>>) dst(%arg10 : memref<16x64xi32, #tpu.memory_space<vmem>>)
        tpu.yield
      }) : () -> ()
      %mul3A_18 = arith.constant 16 : i32
      %mul3A_19 = arith.muli %add3A_13, %mul3A_18 : i32
      "tpu.region"() ({
        %run_scoped3A = tpu.sem_alloc : memref<!tpu.dma_semaphore, #tpu.memory_space<semaphore_mem>>
        %dma_start3A_38 = arith.constant 0 : i32
        %dma_start3A_39 = tpu.memref_slice %arg6[%arg0, %arg1, %mul3A_19, %dma_start3A_38] : memref<2x16x160x64xi32, #tpu.memory_space<hbm>> -> memref<1x1x16x64xi32, #tpu.memory_space<hbm>>
        %dma_start3A_40 = tpu.memref_squeeze %dma_start3A_39 : memref<1x1x16x64xi32, #tpu.memory_space<hbm>> -> memref<16x64xi32, #tpu.memory_space<hbm>>
        %dma_start3A_41 = arith.constant 0 : i32
        %dma_start3A_42 = tpu.memref_slice %arg6[%arg0, %arg1, %mul3A_19, %dma_start3A_41] : memref<2x16x160x64xi32, #tpu.memory_space<hbm>> -> memref<1x1x16x64xi32, #tpu.memory_space<hbm>>
        %dma_start3A_43 = tpu.memref_squeeze %dma_start3A_42 : memref<1x1x16x64xi32, #tpu.memory_space<hbm>> -> memref<16x64xi32, #tpu.memory_space<hbm>>
        tpu.enqueue_dma source(%dma_start3A_43 : memref<16x64xi32, #tpu.memory_space<hbm>>) target(%arg11 : memref<16x64xi32, #tpu.memory_space<vmem>>) target_semaphore(%run_scoped3A : memref<!tpu.dma_semaphore, #tpu.memory_space<semaphore_mem>>)
        %dma_wait3A = arith.constant 0 : i32
        %dma_wait3A_44 = tpu.memref_slice %arg6[%arg0, %arg1, %mul3A_19, %dma_wait3A] : memref<2x16x160x64xi32, #tpu.memory_space<hbm>> -> memref<1x1x16x64xi32, #tpu.memory_space<hbm>>
        %dma_wait3A_45 = tpu.memref_squeeze %dma_wait3A_44 : memref<1x1x16x64xi32, #tpu.memory_space<hbm>> -> memref<16x64xi32, #tpu.memory_space<hbm>>
        %dma_wait3A_46 = arith.constant 0 : i32
        %dma_wait3A_47 = tpu.memref_slice %arg6[%arg0, %arg1, %mul3A_19, %dma_wait3A_46] : memref<2x16x160x64xi32, #tpu.memory_space<hbm>> -> memref<1x1x16x64xi32, #tpu.memory_space<hbm>>
        %dma_wait3A_48 = tpu.memref_squeeze %dma_wait3A_47 : memref<1x1x16x64xi32, #tpu.memory_space<hbm>> -> memref<16x64xi32, #tpu.memory_space<hbm>>
        tpu.wait_dma2 semaphore(%run_scoped3A : memref<!tpu.dma_semaphore, #tpu.memory_space<semaphore_mem>>) src(%dma_wait3A_48 : memref<16x64xi32, #tpu.memory_space<hbm>>) dst(%arg11 : memref<16x64xi32, #tpu.memory_space<vmem>>)
        tpu.yield
      }) : () -> ()
      %dma_start3A = arith.constant 0 : i32
      %dma_start3A_20 = arith.constant 0 : i32
      %dma_start3A_21 = tpu.memref_slice %arg9[%dma_start3A, %dma_start3A_20] : memref<16x64xi32, #tpu.memory_space<vmem>> -> memref<1x64xi32, #tpu.memory_space<vmem>>
      %dma_start3A_22 = tpu.memref_squeeze %dma_start3A_21 : memref<1x64xi32, #tpu.memory_space<vmem>> -> memref<64xi32, #tpu.memory_space<vmem>>
      %dma_start3A_23 = arith.constant 0 : i32
      %dma_start3A_24 = arith.constant 0 : i32
      %dma_start3A_25 = tpu.memref_slice %arg2[%dma_start3A_23, %dma_start3A_24] : memref<10000x128xf32, #tpu.memory_space<hbm>> -> memref<10000x128xf32, #tpu.memory_space<hbm>>
      tpu.enqueue_indirect_dma source(%dma_start3A_25 : memref<10000x128xf32, #tpu.memory_space<hbm>>) target(%arg12 : memref<64x128xf32, #tpu.memory_space<vmem>>) offsets(%dma_start3A_22 : memref<64xi32, #tpu.memory_space<vmem>>) semaphore(%arg17 : memref<!tpu.dma_semaphore, #tpu.memory_space<semaphore_mem>>)
      %dma_start3A_26 = arith.constant 0 : i32
      %dma_start3A_27 = arith.constant 0 : i32
      %dma_start3A_28 = tpu.memref_slice %arg11[%dma_start3A_26, %dma_start3A_27] : memref<16x64xi32, #tpu.memory_space<vmem>> -> memref<1x64xi32, #tpu.memory_space<vmem>>
      %dma_start3A_29 = tpu.memref_squeeze %dma_start3A_28 : memref<1x64xi32, #tpu.memory_space<vmem>> -> memref<64xi32, #tpu.memory_space<vmem>>
      %dma_start3A_30 = arith.constant 0 : i32
      %dma_start3A_31 = arith.constant 0 : i32
      %dma_start3A_32 = tpu.memref_slice %arg3[%dma_start3A_30, %dma_start3A_31] : memref<216x128xf32, #tpu.memory_space<hbm>> -> memref<216x128xf32, #tpu.memory_space<hbm>>
      tpu.enqueue_indirect_dma source(%dma_start3A_32 : memref<216x128xf32, #tpu.memory_space<hbm>>) target(%arg14 : memref<64x128xf32, #tpu.memory_space<vmem>>) offsets(%dma_start3A_29 : memref<64xi32, #tpu.memory_space<vmem>>) semaphore(%arg19 : memref<!tpu.dma_semaphore, #tpu.memory_space<semaphore_mem>>)
      %scan3A_33 = arith.constant 0 : i32
      %scan3A_34 = arith.constant 8 : i32
      %scan3A_35 = arith.addi %scan3A_33, %scan3A_34 : i32
      %scan3A_36 = arith.constant 1 : i32
      scf.for %scan3A_38 = %scan3A_33 to %scan3A_35 step %scan3A_36  : i32 {
        %mul3A_39 = arith.constant 1 : i32
        %mul3A_40 = arith.muli %scan3A_38, %mul3A_39 : i32
        %add3A_41 = arith.constant 0 : i32
        %add3A_42 = arith.addi %add3A_41, %mul3A_40 : i32
        %mul3A_43 = arith.constant 2 : i32
        %mul3A_44 = arith.muli %mul3A_43, %add3A_42 : i32
        %dma_wait3A = arith.constant 0 : i32
        %dma_wait3A_45 = arith.constant 0 : i32
        %dma_wait3A_46 = tpu.memref_slice %arg9[%dma_wait3A, %dma_wait3A_45] : memref<16x64xi32, #tpu.memory_space<vmem>> -> memref<1x64xi32, #tpu.memory_space<vmem>>
        %dma_wait3A_47 = tpu.memref_squeeze %dma_wait3A_46 : memref<1x64xi32, #tpu.memory_space<vmem>> -> memref<64xi32, #tpu.memory_space<vmem>>
        %dma_wait3A_48 = arith.constant 0 : i32
        %dma_wait3A_49 = arith.constant 0 : i32
        %dma_wait3A_50 = tpu.memref_slice %arg2[%dma_wait3A_48, %dma_wait3A_49] : memref<10000x128xf32, #tpu.memory_space<hbm>> -> memref<10000x128xf32, #tpu.memory_space<hbm>>
        tpu.wait_indirect_dma semaphore(%arg17 : memref<!tpu.dma_semaphore, #tpu.memory_space<semaphore_mem>>) src(%dma_wait3A_50 : memref<10000x128xf32, #tpu.memory_space<hbm>>) dst(%arg12 : memref<64x128xf32, #tpu.memory_space<vmem>>)
        %dma_wait3A_51 = arith.constant 0 : i32
        %dma_wait3A_52 = arith.constant 0 : i32
        %dma_wait3A_53 = tpu.memref_slice %arg11[%dma_wait3A_51, %dma_wait3A_52] : memref<16x64xi32, #tpu.memory_space<vmem>> -> memref<1x64xi32, #tpu.memory_space<vmem>>
        %dma_wait3A_54 = tpu.memref_squeeze %dma_wait3A_53 : memref<1x64xi32, #tpu.memory_space<vmem>> -> memref<64xi32, #tpu.memory_space<vmem>>
        %dma_wait3A_55 = arith.constant 0 : i32
        %dma_wait3A_56 = arith.constant 0 : i32
        %dma_wait3A_57 = tpu.memref_slice %arg3[%dma_wait3A_55, %dma_wait3A_56] : memref<216x128xf32, #tpu.memory_space<hbm>> -> memref<216x128xf32, #tpu.memory_space<hbm>>
        tpu.wait_indirect_dma semaphore(%arg19 : memref<!tpu.dma_semaphore, #tpu.memory_space<semaphore_mem>>) src(%dma_wait3A_57 : memref<216x128xf32, #tpu.memory_space<hbm>>) dst(%arg14 : memref<64x128xf32, #tpu.memory_space<vmem>>)
        %add3A_58 = arith.constant 1 : i32
        %add3A_59 = arith.addi %mul3A_44, %add3A_58 : i32
        %dma_start3A_60 = arith.constant 0 : i32
        %dma_start3A_61 = tpu.memref_slice %arg9[%add3A_59, %dma_start3A_60] : memref<16x64xi32, #tpu.memory_space<vmem>> -> memref<1x64xi32, #tpu.memory_space<vmem>>
        %dma_start3A_62 = tpu.memref_squeeze %dma_start3A_61 : memref<1x64xi32, #tpu.memory_space<vmem>> -> memref<64xi32, #tpu.memory_space<vmem>>
        %dma_start3A_63 = arith.constant 0 : i32
        %dma_start3A_64 = arith.constant 0 : i32
        %dma_start3A_65 = tpu.memref_slice %arg2[%dma_start3A_63, %dma_start3A_64] : memref<10000x128xf32, #tpu.memory_space<hbm>> -> memref<10000x128xf32, #tpu.memory_space<hbm>>
        tpu.enqueue_indirect_dma source(%dma_start3A_65 : memref<10000x128xf32, #tpu.memory_space<hbm>>) target(%arg13 : memref<64x128xf32, #tpu.memory_space<vmem>>) offsets(%dma_start3A_62 : memref<64xi32, #tpu.memory_space<vmem>>) semaphore(%arg18 : memref<!tpu.dma_semaphore, #tpu.memory_space<semaphore_mem>>)
        %dma_start3A_66 = arith.constant 0 : i32
        %dma_start3A_67 = tpu.memref_slice %arg11[%add3A_59, %dma_start3A_66] : memref<16x64xi32, #tpu.memory_space<vmem>> -> memref<1x64xi32, #tpu.memory_space<vmem>>
        %dma_start3A_68 = tpu.memref_squeeze %dma_start3A_67 : memref<1x64xi32, #tpu.memory_space<vmem>> -> memref<64xi32, #tpu.memory_space<vmem>>
        %dma_start3A_69 = arith.constant 0 : i32
        %dma_start3A_70 = arith.constant 0 : i32
        %dma_start3A_71 = tpu.memref_slice %arg3[%dma_start3A_69, %dma_start3A_70] : memref<216x128xf32, #tpu.memory_space<hbm>> -> memref<216x128xf32, #tpu.memory_space<hbm>>
        tpu.enqueue_indirect_dma source(%dma_start3A_71 : memref<216x128xf32, #tpu.memory_space<hbm>>) target(%arg15 : memref<64x128xf32, #tpu.memory_space<vmem>>) offsets(%dma_start3A_68 : memref<64xi32, #tpu.memory_space<vmem>>) semaphore(%arg20 : memref<!tpu.dma_semaphore, #tpu.memory_space<semaphore_mem>>)
        %scan3A_72 = arith.constant 0 : i32
        %scan3A_73 = arith.constant 64 : i32
        %scan3A_74 = arith.addi %scan3A_72, %scan3A_73 : i32
        %scan3A_75 = arith.constant 1 : i32
        scf.for %scan3A_100 = %scan3A_72 to %scan3A_74 step %scan3A_75  : i32 {
          %mul3A_101 = arith.constant 1 : i32
          %mul3A_102 = arith.muli %scan3A_100, %mul3A_101 : i32
          %add3A_103 = arith.constant 0 : i32
          %add3A_104 = arith.addi %add3A_103, %mul3A_102 : i32
          %get3A = arith.index_cast %add3A_104 : i32 to index
          %get3A_105 = arith.constant 0 : index
          %get3A_106 = tpu.vector_load %arg12[%get3A, %get3A_105] {strides = array<i32>} : memref<64x128xf32, #tpu.memory_space<vmem>>, vector<1x16xf32>,
          %get3A_107 = vector.shape_cast %get3A_106 : vector<1x16xf32> to vector<1x16xf32>
          %get3A_108 = arith.index_cast %add3A_104 : i32 to index
          %get3A_109 = arith.constant 0 : index
          %get3A_110 = tpu.vector_load %arg14[%get3A_108, %get3A_109] {strides = array<i32>} : memref<64x128xf32, #tpu.memory_space<vmem>>, vector<1x16xf32>,
          %get3A_111 = vector.shape_cast %get3A_110 : vector<1x16xf32> to vector<1x16xf32>
          %add3A_112 = arith.addf %get3A_107, %get3A_111 : vector<1x16xf32>
          %max3A = arith.constant 0.000000e+00 : f32
          %max3A_113 = vector.broadcast %max3A : f32 to vector<1x16xf32>
          %max3A_114 = arith.maximumf %add3A_112, %max3A_113 : vector<1x16xf32>
          %swap3A = arith.index_cast %add3A_104 : i32 to index
          %swap3A_115 = arith.constant 0 : index
          %swap3A_116 = tpu.vector_load %arg12[%swap3A, %swap3A_115] {strides = array<i32>} : memref<64x128xf32, #tpu.memory_space<vmem>>, vector<1x16xf32>,
          %swap3A_117 = vector.shape_cast %swap3A_116 : vector<1x16xf32> to vector<1x16xf32>
          %swap3A_118 = vector.shape_cast %max3A_114 : vector<1x16xf32> to vector<1x16xf32>
          tpu.vector_store %arg12[%swap3A, %swap3A_115], %swap3A_118 {strides = array<i32>} : memref<64x128xf32, #tpu.memory_space<vmem>>, vector<1x16xf32>,
          %get3A_119 = arith.index_cast %add3A_104 : i32 to index
          %get3A_120 = arith.constant 16 : index
          %get3A_121 = tpu.vector_load %arg12[%get3A_119, %get3A_120] {strides = array<i32>} : memref<64x128xf32, #tpu.memory_space<vmem>>, vector<1x16xf32>,
          %get3A_122 = vector.shape_cast %get3A_121 : vector<1x16xf32> to vector<1x16xf32>
          %get3A_123 = arith.index_cast %add3A_104 : i32 to index
          %get3A_124 = arith.constant 16 : index
          %get3A_125 = tpu.vector_load %arg14[%get3A_123, %get3A_124] {strides = array<i32>} : memref<64x128xf32, #tpu.memory_space<vmem>>, vector<1x16xf32>,
          %get3A_126 = vector.shape_cast %get3A_125 : vector<1x16xf32> to vector<1x16xf32>
          %add3A_127 = arith.addf %get3A_122, %get3A_126 : vector<1x16xf32>
          %max3A_128 = arith.constant 0.000000e+00 : f32
          %max3A_129 = vector.broadcast %max3A_128 : f32 to vector<1x16xf32>
          %max3A_130 = arith.maximumf %add3A_127, %max3A_129 : vector<1x16xf32>
          %swap3A_131 = arith.index_cast %add3A_104 : i32 to index
          %swap3A_132 = arith.constant 16 : index
          %swap3A_133 = tpu.vector_load %arg12[%swap3A_131, %swap3A_132] {strides = array<i32>} : memref<64x128xf32, #tpu.memory_space<vmem>>, vector<1x16xf32>,
          %swap3A_134 = vector.shape_cast %swap3A_133 : vector<1x16xf32> to vector<1x16xf32>
          %swap3A_135 = vector.shape_cast %max3A_130 : vector<1x16xf32> to vector<1x16xf32>
          tpu.vector_store %arg12[%swap3A_131, %swap3A_132], %swap3A_135 {strides = array<i32>} : memref<64x128xf32, #tpu.memory_space<vmem>>, vector<1x16xf32>,
          %get3A_136 = arith.index_cast %add3A_104 : i32 to index
          %get3A_137 = arith.constant 32 : index
          %get3A_138 = tpu.vector_load %arg12[%get3A_136, %get3A_137] {strides = array<i32>} : memref<64x128xf32, #tpu.memory_space<vmem>>, vector<1x16xf32>,
          %get3A_139 = vector.shape_cast %get3A_138 : vector<1x16xf32> to vector<1x16xf32>
          %get3A_140 = arith.index_cast %add3A_104 : i32 to index
          %get3A_141 = arith.constant 32 : index
          %get3A_142 = tpu.vector_load %arg14[%get3A_140, %get3A_141] {strides = array<i32>} : memref<64x128xf32, #tpu.memory_space<vmem>>, vector<1x16xf32>,
          %get3A_143 = vector.shape_cast %get3A_142 : vector<1x16xf32> to vector<1x16xf32>
          %add3A_144 = arith.addf %get3A_139, %get3A_143 : vector<1x16xf32>
          %max3A_145 = arith.constant 0.000000e+00 : f32
          %max3A_146 = vector.broadcast %max3A_145 : f32 to vector<1x16xf32>
          %max3A_147 = arith.maximumf %add3A_144, %max3A_146 : vector<1x16xf32>
          %swap3A_148 = arith.index_cast %add3A_104 : i32 to index
          %swap3A_149 = arith.constant 32 : index
          %swap3A_150 = tpu.vector_load %arg12[%swap3A_148, %swap3A_149] {strides = array<i32>} : memref<64x128xf32, #tpu.memory_space<vmem>>, vector<1x16xf32>,
          %swap3A_151 = vector.shape_cast %swap3A_150 : vector<1x16xf32> to vector<1x16xf32>
          %swap3A_152 = vector.shape_cast %max3A_147 : vector<1x16xf32> to vector<1x16xf32>
          tpu.vector_store %arg12[%swap3A_148, %swap3A_149], %swap3A_152 {strides = array<i32>} : memref<64x128xf32, #tpu.memory_space<vmem>>, vector<1x16xf32>,
          %get3A_153 = arith.index_cast %add3A_104 : i32 to index
          %get3A_154 = arith.constant 48 : index
          %get3A_155 = tpu.vector_load %arg12[%get3A_153, %get3A_154] {strides = array<i32>} : memref<64x128xf32, #tpu.memory_space<vmem>>, vector<1x16xf32>,
          %get3A_156 = vector.shape_cast %get3A_155 : vector<1x16xf32> to vector<1x16xf32>
          %get3A_157 = arith.index_cast %add3A_104 : i32 to index
          %get3A_158 = arith.constant 48 : index
          %get3A_159 = tpu.vector_load %arg14[%get3A_157, %get3A_158] {strides = array<i32>} : memref<64x128xf32, #tpu.memory_space<vmem>>, vector<1x16xf32>,
          %get3A_160 = vector.shape_cast %get3A_159 : vector<1x16xf32> to vector<1x16xf32>
          %add3A_161 = arith.addf %get3A_156, %get3A_160 : vector<1x16xf32>
          %max3A_162 = arith.constant 0.000000e+00 : f32
          %max3A_163 = vector.broadcast %max3A_162 : f32 to vector<1x16xf32>
          %max3A_164 = arith.maximumf %add3A_161, %max3A_163 : vector<1x16xf32>
          %swap3A_165 = arith.index_cast %add3A_104 : i32 to index
          %swap3A_166 = arith.constant 48 : index
          %swap3A_167 = tpu.vector_load %arg12[%swap3A_165, %swap3A_166] {strides = array<i32>} : memref<64x128xf32, #tpu.memory_space<vmem>>, vector<1x16xf32>,
          %swap3A_168 = vector.shape_cast %swap3A_167 : vector<1x16xf32> to vector<1x16xf32>
          %swap3A_169 = vector.shape_cast %max3A_164 : vector<1x16xf32> to vector<1x16xf32>
          tpu.vector_store %arg12[%swap3A_165, %swap3A_166], %swap3A_169 {strides = array<i32>} : memref<64x128xf32, #tpu.memory_space<vmem>>, vector<1x16xf32>,
          %get3A_170 = arith.index_cast %add3A_104 : i32 to index
          %get3A_171 = arith.constant 64 : index
          %get3A_172 = tpu.vector_load %arg12[%get3A_170, %get3A_171] {strides = array<i32>} : memref<64x128xf32, #tpu.memory_space<vmem>>, vector<1x16xf32>,
          %get3A_173 = vector.shape_cast %get3A_172 : vector<1x16xf32> to vector<1x16xf32>
          %get3A_174 = arith.index_cast %add3A_104 : i32 to index
          %get3A_175 = arith.constant 64 : index
          %get3A_176 = tpu.vector_load %arg14[%get3A_174, %get3A_175] {strides = array<i32>} : memref<64x128xf32, #tpu.memory_space<vmem>>, vector<1x16xf32>,
          %get3A_177 = vector.shape_cast %get3A_176 : vector<1x16xf32> to vector<1x16xf32>
          %add3A_178 = arith.addf %get3A_173, %get3A_177 : vector<1x16xf32>
          %max3A_179 = arith.constant 0.000000e+00 : f32
          %max3A_180 = vector.broadcast %max3A_179 : f32 to vector<1x16xf32>
          %max3A_181 = arith.maximumf %add3A_178, %max3A_180 : vector<1x16xf32>
          %swap3A_182 = arith.index_cast %add3A_104 : i32 to index
          %swap3A_183 = arith.constant 64 : index
          %swap3A_184 = tpu.vector_load %arg12[%swap3A_182, %swap3A_183] {strides = array<i32>} : memref<64x128xf32, #tpu.memory_space<vmem>>, vector<1x16xf32>,
          %swap3A_185 = vector.shape_cast %swap3A_184 : vector<1x16xf32> to vector<1x16xf32>
          %swap3A_186 = vector.shape_cast %max3A_181 : vector<1x16xf32> to vector<1x16xf32>
          tpu.vector_store %arg12[%swap3A_182, %swap3A_183], %swap3A_186 {strides = array<i32>} : memref<64x128xf32, #tpu.memory_space<vmem>>, vector<1x16xf32>,
          %get3A_187 = arith.index_cast %add3A_104 : i32 to index
          %get3A_188 = arith.constant 80 : index
          %get3A_189 = tpu.vector_load %arg12[%get3A_187, %get3A_188] {strides = array<i32>} : memref<64x128xf32, #tpu.memory_space<vmem>>, vector<1x16xf32>,
          %get3A_190 = vector.shape_cast %get3A_189 : vector<1x16xf32> to vector<1x16xf32>
          %get3A_191 = arith.index_cast %add3A_104 : i32 to index
          %get3A_192 = arith.constant 80 : index
          %get3A_193 = tpu.vector_load %arg14[%get3A_191, %get3A_192] {strides = array<i32>} : memref<64x128xf32, #tpu.memory_space<vmem>>, vector<1x16xf32>,
          %get3A_194 = vector.shape_cast %get3A_193 : vector<1x16xf32> to vector<1x16xf32>
          %add3A_195 = arith.addf %get3A_190, %get3A_194 : vector<1x16xf32>
          %max3A_196 = arith.constant 0.000000e+00 : f32
          %max3A_197 = vector.broadcast %max3A_196 : f32 to vector<1x16xf32>
          %max3A_198 = arith.maximumf %add3A_195, %max3A_197 : vector<1x16xf32>
          %swap3A_199 = arith.index_cast %add3A_104 : i32 to index
          %swap3A_200 = arith.constant 80 : index
          %swap3A_201 = tpu.vector_load %arg12[%swap3A_199, %swap3A_200] {strides = array<i32>} : memref<64x128xf32, #tpu.memory_space<vmem>>, vector<1x16xf32>,
          %swap3A_202 = vector.shape_cast %swap3A_201 : vector<1x16xf32> to vector<1x16xf32>
          %swap3A_203 = vector.shape_cast %max3A_198 : vector<1x16xf32> to vector<1x16xf32>
          tpu.vector_store %arg12[%swap3A_199, %swap3A_200], %swap3A_203 {strides = array<i32>} : memref<64x128xf32, #tpu.memory_space<vmem>>, vector<1x16xf32>,
          %get3A_204 = arith.index_cast %add3A_104 : i32 to index
          %get3A_205 = arith.constant 96 : index
          %get3A_206 = tpu.vector_load %arg12[%get3A_204, %get3A_205] {strides = array<i32>} : memref<64x128xf32, #tpu.memory_space<vmem>>, vector<1x16xf32>,
          %get3A_207 = vector.shape_cast %get3A_206 : vector<1x16xf32> to vector<1x16xf32>
          %get3A_208 = arith.index_cast %add3A_104 : i32 to index
          %get3A_209 = arith.constant 96 : index
          %get3A_210 = tpu.vector_load %arg14[%get3A_208, %get3A_209] {strides = array<i32>} : memref<64x128xf32, #tpu.memory_space<vmem>>, vector<1x16xf32>,
          %get3A_211 = vector.shape_cast %get3A_210 : vector<1x16xf32> to vector<1x16xf32>
          %add3A_212 = arith.addf %get3A_207, %get3A_211 : vector<1x16xf32>
          %max3A_213 = arith.constant 0.000000e+00 : f32
          %max3A_214 = vector.broadcast %max3A_213 : f32 to vector<1x16xf32>
          %max3A_215 = arith.maximumf %add3A_212, %max3A_214 : vector<1x16xf32>
          %swap3A_216 = arith.index_cast %add3A_104 : i32 to index
          %swap3A_217 = arith.constant 96 : index
          %swap3A_218 = tpu.vector_load %arg12[%swap3A_216, %swap3A_217] {strides = array<i32>} : memref<64x128xf32, #tpu.memory_space<vmem>>, vector<1x16xf32>,
          %swap3A_219 = vector.shape_cast %swap3A_218 : vector<1x16xf32> to vector<1x16xf32>
          %swap3A_220 = vector.shape_cast %max3A_215 : vector<1x16xf32> to vector<1x16xf32>
          tpu.vector_store %arg12[%swap3A_216, %swap3A_217], %swap3A_220 {strides = array<i32>} : memref<64x128xf32, #tpu.memory_space<vmem>>, vector<1x16xf32>,
          %get3A_221 = arith.index_cast %add3A_104 : i32 to index
          %get3A_222 = arith.constant 112 : index
          %get3A_223 = tpu.vector_load %arg12[%get3A_221, %get3A_222] {strides = array<i32>} : memref<64x128xf32, #tpu.memory_space<vmem>>, vector<1x16xf32>,
          %get3A_224 = vector.shape_cast %get3A_223 : vector<1x16xf32> to vector<1x16xf32>
          %get3A_225 = arith.index_cast %add3A_104 : i32 to index
          %get3A_226 = arith.constant 112 : index
          %get3A_227 = tpu.vector_load %arg14[%get3A_225, %get3A_226] {strides = array<i32>} : memref<64x128xf32, #tpu.memory_space<vmem>>, vector<1x16xf32>,
          %get3A_228 = vector.shape_cast %get3A_227 : vector<1x16xf32> to vector<1x16xf32>
          %add3A_229 = arith.addf %get3A_224, %get3A_228 : vector<1x16xf32>
          %max3A_230 = arith.constant 0.000000e+00 : f32
          %max3A_231 = vector.broadcast %max3A_230 : f32 to vector<1x16xf32>
          %max3A_232 = arith.maximumf %add3A_229, %max3A_231 : vector<1x16xf32>
          %swap3A_233 = arith.index_cast %add3A_104 : i32 to index
          %swap3A_234 = arith.constant 112 : index
          %swap3A_235 = tpu.vector_load %arg12[%swap3A_233, %swap3A_234] {strides = array<i32>} : memref<64x128xf32, #tpu.memory_space<vmem>>, vector<1x16xf32>,
          %swap3A_236 = vector.shape_cast %swap3A_235 : vector<1x16xf32> to vector<1x16xf32>
          %swap3A_237 = vector.shape_cast %max3A_232 : vector<1x16xf32> to vector<1x16xf32>
          tpu.vector_store %arg12[%swap3A_233, %swap3A_234], %swap3A_237 {strides = array<i32>} : memref<64x128xf32, #tpu.memory_space<vmem>>, vector<1x16xf32>,
        }
        %scan3A_76 = arith.constant 64 : i32
        "tpu.region"() ({
          %run_scoped3A = tpu.sem_alloc : memref<!tpu.dma_semaphore, #tpu.memory_space<semaphore_mem>>
          %dma_start3A_100 = arith.constant 0 : i32
          %dma_start3A_101 = tpu.memref_slice %arg10[%mul3A_44, %dma_start3A_100] : memref<16x64xi32, #tpu.memory_space<vmem>> -> memref<1x64xi32, #tpu.memory_space<vmem>>
          %dma_start3A_102 = tpu.memref_squeeze %dma_start3A_101 : memref<1x64xi32, #tpu.memory_space<vmem>> -> memref<64xi32, #tpu.memory_space<vmem>>
          %dma_start3A_103 = arith.constant 0 : i32
          %dma_start3A_104 = arith.constant 0 : i32
          %dma_start3A_105 = tpu.memref_slice %arg16[%dma_start3A_103, %dma_start3A_104] : memref<10112x128xf32, #tpu.memory_space<vmem_shared>> -> memref<10112x128xf32, #tpu.memory_space<vmem_shared>>
          tpu.enqueue_indirect_dma source(%arg12 : memref<64x128xf32, #tpu.memory_space<vmem>>) target(%dma_start3A_105 : memref<10112x128xf32, #tpu.memory_space<vmem_shared>>) offsets(%dma_start3A_102 : memref<64xi32, #tpu.memory_space<vmem>>) semaphore(%run_scoped3A : memref<!tpu.dma_semaphore, #tpu.memory_space<semaphore_mem>>) {add = true}
          %dma_wait3A_106 = arith.constant 0 : i32
          %dma_wait3A_107 = tpu.memref_slice %arg10[%mul3A_44, %dma_wait3A_106] : memref<16x64xi32, #tpu.memory_space<vmem>> -> memref<1x64xi32, #tpu.memory_space<vmem>>
          %dma_wait3A_108 = tpu.memref_squeeze %dma_wait3A_107 : memref<1x64xi32, #tpu.memory_space<vmem>> -> memref<64xi32, #tpu.memory_space<vmem>>
          %dma_wait3A_109 = arith.constant 0 : i32
          %dma_wait3A_110 = arith.constant 0 : i32
          %dma_wait3A_111 = tpu.memref_slice %arg16[%dma_wait3A_109, %dma_wait3A_110] : memref<10112x128xf32, #tpu.memory_space<vmem_shared>> -> memref<10112x128xf32, #tpu.memory_space<vmem_shared>>
          tpu.wait_indirect_dma semaphore(%run_scoped3A : memref<!tpu.dma_semaphore, #tpu.memory_space<semaphore_mem>>) src(%arg12 : memref<64x128xf32, #tpu.memory_space<vmem>>) dst(%dma_wait3A_111 : memref<10112x128xf32, #tpu.memory_space<vmem_shared>>)
          tpu.yield
        }) : () -> ()
        %dma_wait3A_77 = arith.constant 0 : i32
        %dma_wait3A_78 = arith.constant 0 : i32
        %dma_wait3A_79 = tpu.memref_slice %arg9[%dma_wait3A_77, %dma_wait3A_78] : memref<16x64xi32, #tpu.memory_space<vmem>> -> memref<1x64xi32, #tpu.memory_space<vmem>>
        %dma_wait3A_80 = tpu.memref_squeeze %dma_wait3A_79 : memref<1x64xi32, #tpu.memory_space<vmem>> -> memref<64xi32, #tpu.memory_space<vmem>>
        %dma_wait3A_81 = arith.constant 0 : i32
        %dma_wait3A_82 = arith.constant 0 : i32
        %dma_wait3A_83 = tpu.memref_slice %arg2[%dma_wait3A_81, %dma_wait3A_82] : memref<10000x128xf32, #tpu.memory_space<hbm>> -> memref<10000x128xf32, #tpu.memory_space<hbm>>
        tpu.wait_indirect_dma semaphore(%arg18 : memref<!tpu.dma_semaphore, #tpu.memory_space<semaphore_mem>>) src(%dma_wait3A_83 : memref<10000x128xf32, #tpu.memory_space<hbm>>) dst(%arg13 : memref<64x128xf32, #tpu.memory_space<vmem>>)
        %dma_wait3A_84 = arith.constant 0 : i32
        %dma_wait3A_85 = arith.constant 0 : i32
        %dma_wait3A_86 = tpu.memref_slice %arg11[%dma_wait3A_84, %dma_wait3A_85] : memref<16x64xi32, #tpu.memory_space<vmem>> -> memref<1x64xi32, #tpu.memory_space<vmem>>
        %dma_wait3A_87 = tpu.memref_squeeze %dma_wait3A_86 : memref<1x64xi32, #tpu.memory_space<vmem>> -> memref<64xi32, #tpu.memory_space<vmem>>
        %dma_wait3A_88 = arith.constant 0 : i32
        %dma_wait3A_89 = arith.constant 0 : i32
        %dma_wait3A_90 = tpu.memref_slice %arg3[%dma_wait3A_88, %dma_wait3A_89] : memref<216x128xf32, #tpu.memory_space<hbm>> -> memref<216x128xf32, #tpu.memory_space<hbm>>
        tpu.wait_indirect_dma semaphore(%arg20 : memref<!tpu.dma_semaphore, #tpu.memory_space<semaphore_mem>>) src(%dma_wait3A_90 : memref<216x128xf32, #tpu.memory_space<hbm>>) dst(%arg15 : memref<64x128xf32, #tpu.memory_space<vmem>>)
        %lt3A = arith.constant 7 : i32
        %lt3A_91 = arith.cmpi slt, %add3A_42, %lt3A : i32
        %convert_element_type3A = arith.extui %lt3A_91 : i1 to i32
        %cond3A = arith.constant 0 : i32
        %cond3A_92 = arith.cmpi ne, %convert_element_type3A, %cond3A : i32
        scf.if %cond3A_92 {
          %add3A_100 = arith.constant 2 : i32
          %add3A_101 = arith.addi %mul3A_44, %add3A_100 : i32
          %dma_start3A_102 = arith.constant 0 : i32
          %dma_start3A_103 = tpu.memref_slice %arg9[%add3A_101, %dma_start3A_102] : memref<16x64xi32, #tpu.memory_space<vmem>> -> memref<1x64xi32, #tpu.memory_space<vmem>>
          %dma_start3A_104 = tpu.memref_squeeze %dma_start3A_103 : memref<1x64xi32, #tpu.memory_space<vmem>> -> memref<64xi32, #tpu.memory_space<vmem>>
          %dma_start3A_105 = arith.constant 0 : i32
          %dma_start3A_106 = arith.constant 0 : i32
          %dma_start3A_107 = tpu.memref_slice %arg2[%dma_start3A_105, %dma_start3A_106] : memref<10000x128xf32, #tpu.memory_space<hbm>> -> memref<10000x128xf32, #tpu.memory_space<hbm>>
          tpu.enqueue_indirect_dma source(%dma_start3A_107 : memref<10000x128xf32, #tpu.memory_space<hbm>>) target(%arg12 : memref<64x128xf32, #tpu.memory_space<vmem>>) offsets(%dma_start3A_104 : memref<64xi32, #tpu.memory_space<vmem>>) semaphore(%arg17 : memref<!tpu.dma_semaphore, #tpu.memory_space<semaphore_mem>>)
          %dma_start3A_108 = arith.constant 0 : i32
          %dma_start3A_109 = tpu.memref_slice %arg11[%add3A_101, %dma_start3A_108] : memref<16x64xi32, #tpu.memory_space<vmem>> -> memref<1x64xi32, #tpu.memory_space<vmem>>
          %dma_start3A_110 = tpu.memref_squeeze %dma_start3A_109 : memref<1x64xi32, #tpu.memory_space<vmem>> -> memref<64xi32, #tpu.memory_space<vmem>>
          %dma_start3A_111 = arith.constant 0 : i32
          %dma_start3A_112 = arith.constant 0 : i32
          %dma_start3A_113 = tpu.memref_slice %arg3[%dma_start3A_111, %dma_start3A_112] : memref<216x128xf32, #tpu.memory_space<hbm>> -> memref<216x128xf32, #tpu.memory_space<hbm>>
          tpu.enqueue_indirect_dma source(%dma_start3A_113 : memref<216x128xf32, #tpu.memory_space<hbm>>) target(%arg14 : memref<64x128xf32, #tpu.memory_space<vmem>>) offsets(%dma_start3A_110 : memref<64xi32, #tpu.memory_space<vmem>>) semaphore(%arg19 : memref<!tpu.dma_semaphore, #tpu.memory_space<semaphore_mem>>)
        } else {
        }
        %scan3A_93 = arith.constant 0 : i32
        %scan3A_94 = arith.constant 64 : i32
        %scan3A_95 = arith.addi %scan3A_93, %scan3A_94 : i32
        %scan3A_96 = arith.constant 1 : i32
        scf.for %scan3A_100 = %scan3A_93 to %scan3A_95 step %scan3A_96  : i32 {
          %mul3A_101 = arith.constant 1 : i32
          %mul3A_102 = arith.muli %scan3A_100, %mul3A_101 : i32
          %add3A_103 = arith.constant 0 : i32
          %add3A_104 = arith.addi %add3A_103, %mul3A_102 : i32
          %get3A = arith.index_cast %add3A_104 : i32 to index
          %get3A_105 = arith.constant 0 : index
          %get3A_106 = tpu.vector_load %arg13[%get3A, %get3A_105] {strides = array<i32>} : memref<64x128xf32, #tpu.memory_space<vmem>>, vector<1x16xf32>,
          %get3A_107 = vector.shape_cast %get3A_106 : vector<1x16xf32> to vector<1x16xf32>
          %get3A_108 = arith.index_cast %add3A_104 : i32 to index
          %get3A_109 = arith.constant 0 : index
          %get3A_110 = tpu.vector_load %arg15[%get3A_108, %get3A_109] {strides = array<i32>} : memref<64x128xf32, #tpu.memory_space<vmem>>, vector<1x16xf32>,
          %get3A_111 = vector.shape_cast %get3A_110 : vector<1x16xf32> to vector<1x16xf32>
          %add3A_112 = arith.addf %get3A_107, %get3A_111 : vector<1x16xf32>
          %max3A = arith.constant 0.000000e+00 : f32
          %max3A_113 = vector.broadcast %max3A : f32 to vector<1x16xf32>
          %max3A_114 = arith.maximumf %add3A_112, %max3A_113 : vector<1x16xf32>
          %swap3A = arith.index_cast %add3A_104 : i32 to index
          %swap3A_115 = arith.constant 0 : index
          %swap3A_116 = tpu.vector_load %arg13[%swap3A, %swap3A_115] {strides = array<i32>} : memref<64x128xf32, #tpu.memory_space<vmem>>, vector<1x16xf32>,
          %swap3A_117 = vector.shape_cast %swap3A_116 : vector<1x16xf32> to vector<1x16xf32>
          %swap3A_118 = vector.shape_cast %max3A_114 : vector<1x16xf32> to vector<1x16xf32>
          tpu.vector_store %arg13[%swap3A, %swap3A_115], %swap3A_118 {strides = array<i32>} : memref<64x128xf32, #tpu.memory_space<vmem>>, vector<1x16xf32>,
          %get3A_119 = arith.index_cast %add3A_104 : i32 to index
          %get3A_120 = arith.constant 16 : index
          %get3A_121 = tpu.vector_load %arg13[%get3A_119, %get3A_120] {strides = array<i32>} : memref<64x128xf32, #tpu.memory_space<vmem>>, vector<1x16xf32>,
          %get3A_122 = vector.shape_cast %get3A_121 : vector<1x16xf32> to vector<1x16xf32>
          %get3A_123 = arith.index_cast %add3A_104 : i32 to index
          %get3A_124 = arith.constant 16 : index
          %get3A_125 = tpu.vector_load %arg15[%get3A_123, %get3A_124] {strides = array<i32>} : memref<64x128xf32, #tpu.memory_space<vmem>>, vector<1x16xf32>,
          %get3A_126 = vector.shape_cast %get3A_125 : vector<1x16xf32> to vector<1x16xf32>
          %add3A_127 = arith.addf %get3A_122, %get3A_126 : vector<1x16xf32>
          %max3A_128 = arith.constant 0.000000e+00 : f32
          %max3A_129 = vector.broadcast %max3A_128 : f32 to vector<1x16xf32>
          %max3A_130 = arith.maximumf %add3A_127, %max3A_129 : vector<1x16xf32>
          %swap3A_131 = arith.index_cast %add3A_104 : i32 to index
          %swap3A_132 = arith.constant 16 : index
          %swap3A_133 = tpu.vector_load %arg13[%swap3A_131, %swap3A_132] {strides = array<i32>} : memref<64x128xf32, #tpu.memory_space<vmem>>, vector<1x16xf32>,
          %swap3A_134 = vector.shape_cast %swap3A_133 : vector<1x16xf32> to vector<1x16xf32>
          %swap3A_135 = vector.shape_cast %max3A_130 : vector<1x16xf32> to vector<1x16xf32>
          tpu.vector_store %arg13[%swap3A_131, %swap3A_132], %swap3A_135 {strides = array<i32>} : memref<64x128xf32, #tpu.memory_space<vmem>>, vector<1x16xf32>,
          %get3A_136 = arith.index_cast %add3A_104 : i32 to index
          %get3A_137 = arith.constant 32 : index
          %get3A_138 = tpu.vector_load %arg13[%get3A_136, %get3A_137] {strides = array<i32>} : memref<64x128xf32, #tpu.memory_space<vmem>>, vector<1x16xf32>,
          %get3A_139 = vector.shape_cast %get3A_138 : vector<1x16xf32> to vector<1x16xf32>
          %get3A_140 = arith.index_cast %add3A_104 : i32 to index
          %get3A_141 = arith.constant 32 : index
          %get3A_142 = tpu.vector_load %arg15[%get3A_140, %get3A_141] {strides = array<i32>} : memref<64x128xf32, #tpu.memory_space<vmem>>, vector<1x16xf32>,
          %get3A_143 = vector.shape_cast %get3A_142 : vector<1x16xf32> to vector<1x16xf32>
          %add3A_144 = arith.addf %get3A_139, %get3A_143 : vector<1x16xf32>
          %max3A_145 = arith.constant 0.000000e+00 : f32
          %max3A_146 = vector.broadcast %max3A_145 : f32 to vector<1x16xf32>
          %max3A_147 = arith.maximumf %add3A_144, %max3A_146 : vector<1x16xf32>
          %swap3A_148 = arith.index_cast %add3A_104 : i32 to index
          %swap3A_149 = arith.constant 32 : index
          %swap3A_150 = tpu.vector_load %arg13[%swap3A_148, %swap3A_149] {strides = array<i32>} : memref<64x128xf32, #tpu.memory_space<vmem>>, vector<1x16xf32>,
          %swap3A_151 = vector.shape_cast %swap3A_150 : vector<1x16xf32> to vector<1x16xf32>
          %swap3A_152 = vector.shape_cast %max3A_147 : vector<1x16xf32> to vector<1x16xf32>
          tpu.vector_store %arg13[%swap3A_148, %swap3A_149], %swap3A_152 {strides = array<i32>} : memref<64x128xf32, #tpu.memory_space<vmem>>, vector<1x16xf32>,
          %get3A_153 = arith.index_cast %add3A_104 : i32 to index
          %get3A_154 = arith.constant 48 : index
          %get3A_155 = tpu.vector_load %arg13[%get3A_153, %get3A_154] {strides = array<i32>} : memref<64x128xf32, #tpu.memory_space<vmem>>, vector<1x16xf32>,
          %get3A_156 = vector.shape_cast %get3A_155 : vector<1x16xf32> to vector<1x16xf32>
          %get3A_157 = arith.index_cast %add3A_104 : i32 to index
          %get3A_158 = arith.constant 48 : index
          %get3A_159 = tpu.vector_load %arg15[%get3A_157, %get3A_158] {strides = array<i32>} : memref<64x128xf32, #tpu.memory_space<vmem>>, vector<1x16xf32>,
          %get3A_160 = vector.shape_cast %get3A_159 : vector<1x16xf32> to vector<1x16xf32>
          %add3A_161 = arith.addf %get3A_156, %get3A_160 : vector<1x16xf32>
          %max3A_162 = arith.constant 0.000000e+00 : f32
          %max3A_163 = vector.broadcast %max3A_162 : f32 to vector<1x16xf32>
          %max3A_164 = arith.maximumf %add3A_161, %max3A_163 : vector<1x16xf32>
          %swap3A_165 = arith.index_cast %add3A_104 : i32 to index
          %swap3A_166 = arith.constant 48 : index
          %swap3A_167 = tpu.vector_load %arg13[%swap3A_165, %swap3A_166] {strides = array<i32>} : memref<64x128xf32, #tpu.memory_space<vmem>>, vector<1x16xf32>,
          %swap3A_168 = vector.shape_cast %swap3A_167 : vector<1x16xf32> to vector<1x16xf32>
          %swap3A_169 = vector.shape_cast %max3A_164 : vector<1x16xf32> to vector<1x16xf32>
          tpu.vector_store %arg13[%swap3A_165, %swap3A_166], %swap3A_169 {strides = array<i32>} : memref<64x128xf32, #tpu.memory_space<vmem>>, vector<1x16xf32>,
          %get3A_170 = arith.index_cast %add3A_104 : i32 to index
          %get3A_171 = arith.constant 64 : index
          %get3A_172 = tpu.vector_load %arg13[%get3A_170, %get3A_171] {strides = array<i32>} : memref<64x128xf32, #tpu.memory_space<vmem>>, vector<1x16xf32>,
          %get3A_173 = vector.shape_cast %get3A_172 : vector<1x16xf32> to vector<1x16xf32>
          %get3A_174 = arith.index_cast %add3A_104 : i32 to index
          %get3A_175 = arith.constant 64 : index
          %get3A_176 = tpu.vector_load %arg15[%get3A_174, %get3A_175] {strides = array<i32>} : memref<64x128xf32, #tpu.memory_space<vmem>>, vector<1x16xf32>,
          %get3A_177 = vector.shape_cast %get3A_176 : vector<1x16xf32> to vector<1x16xf32>
          %add3A_178 = arith.addf %get3A_173, %get3A_177 : vector<1x16xf32>
          %max3A_179 = arith.constant 0.000000e+00 : f32
          %max3A_180 = vector.broadcast %max3A_179 : f32 to vector<1x16xf32>
          %max3A_181 = arith.maximumf %add3A_178, %max3A_180 : vector<1x16xf32>
          %swap3A_182 = arith.index_cast %add3A_104 : i32 to index
          %swap3A_183 = arith.constant 64 : index
          %swap3A_184 = tpu.vector_load %arg13[%swap3A_182, %swap3A_183] {strides = array<i32>} : memref<64x128xf32, #tpu.memory_space<vmem>>, vector<1x16xf32>,
          %swap3A_185 = vector.shape_cast %swap3A_184 : vector<1x16xf32> to vector<1x16xf32>
          %swap3A_186 = vector.shape_cast %max3A_181 : vector<1x16xf32> to vector<1x16xf32>
          tpu.vector_store %arg13[%swap3A_182, %swap3A_183], %swap3A_186 {strides = array<i32>} : memref<64x128xf32, #tpu.memory_space<vmem>>, vector<1x16xf32>,
          %get3A_187 = arith.index_cast %add3A_104 : i32 to index
          %get3A_188 = arith.constant 80 : index
          %get3A_189 = tpu.vector_load %arg13[%get3A_187, %get3A_188] {strides = array<i32>} : memref<64x128xf32, #tpu.memory_space<vmem>>, vector<1x16xf32>,
          %get3A_190 = vector.shape_cast %get3A_189 : vector<1x16xf32> to vector<1x16xf32>
          %get3A_191 = arith.index_cast %add3A_104 : i32 to index
          %get3A_192 = arith.constant 80 : index
          %get3A_193 = tpu.vector_load %arg15[%get3A_191, %get3A_192] {strides = array<i32>} : memref<64x128xf32, #tpu.memory_space<vmem>>, vector<1x16xf32>,
          %get3A_194 = vector.shape_cast %get3A_193 : vector<1x16xf32> to vector<1x16xf32>
          %add3A_195 = arith.addf %get3A_190, %get3A_194 : vector<1x16xf32>
          %max3A_196 = arith.constant 0.000000e+00 : f32
          %max3A_197 = vector.broadcast %max3A_196 : f32 to vector<1x16xf32>
          %max3A_198 = arith.maximumf %add3A_195, %max3A_197 : vector<1x16xf32>
          %swap3A_199 = arith.index_cast %add3A_104 : i32 to index
          %swap3A_200 = arith.constant 80 : index
          %swap3A_201 = tpu.vector_load %arg13[%swap3A_199, %swap3A_200] {strides = array<i32>} : memref<64x128xf32, #tpu.memory_space<vmem>>, vector<1x16xf32>,
          %swap3A_202 = vector.shape_cast %swap3A_201 : vector<1x16xf32> to vector<1x16xf32>
          %swap3A_203 = vector.shape_cast %max3A_198 : vector<1x16xf32> to vector<1x16xf32>
          tpu.vector_store %arg13[%swap3A_199, %swap3A_200], %swap3A_203 {strides = array<i32>} : memref<64x128xf32, #tpu.memory_space<vmem>>, vector<1x16xf32>,
          %get3A_204 = arith.index_cast %add3A_104 : i32 to index
          %get3A_205 = arith.constant 96 : index
          %get3A_206 = tpu.vector_load %arg13[%get3A_204, %get3A_205] {strides = array<i32>} : memref<64x128xf32, #tpu.memory_space<vmem>>, vector<1x16xf32>,
          %get3A_207 = vector.shape_cast %get3A_206 : vector<1x16xf32> to vector<1x16xf32>
          %get3A_208 = arith.index_cast %add3A_104 : i32 to index
          %get3A_209 = arith.constant 96 : index
          %get3A_210 = tpu.vector_load %arg15[%get3A_208, %get3A_209] {strides = array<i32>} : memref<64x128xf32, #tpu.memory_space<vmem>>, vector<1x16xf32>,
          %get3A_211 = vector.shape_cast %get3A_210 : vector<1x16xf32> to vector<1x16xf32>
          %add3A_212 = arith.addf %get3A_207, %get3A_211 : vector<1x16xf32>
          %max3A_213 = arith.constant 0.000000e+00 : f32
          %max3A_214 = vector.broadcast %max3A_213 : f32 to vector<1x16xf32>
          %max3A_215 = arith.maximumf %add3A_212, %max3A_214 : vector<1x16xf32>
          %swap3A_216 = arith.index_cast %add3A_104 : i32 to index
          %swap3A_217 = arith.constant 96 : index
          %swap3A_218 = tpu.vector_load %arg13[%swap3A_216, %swap3A_217] {strides = array<i32>} : memref<64x128xf32, #tpu.memory_space<vmem>>, vector<1x16xf32>,
          %swap3A_219 = vector.shape_cast %swap3A_218 : vector<1x16xf32> to vector<1x16xf32>
          %swap3A_220 = vector.shape_cast %max3A_215 : vector<1x16xf32> to vector<1x16xf32>
          tpu.vector_store %arg13[%swap3A_216, %swap3A_217], %swap3A_220 {strides = array<i32>} : memref<64x128xf32, #tpu.memory_space<vmem>>, vector<1x16xf32>,
          %get3A_221 = arith.index_cast %add3A_104 : i32 to index
          %get3A_222 = arith.constant 112 : index
          %get3A_223 = tpu.vector_load %arg13[%get3A_221, %get3A_222] {strides = array<i32>} : memref<64x128xf32, #tpu.memory_space<vmem>>, vector<1x16xf32>,
          %get3A_224 = vector.shape_cast %get3A_223 : vector<1x16xf32> to vector<1x16xf32>
          %get3A_225 = arith.index_cast %add3A_104 : i32 to index
          %get3A_226 = arith.constant 112 : index
          %get3A_227 = tpu.vector_load %arg15[%get3A_225, %get3A_226] {strides = array<i32>} : memref<64x128xf32, #tpu.memory_space<vmem>>, vector<1x16xf32>,
          %get3A_228 = vector.shape_cast %get3A_227 : vector<1x16xf32> to vector<1x16xf32>
          %add3A_229 = arith.addf %get3A_224, %get3A_228 : vector<1x16xf32>
          %max3A_230 = arith.constant 0.000000e+00 : f32
          %max3A_231 = vector.broadcast %max3A_230 : f32 to vector<1x16xf32>
          %max3A_232 = arith.maximumf %add3A_229, %max3A_231 : vector<1x16xf32>
          %swap3A_233 = arith.index_cast %add3A_104 : i32 to index
          %swap3A_234 = arith.constant 112 : index
          %swap3A_235 = tpu.vector_load %arg13[%swap3A_233, %swap3A_234] {strides = array<i32>} : memref<64x128xf32, #tpu.memory_space<vmem>>, vector<1x16xf32>,
          %swap3A_236 = vector.shape_cast %swap3A_235 : vector<1x16xf32> to vector<1x16xf32>
          %swap3A_237 = vector.shape_cast %max3A_232 : vector<1x16xf32> to vector<1x16xf32>
          tpu.vector_store %arg13[%swap3A_233, %swap3A_234], %swap3A_237 {strides = array<i32>} : memref<64x128xf32, #tpu.memory_space<vmem>>, vector<1x16xf32>,
        }
        %scan3A_97 = arith.constant 64 : i32
        %add3A_98 = arith.constant 1 : i32
        %add3A_99 = arith.addi %mul3A_44, %add3A_98 : i32
        "tpu.region"() ({
          %run_scoped3A = tpu.sem_alloc : memref<!tpu.dma_semaphore, #tpu.memory_space<semaphore_mem>>
          %dma_start3A_100 = arith.constant 0 : i32
          %dma_start3A_101 = tpu.memref_slice %arg10[%add3A_99, %dma_start3A_100] : memref<16x64xi32, #tpu.memory_space<vmem>> -> memref<1x64xi32, #tpu.memory_space<vmem>>
          %dma_start3A_102 = tpu.memref_squeeze %dma_start3A_101 : memref<1x64xi32, #tpu.memory_space<vmem>> -> memref<64xi32, #tpu.memory_space<vmem>>
          %dma_start3A_103 = arith.constant 0 : i32
          %dma_start3A_104 = arith.constant 0 : i32
          %dma_start3A_105 = tpu.memref_slice %arg16[%dma_start3A_103, %dma_start3A_104] : memref<10112x128xf32, #tpu.memory_space<vmem_shared>> -> memref<10112x128xf32, #tpu.memory_space<vmem_shared>>
          tpu.enqueue_indirect_dma source(%arg13 : memref<64x128xf32, #tpu.memory_space<vmem>>) target(%dma_start3A_105 : memref<10112x128xf32, #tpu.memory_space<vmem_shared>>) offsets(%dma_start3A_102 : memref<64xi32, #tpu.memory_space<vmem>>) semaphore(%run_scoped3A : memref<!tpu.dma_semaphore, #tpu.memory_space<semaphore_mem>>) {add = true}
          %dma_wait3A_106 = arith.constant 0 : i32
          %dma_wait3A_107 = tpu.memref_slice %arg10[%add3A_99, %dma_wait3A_106] : memref<16x64xi32, #tpu.memory_space<vmem>> -> memref<1x64xi32, #tpu.memory_space<vmem>>
          %dma_wait3A_108 = tpu.memref_squeeze %dma_wait3A_107 : memref<1x64xi32, #tpu.memory_space<vmem>> -> memref<64xi32, #tpu.memory_space<vmem>>
          %dma_wait3A_109 = arith.constant 0 : i32
          %dma_wait3A_110 = arith.constant 0 : i32
          %dma_wait3A_111 = tpu.memref_slice %arg16[%dma_wait3A_109, %dma_wait3A_110] : memref<10112x128xf32, #tpu.memory_space<vmem_shared>> -> memref<10112x128xf32, #tpu.memory_space<vmem_shared>>
          tpu.wait_indirect_dma semaphore(%run_scoped3A : memref<!tpu.dma_semaphore, #tpu.memory_space<semaphore_mem>>) src(%arg13 : memref<64x128xf32, #tpu.memory_space<vmem>>) dst(%dma_wait3A_111 : memref<10112x128xf32, #tpu.memory_space<vmem_shared>>)
          tpu.yield
        }) : () -> ()
      }
      %scan3A_37 = arith.constant 8 : i32
    }
    %scan3A_4 = arith.constant 10 : i32
    %barrier3A_5 = arith.constant 0 : index
    tpu.barrier barrier_id(%barrier3A_5)
    %mul3A_6 = arith.constant 632 : i32
    %mul3A_7 = arith.muli %arg1, %mul3A_6 : i32
    %mul3A_8 = arith.constant 632 : i32
    %mul3A_9 = arith.muli %arg1, %mul3A_8 : i32
    "tpu.region"() ({
      %run_scoped3A = tpu.sem_alloc : memref<!tpu.dma_semaphore, #tpu.memory_space<semaphore_mem>>
      %dma_start3A = arith.constant 0 : i32
      %dma_start3A_10 = tpu.memref_slice %arg8[%arg0, %mul3A_9, %dma_start3A] : memref<2x10112x128xf32, #tpu.memory_space<hbm>> -> memref<1x632x128xf32, #tpu.memory_space<hbm>>
      %dma_start3A_11 = tpu.memref_squeeze %dma_start3A_10 : memref<1x632x128xf32, #tpu.memory_space<hbm>> -> memref<632x128xf32, #tpu.memory_space<hbm>>
      %dma_start3A_12 = arith.constant 0 : i32
      %dma_start3A_13 = tpu.memref_slice %arg16[%mul3A_7, %dma_start3A_12] : memref<10112x128xf32, #tpu.memory_space<vmem_shared>> -> memref<632x128xf32, #tpu.memory_space<vmem_shared>>
      tpu.enqueue_dma source(%dma_start3A_13 : memref<632x128xf32, #tpu.memory_space<vmem_shared>>) target(%dma_start3A_11 : memref<632x128xf32, #tpu.memory_space<hbm>>) target_semaphore(%run_scoped3A : memref<!tpu.dma_semaphore, #tpu.memory_space<semaphore_mem>>)
      %dma_wait3A = arith.constant 0 : i32
      %dma_wait3A_14 = tpu.memref_slice %arg8[%arg0, %mul3A_9, %dma_wait3A] : memref<2x10112x128xf32, #tpu.memory_space<hbm>> -> memref<1x632x128xf32, #tpu.memory_space<hbm>>
      %dma_wait3A_15 = tpu.memref_squeeze %dma_wait3A_14 : memref<1x632x128xf32, #tpu.memory_space<hbm>> -> memref<632x128xf32, #tpu.memory_space<hbm>>
      %dma_wait3A_16 = arith.constant 0 : i32
      %dma_wait3A_17 = tpu.memref_slice %arg16[%mul3A_7, %dma_wait3A_16] : memref<10112x128xf32, #tpu.memory_space<vmem_shared>> -> memref<632x128xf32, #tpu.memory_space<vmem_shared>>
      tpu.wait_dma2 semaphore(%run_scoped3A : memref<!tpu.dma_semaphore, #tpu.memory_space<semaphore_mem>>) src(%dma_wait3A_17 : memref<632x128xf32, #tpu.memory_space<vmem_shared>>) dst(%dma_wait3A_15 : memref<632x128xf32, #tpu.memory_space<hbm>>)
      tpu.yield
    }) : () -> ()
    return
  }
}

#map = affine_map<(d0, d1) -> (0, 0)>
#map1 = affine_map<(d0, d1) -> (0, 0, 0, 0)>
#map2 = affine_map<(d0, d1) -> (0, 0, 0)>
module attributes {stable_mosaic.version = 14 : i64} {
  func.func @k(%arg0: i32, %arg1: i32, %arg2: memref<1072x128xf32, #tpu.memory_space<hbm>>, %arg3: memref<2x16x24x128xi32, #tpu.memory_space<hbm>>, %arg4: memref<2x16x24x128xi32, #tpu.memory_space<hbm>>, %arg5: memref<632x128xf32, #tpu.memory_space<hbm>>, %arg6: memref<2x5120x128xf32, #tpu.memory_space<hbm>>, %arg7: memref<24x128xi32, #tpu.memory_space<vmem>>, %arg8: memref<24x128xi32, #tpu.memory_space<vmem>>, %arg9: memref<128x128xf32, #tpu.memory_space<vmem>>, %arg10: memref<128x128xf32, #tpu.memory_space<vmem>>, %arg11: memref<5120x128xf32, #tpu.memory_space<vmem_shared>>, %arg12: memref<!tpu.dma_semaphore, #tpu.memory_space<semaphore_mem>>, %arg13: memref<!tpu.dma_semaphore, #tpu.memory_space<semaphore_mem>>) attributes {dimension_semantics = [#tpu.dimension_semantics<core_parallel>, #tpu.dimension_semantics<subcore_parallel>], iteration_bounds = array<i64: 2, 16>, scalar_prefetch = 0 : i64, scratch_operands = 7 : i64, tpu.core_type = #tpu.core_type<sc_vector_subcore>, window_params = [{transform_indices = #map}, {transform_indices = #map1}, {transform_indices = #map1}, {transform_indices = #map}, {transform_indices = #map2}]} {
    %mul3A = arith.constant 320 : i32
    %mul3A_0 = arith.muli %arg1, %mul3A : i32
    "tpu.region"() ({
      %run_scoped3A = tpu.sem_alloc : memref<!tpu.dma_semaphore, #tpu.memory_space<semaphore_mem>>
      %dma_start3A_16 = arith.constant 0 : i32
      %dma_start3A_17 = tpu.memref_slice %arg11[%mul3A_0, %dma_start3A_16] : memref<5120x128xf32, #tpu.memory_space<vmem_shared>> -> memref<320x128xf32, #tpu.memory_space<vmem_shared>>
      %dma_start3A_18 = arith.constant 0 : i32
      %dma_start3A_19 = arith.constant 0 : i32
      %dma_start3A_20 = tpu.memref_slice %arg5[%dma_start3A_18, %dma_start3A_19] : memref<632x128xf32, #tpu.memory_space<hbm>> -> memref<320x128xf32, #tpu.memory_space<hbm>>
      tpu.enqueue_dma source(%dma_start3A_20 : memref<320x128xf32, #tpu.memory_space<hbm>>) target(%dma_start3A_17 : memref<320x128xf32, #tpu.memory_space<vmem_shared>>) target_semaphore(%run_scoped3A : memref<!tpu.dma_semaphore, #tpu.memory_space<semaphore_mem>>)
      %dma_wait3A = arith.constant 0 : i32
      %dma_wait3A_21 = tpu.memref_slice %arg11[%mul3A_0, %dma_wait3A] : memref<5120x128xf32, #tpu.memory_space<vmem_shared>> -> memref<320x128xf32, #tpu.memory_space<vmem_shared>>
      %dma_wait3A_22 = arith.constant 0 : i32
      %dma_wait3A_23 = arith.constant 0 : i32
      %dma_wait3A_24 = tpu.memref_slice %arg5[%dma_wait3A_22, %dma_wait3A_23] : memref<632x128xf32, #tpu.memory_space<hbm>> -> memref<320x128xf32, #tpu.memory_space<hbm>>
      tpu.wait_dma2 semaphore(%run_scoped3A : memref<!tpu.dma_semaphore, #tpu.memory_space<semaphore_mem>>) src(%dma_wait3A_24 : memref<320x128xf32, #tpu.memory_space<hbm>>) dst(%dma_wait3A_21 : memref<320x128xf32, #tpu.memory_space<vmem_shared>>)
      tpu.yield
    }) : () -> ()
    "tpu.region"() ({
      %run_scoped3A = tpu.sem_alloc : memref<!tpu.dma_semaphore, #tpu.memory_space<semaphore_mem>>
      %dma_start3A_16 = arith.constant 0 : i32
      %dma_start3A_17 = arith.constant 0 : i32
      %dma_start3A_18 = tpu.memref_slice %arg3[%arg0, %arg1, %dma_start3A_16, %dma_start3A_17] : memref<2x16x24x128xi32, #tpu.memory_space<hbm>> -> memref<1x1x24x128xi32, #tpu.memory_space<hbm>>
      %dma_start3A_19 = tpu.memref_squeeze %dma_start3A_18 : memref<1x1x24x128xi32, #tpu.memory_space<hbm>> -> memref<24x128xi32, #tpu.memory_space<hbm>>
      %dma_start3A_20 = arith.constant 0 : i32
      %dma_start3A_21 = arith.constant 0 : i32
      %dma_start3A_22 = tpu.memref_slice %arg3[%arg0, %arg1, %dma_start3A_20, %dma_start3A_21] : memref<2x16x24x128xi32, #tpu.memory_space<hbm>> -> memref<1x1x24x128xi32, #tpu.memory_space<hbm>>
      %dma_start3A_23 = tpu.memref_squeeze %dma_start3A_22 : memref<1x1x24x128xi32, #tpu.memory_space<hbm>> -> memref<24x128xi32, #tpu.memory_space<hbm>>
      tpu.enqueue_dma source(%dma_start3A_23 : memref<24x128xi32, #tpu.memory_space<hbm>>) target(%arg7 : memref<24x128xi32, #tpu.memory_space<vmem>>) target_semaphore(%run_scoped3A : memref<!tpu.dma_semaphore, #tpu.memory_space<semaphore_mem>>)
      %dma_wait3A = arith.constant 0 : i32
      %dma_wait3A_24 = arith.constant 0 : i32
      %dma_wait3A_25 = tpu.memref_slice %arg3[%arg0, %arg1, %dma_wait3A, %dma_wait3A_24] : memref<2x16x24x128xi32, #tpu.memory_space<hbm>> -> memref<1x1x24x128xi32, #tpu.memory_space<hbm>>
      %dma_wait3A_26 = tpu.memref_squeeze %dma_wait3A_25 : memref<1x1x24x128xi32, #tpu.memory_space<hbm>> -> memref<24x128xi32, #tpu.memory_space<hbm>>
      %dma_wait3A_27 = arith.constant 0 : i32
      %dma_wait3A_28 = arith.constant 0 : i32
      %dma_wait3A_29 = tpu.memref_slice %arg3[%arg0, %arg1, %dma_wait3A_27, %dma_wait3A_28] : memref<2x16x24x128xi32, #tpu.memory_space<hbm>> -> memref<1x1x24x128xi32, #tpu.memory_space<hbm>>
      %dma_wait3A_30 = tpu.memref_squeeze %dma_wait3A_29 : memref<1x1x24x128xi32, #tpu.memory_space<hbm>> -> memref<24x128xi32, #tpu.memory_space<hbm>>
      tpu.wait_dma2 semaphore(%run_scoped3A : memref<!tpu.dma_semaphore, #tpu.memory_space<semaphore_mem>>) src(%dma_wait3A_30 : memref<24x128xi32, #tpu.memory_space<hbm>>) dst(%arg7 : memref<24x128xi32, #tpu.memory_space<vmem>>)
      tpu.yield
    }) : () -> ()
    "tpu.region"() ({
      %run_scoped3A = tpu.sem_alloc : memref<!tpu.dma_semaphore, #tpu.memory_space<semaphore_mem>>
      %dma_start3A_16 = arith.constant 0 : i32
      %dma_start3A_17 = arith.constant 0 : i32
      %dma_start3A_18 = tpu.memref_slice %arg4[%arg0, %arg1, %dma_start3A_16, %dma_start3A_17] : memref<2x16x24x128xi32, #tpu.memory_space<hbm>> -> memref<1x1x24x128xi32, #tpu.memory_space<hbm>>
      %dma_start3A_19 = tpu.memref_squeeze %dma_start3A_18 : memref<1x1x24x128xi32, #tpu.memory_space<hbm>> -> memref<24x128xi32, #tpu.memory_space<hbm>>
      %dma_start3A_20 = arith.constant 0 : i32
      %dma_start3A_21 = arith.constant 0 : i32
      %dma_start3A_22 = tpu.memref_slice %arg4[%arg0, %arg1, %dma_start3A_20, %dma_start3A_21] : memref<2x16x24x128xi32, #tpu.memory_space<hbm>> -> memref<1x1x24x128xi32, #tpu.memory_space<hbm>>
      %dma_start3A_23 = tpu.memref_squeeze %dma_start3A_22 : memref<1x1x24x128xi32, #tpu.memory_space<hbm>> -> memref<24x128xi32, #tpu.memory_space<hbm>>
      tpu.enqueue_dma source(%dma_start3A_23 : memref<24x128xi32, #tpu.memory_space<hbm>>) target(%arg8 : memref<24x128xi32, #tpu.memory_space<vmem>>) target_semaphore(%run_scoped3A : memref<!tpu.dma_semaphore, #tpu.memory_space<semaphore_mem>>)
      %dma_wait3A = arith.constant 0 : i32
      %dma_wait3A_24 = arith.constant 0 : i32
      %dma_wait3A_25 = tpu.memref_slice %arg4[%arg0, %arg1, %dma_wait3A, %dma_wait3A_24] : memref<2x16x24x128xi32, #tpu.memory_space<hbm>> -> memref<1x1x24x128xi32, #tpu.memory_space<hbm>>
      %dma_wait3A_26 = tpu.memref_squeeze %dma_wait3A_25 : memref<1x1x24x128xi32, #tpu.memory_space<hbm>> -> memref<24x128xi32, #tpu.memory_space<hbm>>
      %dma_wait3A_27 = arith.constant 0 : i32
      %dma_wait3A_28 = arith.constant 0 : i32
      %dma_wait3A_29 = tpu.memref_slice %arg4[%arg0, %arg1, %dma_wait3A_27, %dma_wait3A_28] : memref<2x16x24x128xi32, #tpu.memory_space<hbm>> -> memref<1x1x24x128xi32, #tpu.memory_space<hbm>>
      %dma_wait3A_30 = tpu.memref_squeeze %dma_wait3A_29 : memref<1x1x24x128xi32, #tpu.memory_space<hbm>> -> memref<24x128xi32, #tpu.memory_space<hbm>>
      tpu.wait_dma2 semaphore(%run_scoped3A : memref<!tpu.dma_semaphore, #tpu.memory_space<semaphore_mem>>) src(%dma_wait3A_30 : memref<24x128xi32, #tpu.memory_space<hbm>>) dst(%arg8 : memref<24x128xi32, #tpu.memory_space<vmem>>)
      tpu.yield
    }) : () -> ()
    %barrier3A = arith.constant 0 : index
    tpu.barrier barrier_id(%barrier3A)
    %dma_start3A = arith.constant 0 : i32
    %dma_start3A_1 = arith.constant 0 : i32
    %dma_start3A_2 = tpu.memref_slice %arg7[%dma_start3A, %dma_start3A_1] : memref<24x128xi32, #tpu.memory_space<vmem>> -> memref<1x128xi32, #tpu.memory_space<vmem>>
    %dma_start3A_3 = tpu.memref_squeeze %dma_start3A_2 : memref<1x128xi32, #tpu.memory_space<vmem>> -> memref<128xi32, #tpu.memory_space<vmem>>
    %dma_start3A_4 = arith.constant 0 : i32
    %dma_start3A_5 = arith.constant 0 : i32
    %dma_start3A_6 = tpu.memref_slice %arg2[%dma_start3A_4, %dma_start3A_5] : memref<1072x128xf32, #tpu.memory_space<hbm>> -> memref<1072x128xf32, #tpu.memory_space<hbm>>
    tpu.enqueue_indirect_dma source(%dma_start3A_6 : memref<1072x128xf32, #tpu.memory_space<hbm>>) target(%arg9 : memref<128x128xf32, #tpu.memory_space<vmem>>) offsets(%dma_start3A_3 : memref<128xi32, #tpu.memory_space<vmem>>) semaphore(%arg12 : memref<!tpu.dma_semaphore, #tpu.memory_space<semaphore_mem>>)
    %scan3A = arith.constant 0 : i32
    %scan3A_7 = arith.constant 12 : i32
    %scan3A_8 = arith.addi %scan3A, %scan3A_7 : i32
    %scan3A_9 = arith.constant 1 : i32
    scf.for %scan3A_16 = %scan3A to %scan3A_8 step %scan3A_9  : i32 {
      %mul3A_17 = arith.constant 1 : i32
      %mul3A_18 = arith.muli %scan3A_16, %mul3A_17 : i32
      %add3A = arith.constant 0 : i32
      %add3A_19 = arith.addi %add3A, %mul3A_18 : i32
      %mul3A_20 = arith.constant 2 : i32
      %mul3A_21 = arith.muli %mul3A_20, %add3A_19 : i32
      %dma_wait3A = arith.constant 0 : i32
      %dma_wait3A_22 = arith.constant 0 : i32
      %dma_wait3A_23 = tpu.memref_slice %arg7[%dma_wait3A, %dma_wait3A_22] : memref<24x128xi32, #tpu.memory_space<vmem>> -> memref<1x128xi32, #tpu.memory_space<vmem>>
      %dma_wait3A_24 = tpu.memref_squeeze %dma_wait3A_23 : memref<1x128xi32, #tpu.memory_space<vmem>> -> memref<128xi32, #tpu.memory_space<vmem>>
      %dma_wait3A_25 = arith.constant 0 : i32
      %dma_wait3A_26 = arith.constant 0 : i32
      %dma_wait3A_27 = tpu.memref_slice %arg2[%dma_wait3A_25, %dma_wait3A_26] : memref<1072x128xf32, #tpu.memory_space<hbm>> -> memref<1072x128xf32, #tpu.memory_space<hbm>>
      tpu.wait_indirect_dma semaphore(%arg12 : memref<!tpu.dma_semaphore, #tpu.memory_space<semaphore_mem>>) src(%dma_wait3A_27 : memref<1072x128xf32, #tpu.memory_space<hbm>>) dst(%arg9 : memref<128x128xf32, #tpu.memory_space<vmem>>)
      %add3A_28 = arith.constant 1 : i32
      %add3A_29 = arith.addi %mul3A_21, %add3A_28 : i32
      %dma_start3A_30 = arith.constant 0 : i32
      %dma_start3A_31 = tpu.memref_slice %arg7[%add3A_29, %dma_start3A_30] : memref<24x128xi32, #tpu.memory_space<vmem>> -> memref<1x128xi32, #tpu.memory_space<vmem>>
      %dma_start3A_32 = tpu.memref_squeeze %dma_start3A_31 : memref<1x128xi32, #tpu.memory_space<vmem>> -> memref<128xi32, #tpu.memory_space<vmem>>
      %dma_start3A_33 = arith.constant 0 : i32
      %dma_start3A_34 = arith.constant 0 : i32
      %dma_start3A_35 = tpu.memref_slice %arg2[%dma_start3A_33, %dma_start3A_34] : memref<1072x128xf32, #tpu.memory_space<hbm>> -> memref<1072x128xf32, #tpu.memory_space<hbm>>
      tpu.enqueue_indirect_dma source(%dma_start3A_35 : memref<1072x128xf32, #tpu.memory_space<hbm>>) target(%arg10 : memref<128x128xf32, #tpu.memory_space<vmem>>) offsets(%dma_start3A_32 : memref<128xi32, #tpu.memory_space<vmem>>) semaphore(%arg13 : memref<!tpu.dma_semaphore, #tpu.memory_space<semaphore_mem>>)
      "tpu.region"() ({
        %run_scoped3A = tpu.sem_alloc : memref<!tpu.dma_semaphore, #tpu.memory_space<semaphore_mem>>
        %dma_start3A_47 = arith.constant 0 : i32
        %dma_start3A_48 = tpu.memref_slice %arg8[%mul3A_21, %dma_start3A_47] : memref<24x128xi32, #tpu.memory_space<vmem>> -> memref<1x128xi32, #tpu.memory_space<vmem>>
        %dma_start3A_49 = tpu.memref_squeeze %dma_start3A_48 : memref<1x128xi32, #tpu.memory_space<vmem>> -> memref<128xi32, #tpu.memory_space<vmem>>
        %dma_start3A_50 = arith.constant 0 : i32
        %dma_start3A_51 = arith.constant 0 : i32
        %dma_start3A_52 = tpu.memref_slice %arg11[%dma_start3A_50, %dma_start3A_51] : memref<5120x128xf32, #tpu.memory_space<vmem_shared>> -> memref<5120x128xf32, #tpu.memory_space<vmem_shared>>
        tpu.enqueue_indirect_dma source(%arg9 : memref<128x128xf32, #tpu.memory_space<vmem>>) target(%dma_start3A_52 : memref<5120x128xf32, #tpu.memory_space<vmem_shared>>) offsets(%dma_start3A_49 : memref<128xi32, #tpu.memory_space<vmem>>) semaphore(%run_scoped3A : memref<!tpu.dma_semaphore, #tpu.memory_space<semaphore_mem>>) {add = true}
        %dma_wait3A_53 = arith.constant 0 : i32
        %dma_wait3A_54 = tpu.memref_slice %arg8[%mul3A_21, %dma_wait3A_53] : memref<24x128xi32, #tpu.memory_space<vmem>> -> memref<1x128xi32, #tpu.memory_space<vmem>>
        %dma_wait3A_55 = tpu.memref_squeeze %dma_wait3A_54 : memref<1x128xi32, #tpu.memory_space<vmem>> -> memref<128xi32, #tpu.memory_space<vmem>>
        %dma_wait3A_56 = arith.constant 0 : i32
        %dma_wait3A_57 = arith.constant 0 : i32
        %dma_wait3A_58 = tpu.memref_slice %arg11[%dma_wait3A_56, %dma_wait3A_57] : memref<5120x128xf32, #tpu.memory_space<vmem_shared>> -> memref<5120x128xf32, #tpu.memory_space<vmem_shared>>
        tpu.wait_indirect_dma semaphore(%run_scoped3A : memref<!tpu.dma_semaphore, #tpu.memory_space<semaphore_mem>>) src(%arg9 : memref<128x128xf32, #tpu.memory_space<vmem>>) dst(%dma_wait3A_58 : memref<5120x128xf32, #tpu.memory_space<vmem_shared>>)
        tpu.yield
      }) : () -> ()
      %dma_wait3A_36 = arith.constant 0 : i32
      %dma_wait3A_37 = arith.constant 0 : i32
      %dma_wait3A_38 = tpu.memref_slice %arg7[%dma_wait3A_36, %dma_wait3A_37] : memref<24x128xi32, #tpu.memory_space<vmem>> -> memref<1x128xi32, #tpu.memory_space<vmem>>
      %dma_wait3A_39 = tpu.memref_squeeze %dma_wait3A_38 : memref<1x128xi32, #tpu.memory_space<vmem>> -> memref<128xi32, #tpu.memory_space<vmem>>
      %dma_wait3A_40 = arith.constant 0 : i32
      %dma_wait3A_41 = arith.constant 0 : i32
      %dma_wait3A_42 = tpu.memref_slice %arg2[%dma_wait3A_40, %dma_wait3A_41] : memref<1072x128xf32, #tpu.memory_space<hbm>> -> memref<1072x128xf32, #tpu.memory_space<hbm>>
      tpu.wait_indirect_dma semaphore(%arg13 : memref<!tpu.dma_semaphore, #tpu.memory_space<semaphore_mem>>) src(%dma_wait3A_42 : memref<1072x128xf32, #tpu.memory_space<hbm>>) dst(%arg10 : memref<128x128xf32, #tpu.memory_space<vmem>>)
      %lt3A = arith.constant 11 : i32
      %lt3A_43 = arith.cmpi slt, %add3A_19, %lt3A : i32
      %convert_element_type3A = arith.extui %lt3A_43 : i1 to i32
      %cond3A = arith.constant 0 : i32
      %cond3A_44 = arith.cmpi ne, %convert_element_type3A, %cond3A : i32
      scf.if %cond3A_44 {
        %add3A_47 = arith.constant 2 : i32
        %add3A_48 = arith.addi %mul3A_21, %add3A_47 : i32
        %dma_start3A_49 = arith.constant 0 : i32
        %dma_start3A_50 = tpu.memref_slice %arg7[%add3A_48, %dma_start3A_49] : memref<24x128xi32, #tpu.memory_space<vmem>> -> memref<1x128xi32, #tpu.memory_space<vmem>>
        %dma_start3A_51 = tpu.memref_squeeze %dma_start3A_50 : memref<1x128xi32, #tpu.memory_space<vmem>> -> memref<128xi32, #tpu.memory_space<vmem>>
        %dma_start3A_52 = arith.constant 0 : i32
        %dma_start3A_53 = arith.constant 0 : i32
        %dma_start3A_54 = tpu.memref_slice %arg2[%dma_start3A_52, %dma_start3A_53] : memref<1072x128xf32, #tpu.memory_space<hbm>> -> memref<1072x128xf32, #tpu.memory_space<hbm>>
        tpu.enqueue_indirect_dma source(%dma_start3A_54 : memref<1072x128xf32, #tpu.memory_space<hbm>>) target(%arg9 : memref<128x128xf32, #tpu.memory_space<vmem>>) offsets(%dma_start3A_51 : memref<128xi32, #tpu.memory_space<vmem>>) semaphore(%arg12 : memref<!tpu.dma_semaphore, #tpu.memory_space<semaphore_mem>>)
      } else {
      }
      %add3A_45 = arith.constant 1 : i32
      %add3A_46 = arith.addi %mul3A_21, %add3A_45 : i32
      "tpu.region"() ({
        %run_scoped3A = tpu.sem_alloc : memref<!tpu.dma_semaphore, #tpu.memory_space<semaphore_mem>>
        %dma_start3A_47 = arith.constant 0 : i32
        %dma_start3A_48 = tpu.memref_slice %arg8[%add3A_46, %dma_start3A_47] : memref<24x128xi32, #tpu.memory_space<vmem>> -> memref<1x128xi32, #tpu.memory_space<vmem>>
        %dma_start3A_49 = tpu.memref_squeeze %dma_start3A_48 : memref<1x128xi32, #tpu.memory_space<vmem>> -> memref<128xi32, #tpu.memory_space<vmem>>
        %dma_start3A_50 = arith.constant 0 : i32
        %dma_start3A_51 = arith.constant 0 : i32
        %dma_start3A_52 = tpu.memref_slice %arg11[%dma_start3A_50, %dma_start3A_51] : memref<5120x128xf32, #tpu.memory_space<vmem_shared>> -> memref<5120x128xf32, #tpu.memory_space<vmem_shared>>
        tpu.enqueue_indirect_dma source(%arg10 : memref<128x128xf32, #tpu.memory_space<vmem>>) target(%dma_start3A_52 : memref<5120x128xf32, #tpu.memory_space<vmem_shared>>) offsets(%dma_start3A_49 : memref<128xi32, #tpu.memory_space<vmem>>) semaphore(%run_scoped3A : memref<!tpu.dma_semaphore, #tpu.memory_space<semaphore_mem>>) {add = true}
        %dma_wait3A_53 = arith.constant 0 : i32
        %dma_wait3A_54 = tpu.memref_slice %arg8[%add3A_46, %dma_wait3A_53] : memref<24x128xi32, #tpu.memory_space<vmem>> -> memref<1x128xi32, #tpu.memory_space<vmem>>
        %dma_wait3A_55 = tpu.memref_squeeze %dma_wait3A_54 : memref<1x128xi32, #tpu.memory_space<vmem>> -> memref<128xi32, #tpu.memory_space<vmem>>
        %dma_wait3A_56 = arith.constant 0 : i32
        %dma_wait3A_57 = arith.constant 0 : i32
        %dma_wait3A_58 = tpu.memref_slice %arg11[%dma_wait3A_56, %dma_wait3A_57] : memref<5120x128xf32, #tpu.memory_space<vmem_shared>> -> memref<5120x128xf32, #tpu.memory_space<vmem_shared>>
        tpu.wait_indirect_dma semaphore(%run_scoped3A : memref<!tpu.dma_semaphore, #tpu.memory_space<semaphore_mem>>) src(%arg10 : memref<128x128xf32, #tpu.memory_space<vmem>>) dst(%dma_wait3A_58 : memref<5120x128xf32, #tpu.memory_space<vmem_shared>>)
        tpu.yield
      }) : () -> ()
    }
    %scan3A_10 = arith.constant 12 : i32
    %barrier3A_11 = arith.constant 0 : index
    tpu.barrier barrier_id(%barrier3A_11)
    %mul3A_12 = arith.constant 320 : i32
    %mul3A_13 = arith.muli %arg1, %mul3A_12 : i32
    %mul3A_14 = arith.constant 320 : i32
    %mul3A_15 = arith.muli %arg1, %mul3A_14 : i32
    "tpu.region"() ({
      %run_scoped3A = tpu.sem_alloc : memref<!tpu.dma_semaphore, #tpu.memory_space<semaphore_mem>>
      %dma_start3A_16 = arith.constant 0 : i32
      %dma_start3A_17 = tpu.memref_slice %arg6[%arg0, %mul3A_15, %dma_start3A_16] : memref<2x5120x128xf32, #tpu.memory_space<hbm>> -> memref<1x320x128xf32, #tpu.memory_space<hbm>>
      %dma_start3A_18 = tpu.memref_squeeze %dma_start3A_17 : memref<1x320x128xf32, #tpu.memory_space<hbm>> -> memref<320x128xf32, #tpu.memory_space<hbm>>
      %dma_start3A_19 = arith.constant 0 : i32
      %dma_start3A_20 = tpu.memref_slice %arg11[%mul3A_13, %dma_start3A_19] : memref<5120x128xf32, #tpu.memory_space<vmem_shared>> -> memref<320x128xf32, #tpu.memory_space<vmem_shared>>
      tpu.enqueue_dma source(%dma_start3A_20 : memref<320x128xf32, #tpu.memory_space<vmem_shared>>) target(%dma_start3A_18 : memref<320x128xf32, #tpu.memory_space<hbm>>) target_semaphore(%run_scoped3A : memref<!tpu.dma_semaphore, #tpu.memory_space<semaphore_mem>>)
      %dma_wait3A = arith.constant 0 : i32
      %dma_wait3A_21 = tpu.memref_slice %arg6[%arg0, %mul3A_15, %dma_wait3A] : memref<2x5120x128xf32, #tpu.memory_space<hbm>> -> memref<1x320x128xf32, #tpu.memory_space<hbm>>
      %dma_wait3A_22 = tpu.memref_squeeze %dma_wait3A_21 : memref<1x320x128xf32, #tpu.memory_space<hbm>> -> memref<320x128xf32, #tpu.memory_space<hbm>>
      %dma_wait3A_23 = arith.constant 0 : i32
      %dma_wait3A_24 = tpu.memref_slice %arg11[%mul3A_13, %dma_wait3A_23] : memref<5120x128xf32, #tpu.memory_space<vmem_shared>> -> memref<320x128xf32, #tpu.memory_space<vmem_shared>>
      tpu.wait_dma2 semaphore(%run_scoped3A : memref<!tpu.dma_semaphore, #tpu.memory_space<semaphore_mem>>) src(%dma_wait3A_24 : memref<320x128xf32, #tpu.memory_space<vmem_shared>>) dst(%dma_wait3A_22 : memref<320x128xf32, #tpu.memory_space<hbm>>)
      tpu.yield
    }) : () -> ()
    return
  }
}

#map = affine_map<(d0, d1) -> (0, 0)>
#map1 = affine_map<(d0, d1) -> (0, 0, 0, 0)>
#map2 = affine_map<(d0, d1) -> (0, 0, 0)>
module attributes {stable_mosaic.version = 14 : i64} {
  func.func @k(%arg0: i32, %arg1: i32, %arg2: memref<10000x128xf32, #tpu.memory_space<hbm>>, %arg3: memref<216x128xf32, #tpu.memory_space<hbm>>, %arg4: memref<2x16x160x64xi32, #tpu.memory_space<hbm>>, %arg5: memref<2x16x160x64xi32, #tpu.memory_space<hbm>>, %arg6: memref<2x16x160x64xi32, #tpu.memory_space<hbm>>, %arg7: memref<632x128xf32, #tpu.memory_space<hbm>>, %arg8: memref<2x10112x128xf32, #tpu.memory_space<hbm>>, %arg9: memref<16x64xi32, #tpu.memory_space<vmem>>, %arg10: memref<16x64xi32, #tpu.memory_space<vmem>>, %arg11: memref<16x64xi32, #tpu.memory_space<vmem>>, %arg12: memref<64x128xf32, #tpu.memory_space<vmem>>, %arg13: memref<64x128xf32, #tpu.memory_space<vmem>>, %arg14: memref<64x128xf32, #tpu.memory_space<vmem>>, %arg15: memref<64x128xf32, #tpu.memory_space<vmem>>, %arg16: memref<10112x128xf32, #tpu.memory_space<vmem_shared>>, %arg17: memref<!tpu.dma_semaphore, #tpu.memory_space<semaphore_mem>>, %arg18: memref<!tpu.dma_semaphore, #tpu.memory_space<semaphore_mem>>, %arg19: memref<!tpu.dma_semaphore, #tpu.memory_space<semaphore_mem>>, %arg20: memref<!tpu.dma_semaphore, #tpu.memory_space<semaphore_mem>>) attributes {dimension_semantics = [#tpu.dimension_semantics<core_parallel>, #tpu.dimension_semantics<subcore_parallel>], iteration_bounds = array<i64: 2, 16>, scalar_prefetch = 0 : i64, scratch_operands = 12 : i64, tpu.core_type = #tpu.core_type<sc_vector_subcore>, window_params = [{transform_indices = #map}, {transform_indices = #map}, {transform_indices = #map1}, {transform_indices = #map1}, {transform_indices = #map1}, {transform_indices = #map}, {transform_indices = #map2}]} {
    %mul3A = arith.constant 632 : i32
    %mul3A_0 = arith.muli %arg1, %mul3A : i32
    "tpu.region"() ({
      %run_scoped3A = tpu.sem_alloc : memref<!tpu.dma_semaphore, #tpu.memory_space<semaphore_mem>>
      %dma_start3A = arith.constant 0 : i32
      %dma_start3A_10 = tpu.memref_slice %arg16[%mul3A_0, %dma_start3A] : memref<10112x128xf32, #tpu.memory_space<vmem_shared>> -> memref<632x128xf32, #tpu.memory_space<vmem_shared>>
      %dma_start3A_11 = arith.constant 0 : i32
      %dma_start3A_12 = arith.constant 0 : i32
      %dma_start3A_13 = tpu.memref_slice %arg7[%dma_start3A_11, %dma_start3A_12] : memref<632x128xf32, #tpu.memory_space<hbm>> -> memref<632x128xf32, #tpu.memory_space<hbm>>
      tpu.enqueue_dma source(%dma_start3A_13 : memref<632x128xf32, #tpu.memory_space<hbm>>) target(%dma_start3A_10 : memref<632x128xf32, #tpu.memory_space<vmem_shared>>) target_semaphore(%run_scoped3A : memref<!tpu.dma_semaphore, #tpu.memory_space<semaphore_mem>>)
      %dma_wait3A = arith.constant 0 : i32
      %dma_wait3A_14 = tpu.memref_slice %arg16[%mul3A_0, %dma_wait3A] : memref<10112x128xf32, #tpu.memory_space<vmem_shared>> -> memref<632x128xf32, #tpu.memory_space<vmem_shared>>
      %dma_wait3A_15 = arith.constant 0 : i32
      %dma_wait3A_16 = arith.constant 0 : i32
      %dma_wait3A_17 = tpu.memref_slice %arg7[%dma_wait3A_15, %dma_wait3A_16] : memref<632x128xf32, #tpu.memory_space<hbm>> -> memref<632x128xf32, #tpu.memory_space<hbm>>
      tpu.wait_dma2 semaphore(%run_scoped3A : memref<!tpu.dma_semaphore, #tpu.memory_space<semaphore_mem>>) src(%dma_wait3A_17 : memref<632x128xf32, #tpu.memory_space<hbm>>) dst(%dma_wait3A_14 : memref<632x128xf32, #tpu.memory_space<vmem_shared>>)
      tpu.yield
    }) : () -> ()
    %barrier3A = arith.constant 0 : index
    tpu.barrier barrier_id(%barrier3A)
    %scan3A = arith.constant 0 : i32
    %scan3A_1 = arith.constant 10 : i32
    %scan3A_2 = arith.addi %scan3A, %scan3A_1 : i32
    %scan3A_3 = arith.constant 1 : i32
    scf.for %scan3A_10 = %scan3A to %scan3A_2 step %scan3A_3  : i32 {
      %mul3A_11 = arith.constant 1 : i32
      %mul3A_12 = arith.muli %scan3A_10, %mul3A_11 : i32
      %add3A = arith.constant 0 : i32
      %add3A_13 = arith.addi %add3A, %mul3A_12 : i32
      %mul3A_14 = arith.constant 16 : i32
      %mul3A_15 = arith.muli %add3A_13, %mul3A_14 : i32
      "tpu.region"() ({
        %run_scoped3A = tpu.sem_alloc : memref<!tpu.dma_semaphore, #tpu.memory_space<semaphore_mem>>
        %dma_start3A_38 = arith.constant 0 : i32
        %dma_start3A_39 = tpu.memref_slice %arg4[%arg0, %arg1, %mul3A_15, %dma_start3A_38] : memref<2x16x160x64xi32, #tpu.memory_space<hbm>> -> memref<1x1x16x64xi32, #tpu.memory_space<hbm>>
        %dma_start3A_40 = tpu.memref_squeeze %dma_start3A_39 : memref<1x1x16x64xi32, #tpu.memory_space<hbm>> -> memref<16x64xi32, #tpu.memory_space<hbm>>
        %dma_start3A_41 = arith.constant 0 : i32
        %dma_start3A_42 = tpu.memref_slice %arg4[%arg0, %arg1, %mul3A_15, %dma_start3A_41] : memref<2x16x160x64xi32, #tpu.memory_space<hbm>> -> memref<1x1x16x64xi32, #tpu.memory_space<hbm>>
        %dma_start3A_43 = tpu.memref_squeeze %dma_start3A_42 : memref<1x1x16x64xi32, #tpu.memory_space<hbm>> -> memref<16x64xi32, #tpu.memory_space<hbm>>
        tpu.enqueue_dma source(%dma_start3A_43 : memref<16x64xi32, #tpu.memory_space<hbm>>) target(%arg9 : memref<16x64xi32, #tpu.memory_space<vmem>>) target_semaphore(%run_scoped3A : memref<!tpu.dma_semaphore, #tpu.memory_space<semaphore_mem>>)
        %dma_wait3A = arith.constant 0 : i32
        %dma_wait3A_44 = tpu.memref_slice %arg4[%arg0, %arg1, %mul3A_15, %dma_wait3A] : memref<2x16x160x64xi32, #tpu.memory_space<hbm>> -> memref<1x1x16x64xi32, #tpu.memory_space<hbm>>
        %dma_wait3A_45 = tpu.memref_squeeze %dma_wait3A_44 : memref<1x1x16x64xi32, #tpu.memory_space<hbm>> -> memref<16x64xi32, #tpu.memory_space<hbm>>
        %dma_wait3A_46 = arith.constant 0 : i32
        %dma_wait3A_47 = tpu.memref_slice %arg4[%arg0, %arg1, %mul3A_15, %dma_wait3A_46] : memref<2x16x160x64xi32, #tpu.memory_space<hbm>> -> memref<1x1x16x64xi32, #tpu.memory_space<hbm>>
        %dma_wait3A_48 = tpu.memref_squeeze %dma_wait3A_47 : memref<1x1x16x64xi32, #tpu.memory_space<hbm>> -> memref<16x64xi32, #tpu.memory_space<hbm>>
        tpu.wait_dma2 semaphore(%run_scoped3A : memref<!tpu.dma_semaphore, #tpu.memory_space<semaphore_mem>>) src(%dma_wait3A_48 : memref<16x64xi32, #tpu.memory_space<hbm>>) dst(%arg9 : memref<16x64xi32, #tpu.memory_space<vmem>>)
        tpu.yield
      }) : () -> ()
      %mul3A_16 = arith.constant 16 : i32
      %mul3A_17 = arith.muli %add3A_13, %mul3A_16 : i32
      "tpu.region"() ({
        %run_scoped3A = tpu.sem_alloc : memref<!tpu.dma_semaphore, #tpu.memory_space<semaphore_mem>>
        %dma_start3A_38 = arith.constant 0 : i32
        %dma_start3A_39 = tpu.memref_slice %arg5[%arg0, %arg1, %mul3A_17, %dma_start3A_38] : memref<2x16x160x64xi32, #tpu.memory_space<hbm>> -> memref<1x1x16x64xi32, #tpu.memory_space<hbm>>
        %dma_start3A_40 = tpu.memref_squeeze %dma_start3A_39 : memref<1x1x16x64xi32, #tpu.memory_space<hbm>> -> memref<16x64xi32, #tpu.memory_space<hbm>>
        %dma_start3A_41 = arith.constant 0 : i32
        %dma_start3A_42 = tpu.memref_slice %arg5[%arg0, %arg1, %mul3A_17, %dma_start3A_41] : memref<2x16x160x64xi32, #tpu.memory_space<hbm>> -> memref<1x1x16x64xi32, #tpu.memory_space<hbm>>
        %dma_start3A_43 = tpu.memref_squeeze %dma_start3A_42 : memref<1x1x16x64xi32, #tpu.memory_space<hbm>> -> memref<16x64xi32, #tpu.memory_space<hbm>>
        tpu.enqueue_dma source(%dma_start3A_43 : memref<16x64xi32, #tpu.memory_space<hbm>>) target(%arg10 : memref<16x64xi32, #tpu.memory_space<vmem>>) target_semaphore(%run_scoped3A : memref<!tpu.dma_semaphore, #tpu.memory_space<semaphore_mem>>)
        %dma_wait3A = arith.constant 0 : i32
        %dma_wait3A_44 = tpu.memref_slice %arg5[%arg0, %arg1, %mul3A_17, %dma_wait3A] : memref<2x16x160x64xi32, #tpu.memory_space<hbm>> -> memref<1x1x16x64xi32, #tpu.memory_space<hbm>>
        %dma_wait3A_45 = tpu.memref_squeeze %dma_wait3A_44 : memref<1x1x16x64xi32, #tpu.memory_space<hbm>> -> memref<16x64xi32, #tpu.memory_space<hbm>>
        %dma_wait3A_46 = arith.constant 0 : i32
        %dma_wait3A_47 = tpu.memref_slice %arg5[%arg0, %arg1, %mul3A_17, %dma_wait3A_46] : memref<2x16x160x64xi32, #tpu.memory_space<hbm>> -> memref<1x1x16x64xi32, #tpu.memory_space<hbm>>
        %dma_wait3A_48 = tpu.memref_squeeze %dma_wait3A_47 : memref<1x1x16x64xi32, #tpu.memory_space<hbm>> -> memref<16x64xi32, #tpu.memory_space<hbm>>
        tpu.wait_dma2 semaphore(%run_scoped3A : memref<!tpu.dma_semaphore, #tpu.memory_space<semaphore_mem>>) src(%dma_wait3A_48 : memref<16x64xi32, #tpu.memory_space<hbm>>) dst(%arg10 : memref<16x64xi32, #tpu.memory_space<vmem>>)
        tpu.yield
      }) : () -> ()
      %mul3A_18 = arith.constant 16 : i32
      %mul3A_19 = arith.muli %add3A_13, %mul3A_18 : i32
      "tpu.region"() ({
        %run_scoped3A = tpu.sem_alloc : memref<!tpu.dma_semaphore, #tpu.memory_space<semaphore_mem>>
        %dma_start3A_38 = arith.constant 0 : i32
        %dma_start3A_39 = tpu.memref_slice %arg6[%arg0, %arg1, %mul3A_19, %dma_start3A_38] : memref<2x16x160x64xi32, #tpu.memory_space<hbm>> -> memref<1x1x16x64xi32, #tpu.memory_space<hbm>>
        %dma_start3A_40 = tpu.memref_squeeze %dma_start3A_39 : memref<1x1x16x64xi32, #tpu.memory_space<hbm>> -> memref<16x64xi32, #tpu.memory_space<hbm>>
        %dma_start3A_41 = arith.constant 0 : i32
        %dma_start3A_42 = tpu.memref_slice %arg6[%arg0, %arg1, %mul3A_19, %dma_start3A_41] : memref<2x16x160x64xi32, #tpu.memory_space<hbm>> -> memref<1x1x16x64xi32, #tpu.memory_space<hbm>>
        %dma_start3A_43 = tpu.memref_squeeze %dma_start3A_42 : memref<1x1x16x64xi32, #tpu.memory_space<hbm>> -> memref<16x64xi32, #tpu.memory_space<hbm>>
        tpu.enqueue_dma source(%dma_start3A_43 : memref<16x64xi32, #tpu.memory_space<hbm>>) target(%arg11 : memref<16x64xi32, #tpu.memory_space<vmem>>) target_semaphore(%run_scoped3A : memref<!tpu.dma_semaphore, #tpu.memory_space<semaphore_mem>>)
        %dma_wait3A = arith.constant 0 : i32
        %dma_wait3A_44 = tpu.memref_slice %arg6[%arg0, %arg1, %mul3A_19, %dma_wait3A] : memref<2x16x160x64xi32, #tpu.memory_space<hbm>> -> memref<1x1x16x64xi32, #tpu.memory_space<hbm>>
        %dma_wait3A_45 = tpu.memref_squeeze %dma_wait3A_44 : memref<1x1x16x64xi32, #tpu.memory_space<hbm>> -> memref<16x64xi32, #tpu.memory_space<hbm>>
        %dma_wait3A_46 = arith.constant 0 : i32
        %dma_wait3A_47 = tpu.memref_slice %arg6[%arg0, %arg1, %mul3A_19, %dma_wait3A_46] : memref<2x16x160x64xi32, #tpu.memory_space<hbm>> -> memref<1x1x16x64xi32, #tpu.memory_space<hbm>>
        %dma_wait3A_48 = tpu.memref_squeeze %dma_wait3A_47 : memref<1x1x16x64xi32, #tpu.memory_space<hbm>> -> memref<16x64xi32, #tpu.memory_space<hbm>>
        tpu.wait_dma2 semaphore(%run_scoped3A : memref<!tpu.dma_semaphore, #tpu.memory_space<semaphore_mem>>) src(%dma_wait3A_48 : memref<16x64xi32, #tpu.memory_space<hbm>>) dst(%arg11 : memref<16x64xi32, #tpu.memory_space<vmem>>)
        tpu.yield
      }) : () -> ()
      %dma_start3A = arith.constant 0 : i32
      %dma_start3A_20 = arith.constant 0 : i32
      %dma_start3A_21 = tpu.memref_slice %arg9[%dma_start3A, %dma_start3A_20] : memref<16x64xi32, #tpu.memory_space<vmem>> -> memref<1x64xi32, #tpu.memory_space<vmem>>
      %dma_start3A_22 = tpu.memref_squeeze %dma_start3A_21 : memref<1x64xi32, #tpu.memory_space<vmem>> -> memref<64xi32, #tpu.memory_space<vmem>>
      %dma_start3A_23 = arith.constant 0 : i32
      %dma_start3A_24 = arith.constant 0 : i32
      %dma_start3A_25 = tpu.memref_slice %arg2[%dma_start3A_23, %dma_start3A_24] : memref<10000x128xf32, #tpu.memory_space<hbm>> -> memref<10000x128xf32, #tpu.memory_space<hbm>>
      tpu.enqueue_indirect_dma source(%dma_start3A_25 : memref<10000x128xf32, #tpu.memory_space<hbm>>) target(%arg12 : memref<64x128xf32, #tpu.memory_space<vmem>>) offsets(%dma_start3A_22 : memref<64xi32, #tpu.memory_space<vmem>>) semaphore(%arg17 : memref<!tpu.dma_semaphore, #tpu.memory_space<semaphore_mem>>)
      %dma_start3A_26 = arith.constant 0 : i32
      %dma_start3A_27 = arith.constant 0 : i32
      %dma_start3A_28 = tpu.memref_slice %arg11[%dma_start3A_26, %dma_start3A_27] : memref<16x64xi32, #tpu.memory_space<vmem>> -> memref<1x64xi32, #tpu.memory_space<vmem>>
      %dma_start3A_29 = tpu.memref_squeeze %dma_start3A_28 : memref<1x64xi32, #tpu.memory_space<vmem>> -> memref<64xi32, #tpu.memory_space<vmem>>
      %dma_start3A_30 = arith.constant 0 : i32
      %dma_start3A_31 = arith.constant 0 : i32
      %dma_start3A_32 = tpu.memref_slice %arg3[%dma_start3A_30, %dma_start3A_31] : memref<216x128xf32, #tpu.memory_space<hbm>> -> memref<216x128xf32, #tpu.memory_space<hbm>>
      tpu.enqueue_indirect_dma source(%dma_start3A_32 : memref<216x128xf32, #tpu.memory_space<hbm>>) target(%arg14 : memref<64x128xf32, #tpu.memory_space<vmem>>) offsets(%dma_start3A_29 : memref<64xi32, #tpu.memory_space<vmem>>) semaphore(%arg19 : memref<!tpu.dma_semaphore, #tpu.memory_space<semaphore_mem>>)
      %scan3A_33 = arith.constant 0 : i32
      %scan3A_34 = arith.constant 8 : i32
      %scan3A_35 = arith.addi %scan3A_33, %scan3A_34 : i32
      %scan3A_36 = arith.constant 1 : i32
      scf.for %scan3A_38 = %scan3A_33 to %scan3A_35 step %scan3A_36  : i32 {
        %mul3A_39 = arith.constant 1 : i32
        %mul3A_40 = arith.muli %scan3A_38, %mul3A_39 : i32
        %add3A_41 = arith.constant 0 : i32
        %add3A_42 = arith.addi %add3A_41, %mul3A_40 : i32
        %mul3A_43 = arith.constant 2 : i32
        %mul3A_44 = arith.muli %mul3A_43, %add3A_42 : i32
        %dma_wait3A = arith.constant 0 : i32
        %dma_wait3A_45 = arith.constant 0 : i32
        %dma_wait3A_46 = tpu.memref_slice %arg9[%dma_wait3A, %dma_wait3A_45] : memref<16x64xi32, #tpu.memory_space<vmem>> -> memref<1x64xi32, #tpu.memory_space<vmem>>
        %dma_wait3A_47 = tpu.memref_squeeze %dma_wait3A_46 : memref<1x64xi32, #tpu.memory_space<vmem>> -> memref<64xi32, #tpu.memory_space<vmem>>
        %dma_wait3A_48 = arith.constant 0 : i32
        %dma_wait3A_49 = arith.constant 0 : i32
        %dma_wait3A_50 = tpu.memref_slice %arg2[%dma_wait3A_48, %dma_wait3A_49] : memref<10000x128xf32, #tpu.memory_space<hbm>> -> memref<10000x128xf32, #tpu.memory_space<hbm>>
        tpu.wait_indirect_dma semaphore(%arg17 : memref<!tpu.dma_semaphore, #tpu.memory_space<semaphore_mem>>) src(%dma_wait3A_50 : memref<10000x128xf32, #tpu.memory_space<hbm>>) dst(%arg12 : memref<64x128xf32, #tpu.memory_space<vmem>>)
        %dma_wait3A_51 = arith.constant 0 : i32
        %dma_wait3A_52 = arith.constant 0 : i32
        %dma_wait3A_53 = tpu.memref_slice %arg11[%dma_wait3A_51, %dma_wait3A_52] : memref<16x64xi32, #tpu.memory_space<vmem>> -> memref<1x64xi32, #tpu.memory_space<vmem>>
        %dma_wait3A_54 = tpu.memref_squeeze %dma_wait3A_53 : memref<1x64xi32, #tpu.memory_space<vmem>> -> memref<64xi32, #tpu.memory_space<vmem>>
        %dma_wait3A_55 = arith.constant 0 : i32
        %dma_wait3A_56 = arith.constant 0 : i32
        %dma_wait3A_57 = tpu.memref_slice %arg3[%dma_wait3A_55, %dma_wait3A_56] : memref<216x128xf32, #tpu.memory_space<hbm>> -> memref<216x128xf32, #tpu.memory_space<hbm>>
        tpu.wait_indirect_dma semaphore(%arg19 : memref<!tpu.dma_semaphore, #tpu.memory_space<semaphore_mem>>) src(%dma_wait3A_57 : memref<216x128xf32, #tpu.memory_space<hbm>>) dst(%arg14 : memref<64x128xf32, #tpu.memory_space<vmem>>)
        %add3A_58 = arith.constant 1 : i32
        %add3A_59 = arith.addi %mul3A_44, %add3A_58 : i32
        %dma_start3A_60 = arith.constant 0 : i32
        %dma_start3A_61 = tpu.memref_slice %arg9[%add3A_59, %dma_start3A_60] : memref<16x64xi32, #tpu.memory_space<vmem>> -> memref<1x64xi32, #tpu.memory_space<vmem>>
        %dma_start3A_62 = tpu.memref_squeeze %dma_start3A_61 : memref<1x64xi32, #tpu.memory_space<vmem>> -> memref<64xi32, #tpu.memory_space<vmem>>
        %dma_start3A_63 = arith.constant 0 : i32
        %dma_start3A_64 = arith.constant 0 : i32
        %dma_start3A_65 = tpu.memref_slice %arg2[%dma_start3A_63, %dma_start3A_64] : memref<10000x128xf32, #tpu.memory_space<hbm>> -> memref<10000x128xf32, #tpu.memory_space<hbm>>
        tpu.enqueue_indirect_dma source(%dma_start3A_65 : memref<10000x128xf32, #tpu.memory_space<hbm>>) target(%arg13 : memref<64x128xf32, #tpu.memory_space<vmem>>) offsets(%dma_start3A_62 : memref<64xi32, #tpu.memory_space<vmem>>) semaphore(%arg18 : memref<!tpu.dma_semaphore, #tpu.memory_space<semaphore_mem>>)
        %dma_start3A_66 = arith.constant 0 : i32
        %dma_start3A_67 = tpu.memref_slice %arg11[%add3A_59, %dma_start3A_66] : memref<16x64xi32, #tpu.memory_space<vmem>> -> memref<1x64xi32, #tpu.memory_space<vmem>>
        %dma_start3A_68 = tpu.memref_squeeze %dma_start3A_67 : memref<1x64xi32, #tpu.memory_space<vmem>> -> memref<64xi32, #tpu.memory_space<vmem>>
        %dma_start3A_69 = arith.constant 0 : i32
        %dma_start3A_70 = arith.constant 0 : i32
        %dma_start3A_71 = tpu.memref_slice %arg3[%dma_start3A_69, %dma_start3A_70] : memref<216x128xf32, #tpu.memory_space<hbm>> -> memref<216x128xf32, #tpu.memory_space<hbm>>
        tpu.enqueue_indirect_dma source(%dma_start3A_71 : memref<216x128xf32, #tpu.memory_space<hbm>>) target(%arg15 : memref<64x128xf32, #tpu.memory_space<vmem>>) offsets(%dma_start3A_68 : memref<64xi32, #tpu.memory_space<vmem>>) semaphore(%arg20 : memref<!tpu.dma_semaphore, #tpu.memory_space<semaphore_mem>>)
        %scan3A_72 = arith.constant 0 : i32
        %scan3A_73 = arith.constant 64 : i32
        %scan3A_74 = arith.addi %scan3A_72, %scan3A_73 : i32
        %scan3A_75 = arith.constant 1 : i32
        scf.for %scan3A_100 = %scan3A_72 to %scan3A_74 step %scan3A_75  : i32 {
          %mul3A_101 = arith.constant 1 : i32
          %mul3A_102 = arith.muli %scan3A_100, %mul3A_101 : i32
          %add3A_103 = arith.constant 0 : i32
          %add3A_104 = arith.addi %add3A_103, %mul3A_102 : i32
          %get3A = arith.index_cast %add3A_104 : i32 to index
          %get3A_105 = arith.constant 0 : index
          %get3A_106 = tpu.vector_load %arg12[%get3A, %get3A_105] {strides = array<i32>} : memref<64x128xf32, #tpu.memory_space<vmem>>, vector<1x16xf32>,
          %get3A_107 = vector.shape_cast %get3A_106 : vector<1x16xf32> to vector<1x16xf32>
          %get3A_108 = arith.index_cast %add3A_104 : i32 to index
          %get3A_109 = arith.constant 0 : index
          %get3A_110 = tpu.vector_load %arg14[%get3A_108, %get3A_109] {strides = array<i32>} : memref<64x128xf32, #tpu.memory_space<vmem>>, vector<1x16xf32>,
          %get3A_111 = vector.shape_cast %get3A_110 : vector<1x16xf32> to vector<1x16xf32>
          %add3A_112 = arith.addf %get3A_107, %get3A_111 : vector<1x16xf32>
          %max3A = arith.constant 0.000000e+00 : f32
          %max3A_113 = vector.broadcast %max3A : f32 to vector<1x16xf32>
          %max3A_114 = arith.maximumf %add3A_112, %max3A_113 : vector<1x16xf32>
          %swap3A = arith.index_cast %add3A_104 : i32 to index
          %swap3A_115 = arith.constant 0 : index
          %swap3A_116 = tpu.vector_load %arg12[%swap3A, %swap3A_115] {strides = array<i32>} : memref<64x128xf32, #tpu.memory_space<vmem>>, vector<1x16xf32>,
          %swap3A_117 = vector.shape_cast %swap3A_116 : vector<1x16xf32> to vector<1x16xf32>
          %swap3A_118 = vector.shape_cast %max3A_114 : vector<1x16xf32> to vector<1x16xf32>
          tpu.vector_store %arg12[%swap3A, %swap3A_115], %swap3A_118 {strides = array<i32>} : memref<64x128xf32, #tpu.memory_space<vmem>>, vector<1x16xf32>,
          %get3A_119 = arith.index_cast %add3A_104 : i32 to index
          %get3A_120 = arith.constant 16 : index
          %get3A_121 = tpu.vector_load %arg12[%get3A_119, %get3A_120] {strides = array<i32>} : memref<64x128xf32, #tpu.memory_space<vmem>>, vector<1x16xf32>,
          %get3A_122 = vector.shape_cast %get3A_121 : vector<1x16xf32> to vector<1x16xf32>
          %get3A_123 = arith.index_cast %add3A_104 : i32 to index
          %get3A_124 = arith.constant 16 : index
          %get3A_125 = tpu.vector_load %arg14[%get3A_123, %get3A_124] {strides = array<i32>} : memref<64x128xf32, #tpu.memory_space<vmem>>, vector<1x16xf32>,
          %get3A_126 = vector.shape_cast %get3A_125 : vector<1x16xf32> to vector<1x16xf32>
          %add3A_127 = arith.addf %get3A_122, %get3A_126 : vector<1x16xf32>
          %max3A_128 = arith.constant 0.000000e+00 : f32
          %max3A_129 = vector.broadcast %max3A_128 : f32 to vector<1x16xf32>
          %max3A_130 = arith.maximumf %add3A_127, %max3A_129 : vector<1x16xf32>
          %swap3A_131 = arith.index_cast %add3A_104 : i32 to index
          %swap3A_132 = arith.constant 16 : index
          %swap3A_133 = tpu.vector_load %arg12[%swap3A_131, %swap3A_132] {strides = array<i32>} : memref<64x128xf32, #tpu.memory_space<vmem>>, vector<1x16xf32>,
          %swap3A_134 = vector.shape_cast %swap3A_133 : vector<1x16xf32> to vector<1x16xf32>
          %swap3A_135 = vector.shape_cast %max3A_130 : vector<1x16xf32> to vector<1x16xf32>
          tpu.vector_store %arg12[%swap3A_131, %swap3A_132], %swap3A_135 {strides = array<i32>} : memref<64x128xf32, #tpu.memory_space<vmem>>, vector<1x16xf32>,
          %get3A_136 = arith.index_cast %add3A_104 : i32 to index
          %get3A_137 = arith.constant 32 : index
          %get3A_138 = tpu.vector_load %arg12[%get3A_136, %get3A_137] {strides = array<i32>} : memref<64x128xf32, #tpu.memory_space<vmem>>, vector<1x16xf32>,
          %get3A_139 = vector.shape_cast %get3A_138 : vector<1x16xf32> to vector<1x16xf32>
          %get3A_140 = arith.index_cast %add3A_104 : i32 to index
          %get3A_141 = arith.constant 32 : index
          %get3A_142 = tpu.vector_load %arg14[%get3A_140, %get3A_141] {strides = array<i32>} : memref<64x128xf32, #tpu.memory_space<vmem>>, vector<1x16xf32>,
          %get3A_143 = vector.shape_cast %get3A_142 : vector<1x16xf32> to vector<1x16xf32>
          %add3A_144 = arith.addf %get3A_139, %get3A_143 : vector<1x16xf32>
          %max3A_145 = arith.constant 0.000000e+00 : f32
          %max3A_146 = vector.broadcast %max3A_145 : f32 to vector<1x16xf32>
          %max3A_147 = arith.maximumf %add3A_144, %max3A_146 : vector<1x16xf32>
          %swap3A_148 = arith.index_cast %add3A_104 : i32 to index
          %swap3A_149 = arith.constant 32 : index
          %swap3A_150 = tpu.vector_load %arg12[%swap3A_148, %swap3A_149] {strides = array<i32>} : memref<64x128xf32, #tpu.memory_space<vmem>>, vector<1x16xf32>,
          %swap3A_151 = vector.shape_cast %swap3A_150 : vector<1x16xf32> to vector<1x16xf32>
          %swap3A_152 = vector.shape_cast %max3A_147 : vector<1x16xf32> to vector<1x16xf32>
          tpu.vector_store %arg12[%swap3A_148, %swap3A_149], %swap3A_152 {strides = array<i32>} : memref<64x128xf32, #tpu.memory_space<vmem>>, vector<1x16xf32>,
          %get3A_153 = arith.index_cast %add3A_104 : i32 to index
          %get3A_154 = arith.constant 48 : index
          %get3A_155 = tpu.vector_load %arg12[%get3A_153, %get3A_154] {strides = array<i32>} : memref<64x128xf32, #tpu.memory_space<vmem>>, vector<1x16xf32>,
          %get3A_156 = vector.shape_cast %get3A_155 : vector<1x16xf32> to vector<1x16xf32>
          %get3A_157 = arith.index_cast %add3A_104 : i32 to index
          %get3A_158 = arith.constant 48 : index
          %get3A_159 = tpu.vector_load %arg14[%get3A_157, %get3A_158] {strides = array<i32>} : memref<64x128xf32, #tpu.memory_space<vmem>>, vector<1x16xf32>,
          %get3A_160 = vector.shape_cast %get3A_159 : vector<1x16xf32> to vector<1x16xf32>
          %add3A_161 = arith.addf %get3A_156, %get3A_160 : vector<1x16xf32>
          %max3A_162 = arith.constant 0.000000e+00 : f32
          %max3A_163 = vector.broadcast %max3A_162 : f32 to vector<1x16xf32>
          %max3A_164 = arith.maximumf %add3A_161, %max3A_163 : vector<1x16xf32>
          %swap3A_165 = arith.index_cast %add3A_104 : i32 to index
          %swap3A_166 = arith.constant 48 : index
          %swap3A_167 = tpu.vector_load %arg12[%swap3A_165, %swap3A_166] {strides = array<i32>} : memref<64x128xf32, #tpu.memory_space<vmem>>, vector<1x16xf32>,
          %swap3A_168 = vector.shape_cast %swap3A_167 : vector<1x16xf32> to vector<1x16xf32>
          %swap3A_169 = vector.shape_cast %max3A_164 : vector<1x16xf32> to vector<1x16xf32>
          tpu.vector_store %arg12[%swap3A_165, %swap3A_166], %swap3A_169 {strides = array<i32>} : memref<64x128xf32, #tpu.memory_space<vmem>>, vector<1x16xf32>,
          %get3A_170 = arith.index_cast %add3A_104 : i32 to index
          %get3A_171 = arith.constant 64 : index
          %get3A_172 = tpu.vector_load %arg12[%get3A_170, %get3A_171] {strides = array<i32>} : memref<64x128xf32, #tpu.memory_space<vmem>>, vector<1x16xf32>,
          %get3A_173 = vector.shape_cast %get3A_172 : vector<1x16xf32> to vector<1x16xf32>
          %get3A_174 = arith.index_cast %add3A_104 : i32 to index
          %get3A_175 = arith.constant 64 : index
          %get3A_176 = tpu.vector_load %arg14[%get3A_174, %get3A_175] {strides = array<i32>} : memref<64x128xf32, #tpu.memory_space<vmem>>, vector<1x16xf32>,
          %get3A_177 = vector.shape_cast %get3A_176 : vector<1x16xf32> to vector<1x16xf32>
          %add3A_178 = arith.addf %get3A_173, %get3A_177 : vector<1x16xf32>
          %max3A_179 = arith.constant 0.000000e+00 : f32
          %max3A_180 = vector.broadcast %max3A_179 : f32 to vector<1x16xf32>
          %max3A_181 = arith.maximumf %add3A_178, %max3A_180 : vector<1x16xf32>
          %swap3A_182 = arith.index_cast %add3A_104 : i32 to index
          %swap3A_183 = arith.constant 64 : index
          %swap3A_184 = tpu.vector_load %arg12[%swap3A_182, %swap3A_183] {strides = array<i32>} : memref<64x128xf32, #tpu.memory_space<vmem>>, vector<1x16xf32>,
          %swap3A_185 = vector.shape_cast %swap3A_184 : vector<1x16xf32> to vector<1x16xf32>
          %swap3A_186 = vector.shape_cast %max3A_181 : vector<1x16xf32> to vector<1x16xf32>
          tpu.vector_store %arg12[%swap3A_182, %swap3A_183], %swap3A_186 {strides = array<i32>} : memref<64x128xf32, #tpu.memory_space<vmem>>, vector<1x16xf32>,
          %get3A_187 = arith.index_cast %add3A_104 : i32 to index
          %get3A_188 = arith.constant 80 : index
          %get3A_189 = tpu.vector_load %arg12[%get3A_187, %get3A_188] {strides = array<i32>} : memref<64x128xf32, #tpu.memory_space<vmem>>, vector<1x16xf32>,
          %get3A_190 = vector.shape_cast %get3A_189 : vector<1x16xf32> to vector<1x16xf32>
          %get3A_191 = arith.index_cast %add3A_104 : i32 to index
          %get3A_192 = arith.constant 80 : index
          %get3A_193 = tpu.vector_load %arg14[%get3A_191, %get3A_192] {strides = array<i32>} : memref<64x128xf32, #tpu.memory_space<vmem>>, vector<1x16xf32>,
          %get3A_194 = vector.shape_cast %get3A_193 : vector<1x16xf32> to vector<1x16xf32>
          %add3A_195 = arith.addf %get3A_190, %get3A_194 : vector<1x16xf32>
          %max3A_196 = arith.constant 0.000000e+00 : f32
          %max3A_197 = vector.broadcast %max3A_196 : f32 to vector<1x16xf32>
          %max3A_198 = arith.maximumf %add3A_195, %max3A_197 : vector<1x16xf32>
          %swap3A_199 = arith.index_cast %add3A_104 : i32 to index
          %swap3A_200 = arith.constant 80 : index
          %swap3A_201 = tpu.vector_load %arg12[%swap3A_199, %swap3A_200] {strides = array<i32>} : memref<64x128xf32, #tpu.memory_space<vmem>>, vector<1x16xf32>,
          %swap3A_202 = vector.shape_cast %swap3A_201 : vector<1x16xf32> to vector<1x16xf32>
          %swap3A_203 = vector.shape_cast %max3A_198 : vector<1x16xf32> to vector<1x16xf32>
          tpu.vector_store %arg12[%swap3A_199, %swap3A_200], %swap3A_203 {strides = array<i32>} : memref<64x128xf32, #tpu.memory_space<vmem>>, vector<1x16xf32>,
          %get3A_204 = arith.index_cast %add3A_104 : i32 to index
          %get3A_205 = arith.constant 96 : index
          %get3A_206 = tpu.vector_load %arg12[%get3A_204, %get3A_205] {strides = array<i32>} : memref<64x128xf32, #tpu.memory_space<vmem>>, vector<1x16xf32>,
          %get3A_207 = vector.shape_cast %get3A_206 : vector<1x16xf32> to vector<1x16xf32>
          %get3A_208 = arith.index_cast %add3A_104 : i32 to index
          %get3A_209 = arith.constant 96 : index
          %get3A_210 = tpu.vector_load %arg14[%get3A_208, %get3A_209] {strides = array<i32>} : memref<64x128xf32, #tpu.memory_space<vmem>>, vector<1x16xf32>,
          %get3A_211 = vector.shape_cast %get3A_210 : vector<1x16xf32> to vector<1x16xf32>
          %add3A_212 = arith.addf %get3A_207, %get3A_211 : vector<1x16xf32>
          %max3A_213 = arith.constant 0.000000e+00 : f32
          %max3A_214 = vector.broadcast %max3A_213 : f32 to vector<1x16xf32>
          %max3A_215 = arith.maximumf %add3A_212, %max3A_214 : vector<1x16xf32>
          %swap3A_216 = arith.index_cast %add3A_104 : i32 to index
          %swap3A_217 = arith.constant 96 : index
          %swap3A_218 = tpu.vector_load %arg12[%swap3A_216, %swap3A_217] {strides = array<i32>} : memref<64x128xf32, #tpu.memory_space<vmem>>, vector<1x16xf32>,
          %swap3A_219 = vector.shape_cast %swap3A_218 : vector<1x16xf32> to vector<1x16xf32>
          %swap3A_220 = vector.shape_cast %max3A_215 : vector<1x16xf32> to vector<1x16xf32>
          tpu.vector_store %arg12[%swap3A_216, %swap3A_217], %swap3A_220 {strides = array<i32>} : memref<64x128xf32, #tpu.memory_space<vmem>>, vector<1x16xf32>,
          %get3A_221 = arith.index_cast %add3A_104 : i32 to index
          %get3A_222 = arith.constant 112 : index
          %get3A_223 = tpu.vector_load %arg12[%get3A_221, %get3A_222] {strides = array<i32>} : memref<64x128xf32, #tpu.memory_space<vmem>>, vector<1x16xf32>,
          %get3A_224 = vector.shape_cast %get3A_223 : vector<1x16xf32> to vector<1x16xf32>
          %get3A_225 = arith.index_cast %add3A_104 : i32 to index
          %get3A_226 = arith.constant 112 : index
          %get3A_227 = tpu.vector_load %arg14[%get3A_225, %get3A_226] {strides = array<i32>} : memref<64x128xf32, #tpu.memory_space<vmem>>, vector<1x16xf32>,
          %get3A_228 = vector.shape_cast %get3A_227 : vector<1x16xf32> to vector<1x16xf32>
          %add3A_229 = arith.addf %get3A_224, %get3A_228 : vector<1x16xf32>
          %max3A_230 = arith.constant 0.000000e+00 : f32
          %max3A_231 = vector.broadcast %max3A_230 : f32 to vector<1x16xf32>
          %max3A_232 = arith.maximumf %add3A_229, %max3A_231 : vector<1x16xf32>
          %swap3A_233 = arith.index_cast %add3A_104 : i32 to index
          %swap3A_234 = arith.constant 112 : index
          %swap3A_235 = tpu.vector_load %arg12[%swap3A_233, %swap3A_234] {strides = array<i32>} : memref<64x128xf32, #tpu.memory_space<vmem>>, vector<1x16xf32>,
          %swap3A_236 = vector.shape_cast %swap3A_235 : vector<1x16xf32> to vector<1x16xf32>
          %swap3A_237 = vector.shape_cast %max3A_232 : vector<1x16xf32> to vector<1x16xf32>
          tpu.vector_store %arg12[%swap3A_233, %swap3A_234], %swap3A_237 {strides = array<i32>} : memref<64x128xf32, #tpu.memory_space<vmem>>, vector<1x16xf32>,
        }
        %scan3A_76 = arith.constant 64 : i32
        "tpu.region"() ({
          %run_scoped3A = tpu.sem_alloc : memref<!tpu.dma_semaphore, #tpu.memory_space<semaphore_mem>>
          %dma_start3A_100 = arith.constant 0 : i32
          %dma_start3A_101 = tpu.memref_slice %arg10[%mul3A_44, %dma_start3A_100] : memref<16x64xi32, #tpu.memory_space<vmem>> -> memref<1x64xi32, #tpu.memory_space<vmem>>
          %dma_start3A_102 = tpu.memref_squeeze %dma_start3A_101 : memref<1x64xi32, #tpu.memory_space<vmem>> -> memref<64xi32, #tpu.memory_space<vmem>>
          %dma_start3A_103 = arith.constant 0 : i32
          %dma_start3A_104 = arith.constant 0 : i32
          %dma_start3A_105 = tpu.memref_slice %arg16[%dma_start3A_103, %dma_start3A_104] : memref<10112x128xf32, #tpu.memory_space<vmem_shared>> -> memref<10112x128xf32, #tpu.memory_space<vmem_shared>>
          tpu.enqueue_indirect_dma source(%arg12 : memref<64x128xf32, #tpu.memory_space<vmem>>) target(%dma_start3A_105 : memref<10112x128xf32, #tpu.memory_space<vmem_shared>>) offsets(%dma_start3A_102 : memref<64xi32, #tpu.memory_space<vmem>>) semaphore(%run_scoped3A : memref<!tpu.dma_semaphore, #tpu.memory_space<semaphore_mem>>) {add = true}
          %dma_wait3A_106 = arith.constant 0 : i32
          %dma_wait3A_107 = tpu.memref_slice %arg10[%mul3A_44, %dma_wait3A_106] : memref<16x64xi32, #tpu.memory_space<vmem>> -> memref<1x64xi32, #tpu.memory_space<vmem>>
          %dma_wait3A_108 = tpu.memref_squeeze %dma_wait3A_107 : memref<1x64xi32, #tpu.memory_space<vmem>> -> memref<64xi32, #tpu.memory_space<vmem>>
          %dma_wait3A_109 = arith.constant 0 : i32
          %dma_wait3A_110 = arith.constant 0 : i32
          %dma_wait3A_111 = tpu.memref_slice %arg16[%dma_wait3A_109, %dma_wait3A_110] : memref<10112x128xf32, #tpu.memory_space<vmem_shared>> -> memref<10112x128xf32, #tpu.memory_space<vmem_shared>>
          tpu.wait_indirect_dma semaphore(%run_scoped3A : memref<!tpu.dma_semaphore, #tpu.memory_space<semaphore_mem>>) src(%arg12 : memref<64x128xf32, #tpu.memory_space<vmem>>) dst(%dma_wait3A_111 : memref<10112x128xf32, #tpu.memory_space<vmem_shared>>)
          tpu.yield
        }) : () -> ()
        %dma_wait3A_77 = arith.constant 0 : i32
        %dma_wait3A_78 = arith.constant 0 : i32
        %dma_wait3A_79 = tpu.memref_slice %arg9[%dma_wait3A_77, %dma_wait3A_78] : memref<16x64xi32, #tpu.memory_space<vmem>> -> memref<1x64xi32, #tpu.memory_space<vmem>>
        %dma_wait3A_80 = tpu.memref_squeeze %dma_wait3A_79 : memref<1x64xi32, #tpu.memory_space<vmem>> -> memref<64xi32, #tpu.memory_space<vmem>>
        %dma_wait3A_81 = arith.constant 0 : i32
        %dma_wait3A_82 = arith.constant 0 : i32
        %dma_wait3A_83 = tpu.memref_slice %arg2[%dma_wait3A_81, %dma_wait3A_82] : memref<10000x128xf32, #tpu.memory_space<hbm>> -> memref<10000x128xf32, #tpu.memory_space<hbm>>
        tpu.wait_indirect_dma semaphore(%arg18 : memref<!tpu.dma_semaphore, #tpu.memory_space<semaphore_mem>>) src(%dma_wait3A_83 : memref<10000x128xf32, #tpu.memory_space<hbm>>) dst(%arg13 : memref<64x128xf32, #tpu.memory_space<vmem>>)
        %dma_wait3A_84 = arith.constant 0 : i32
        %dma_wait3A_85 = arith.constant 0 : i32
        %dma_wait3A_86 = tpu.memref_slice %arg11[%dma_wait3A_84, %dma_wait3A_85] : memref<16x64xi32, #tpu.memory_space<vmem>> -> memref<1x64xi32, #tpu.memory_space<vmem>>
        %dma_wait3A_87 = tpu.memref_squeeze %dma_wait3A_86 : memref<1x64xi32, #tpu.memory_space<vmem>> -> memref<64xi32, #tpu.memory_space<vmem>>
        %dma_wait3A_88 = arith.constant 0 : i32
        %dma_wait3A_89 = arith.constant 0 : i32
        %dma_wait3A_90 = tpu.memref_slice %arg3[%dma_wait3A_88, %dma_wait3A_89] : memref<216x128xf32, #tpu.memory_space<hbm>> -> memref<216x128xf32, #tpu.memory_space<hbm>>
        tpu.wait_indirect_dma semaphore(%arg20 : memref<!tpu.dma_semaphore, #tpu.memory_space<semaphore_mem>>) src(%dma_wait3A_90 : memref<216x128xf32, #tpu.memory_space<hbm>>) dst(%arg15 : memref<64x128xf32, #tpu.memory_space<vmem>>)
        %lt3A = arith.constant 7 : i32
        %lt3A_91 = arith.cmpi slt, %add3A_42, %lt3A : i32
        %convert_element_type3A = arith.extui %lt3A_91 : i1 to i32
        %cond3A = arith.constant 0 : i32
        %cond3A_92 = arith.cmpi ne, %convert_element_type3A, %cond3A : i32
        scf.if %cond3A_92 {
          %add3A_100 = arith.constant 2 : i32
          %add3A_101 = arith.addi %mul3A_44, %add3A_100 : i32
          %dma_start3A_102 = arith.constant 0 : i32
          %dma_start3A_103 = tpu.memref_slice %arg9[%add3A_101, %dma_start3A_102] : memref<16x64xi32, #tpu.memory_space<vmem>> -> memref<1x64xi32, #tpu.memory_space<vmem>>
          %dma_start3A_104 = tpu.memref_squeeze %dma_start3A_103 : memref<1x64xi32, #tpu.memory_space<vmem>> -> memref<64xi32, #tpu.memory_space<vmem>>
          %dma_start3A_105 = arith.constant 0 : i32
          %dma_start3A_106 = arith.constant 0 : i32
          %dma_start3A_107 = tpu.memref_slice %arg2[%dma_start3A_105, %dma_start3A_106] : memref<10000x128xf32, #tpu.memory_space<hbm>> -> memref<10000x128xf32, #tpu.memory_space<hbm>>
          tpu.enqueue_indirect_dma source(%dma_start3A_107 : memref<10000x128xf32, #tpu.memory_space<hbm>>) target(%arg12 : memref<64x128xf32, #tpu.memory_space<vmem>>) offsets(%dma_start3A_104 : memref<64xi32, #tpu.memory_space<vmem>>) semaphore(%arg17 : memref<!tpu.dma_semaphore, #tpu.memory_space<semaphore_mem>>)
          %dma_start3A_108 = arith.constant 0 : i32
          %dma_start3A_109 = tpu.memref_slice %arg11[%add3A_101, %dma_start3A_108] : memref<16x64xi32, #tpu.memory_space<vmem>> -> memref<1x64xi32, #tpu.memory_space<vmem>>
          %dma_start3A_110 = tpu.memref_squeeze %dma_start3A_109 : memref<1x64xi32, #tpu.memory_space<vmem>> -> memref<64xi32, #tpu.memory_space<vmem>>
          %dma_start3A_111 = arith.constant 0 : i32
          %dma_start3A_112 = arith.constant 0 : i32
          %dma_start3A_113 = tpu.memref_slice %arg3[%dma_start3A_111, %dma_start3A_112] : memref<216x128xf32, #tpu.memory_space<hbm>> -> memref<216x128xf32, #tpu.memory_space<hbm>>
          tpu.enqueue_indirect_dma source(%dma_start3A_113 : memref<216x128xf32, #tpu.memory_space<hbm>>) target(%arg14 : memref<64x128xf32, #tpu.memory_space<vmem>>) offsets(%dma_start3A_110 : memref<64xi32, #tpu.memory_space<vmem>>) semaphore(%arg19 : memref<!tpu.dma_semaphore, #tpu.memory_space<semaphore_mem>>)
        } else {
        }
        %scan3A_93 = arith.constant 0 : i32
        %scan3A_94 = arith.constant 64 : i32
        %scan3A_95 = arith.addi %scan3A_93, %scan3A_94 : i32
        %scan3A_96 = arith.constant 1 : i32
        scf.for %scan3A_100 = %scan3A_93 to %scan3A_95 step %scan3A_96  : i32 {
          %mul3A_101 = arith.constant 1 : i32
          %mul3A_102 = arith.muli %scan3A_100, %mul3A_101 : i32
          %add3A_103 = arith.constant 0 : i32
          %add3A_104 = arith.addi %add3A_103, %mul3A_102 : i32
          %get3A = arith.index_cast %add3A_104 : i32 to index
          %get3A_105 = arith.constant 0 : index
          %get3A_106 = tpu.vector_load %arg13[%get3A, %get3A_105] {strides = array<i32>} : memref<64x128xf32, #tpu.memory_space<vmem>>, vector<1x16xf32>,
          %get3A_107 = vector.shape_cast %get3A_106 : vector<1x16xf32> to vector<1x16xf32>
          %get3A_108 = arith.index_cast %add3A_104 : i32 to index
          %get3A_109 = arith.constant 0 : index
          %get3A_110 = tpu.vector_load %arg15[%get3A_108, %get3A_109] {strides = array<i32>} : memref<64x128xf32, #tpu.memory_space<vmem>>, vector<1x16xf32>,
          %get3A_111 = vector.shape_cast %get3A_110 : vector<1x16xf32> to vector<1x16xf32>
          %add3A_112 = arith.addf %get3A_107, %get3A_111 : vector<1x16xf32>
          %max3A = arith.constant 0.000000e+00 : f32
          %max3A_113 = vector.broadcast %max3A : f32 to vector<1x16xf32>
          %max3A_114 = arith.maximumf %add3A_112, %max3A_113 : vector<1x16xf32>
          %swap3A = arith.index_cast %add3A_104 : i32 to index
          %swap3A_115 = arith.constant 0 : index
          %swap3A_116 = tpu.vector_load %arg13[%swap3A, %swap3A_115] {strides = array<i32>} : memref<64x128xf32, #tpu.memory_space<vmem>>, vector<1x16xf32>,
          %swap3A_117 = vector.shape_cast %swap3A_116 : vector<1x16xf32> to vector<1x16xf32>
          %swap3A_118 = vector.shape_cast %max3A_114 : vector<1x16xf32> to vector<1x16xf32>
          tpu.vector_store %arg13[%swap3A, %swap3A_115], %swap3A_118 {strides = array<i32>} : memref<64x128xf32, #tpu.memory_space<vmem>>, vector<1x16xf32>,
          %get3A_119 = arith.index_cast %add3A_104 : i32 to index
          %get3A_120 = arith.constant 16 : index
          %get3A_121 = tpu.vector_load %arg13[%get3A_119, %get3A_120] {strides = array<i32>} : memref<64x128xf32, #tpu.memory_space<vmem>>, vector<1x16xf32>,
          %get3A_122 = vector.shape_cast %get3A_121 : vector<1x16xf32> to vector<1x16xf32>
          %get3A_123 = arith.index_cast %add3A_104 : i32 to index
          %get3A_124 = arith.constant 16 : index
          %get3A_125 = tpu.vector_load %arg15[%get3A_123, %get3A_124] {strides = array<i32>} : memref<64x128xf32, #tpu.memory_space<vmem>>, vector<1x16xf32>,
          %get3A_126 = vector.shape_cast %get3A_125 : vector<1x16xf32> to vector<1x16xf32>
          %add3A_127 = arith.addf %get3A_122, %get3A_126 : vector<1x16xf32>
          %max3A_128 = arith.constant 0.000000e+00 : f32
          %max3A_129 = vector.broadcast %max3A_128 : f32 to vector<1x16xf32>
          %max3A_130 = arith.maximumf %add3A_127, %max3A_129 : vector<1x16xf32>
          %swap3A_131 = arith.index_cast %add3A_104 : i32 to index
          %swap3A_132 = arith.constant 16 : index
          %swap3A_133 = tpu.vector_load %arg13[%swap3A_131, %swap3A_132] {strides = array<i32>} : memref<64x128xf32, #tpu.memory_space<vmem>>, vector<1x16xf32>,
          %swap3A_134 = vector.shape_cast %swap3A_133 : vector<1x16xf32> to vector<1x16xf32>
          %swap3A_135 = vector.shape_cast %max3A_130 : vector<1x16xf32> to vector<1x16xf32>
          tpu.vector_store %arg13[%swap3A_131, %swap3A_132], %swap3A_135 {strides = array<i32>} : memref<64x128xf32, #tpu.memory_space<vmem>>, vector<1x16xf32>,
          %get3A_136 = arith.index_cast %add3A_104 : i32 to index
          %get3A_137 = arith.constant 32 : index
          %get3A_138 = tpu.vector_load %arg13[%get3A_136, %get3A_137] {strides = array<i32>} : memref<64x128xf32, #tpu.memory_space<vmem>>, vector<1x16xf32>,
          %get3A_139 = vector.shape_cast %get3A_138 : vector<1x16xf32> to vector<1x16xf32>
          %get3A_140 = arith.index_cast %add3A_104 : i32 to index
          %get3A_141 = arith.constant 32 : index
          %get3A_142 = tpu.vector_load %arg15[%get3A_140, %get3A_141] {strides = array<i32>} : memref<64x128xf32, #tpu.memory_space<vmem>>, vector<1x16xf32>,
          %get3A_143 = vector.shape_cast %get3A_142 : vector<1x16xf32> to vector<1x16xf32>
          %add3A_144 = arith.addf %get3A_139, %get3A_143 : vector<1x16xf32>
          %max3A_145 = arith.constant 0.000000e+00 : f32
          %max3A_146 = vector.broadcast %max3A_145 : f32 to vector<1x16xf32>
          %max3A_147 = arith.maximumf %add3A_144, %max3A_146 : vector<1x16xf32>
          %swap3A_148 = arith.index_cast %add3A_104 : i32 to index
          %swap3A_149 = arith.constant 32 : index
          %swap3A_150 = tpu.vector_load %arg13[%swap3A_148, %swap3A_149] {strides = array<i32>} : memref<64x128xf32, #tpu.memory_space<vmem>>, vector<1x16xf32>,
          %swap3A_151 = vector.shape_cast %swap3A_150 : vector<1x16xf32> to vector<1x16xf32>
          %swap3A_152 = vector.shape_cast %max3A_147 : vector<1x16xf32> to vector<1x16xf32>
          tpu.vector_store %arg13[%swap3A_148, %swap3A_149], %swap3A_152 {strides = array<i32>} : memref<64x128xf32, #tpu.memory_space<vmem>>, vector<1x16xf32>,
          %get3A_153 = arith.index_cast %add3A_104 : i32 to index
          %get3A_154 = arith.constant 48 : index
          %get3A_155 = tpu.vector_load %arg13[%get3A_153, %get3A_154] {strides = array<i32>} : memref<64x128xf32, #tpu.memory_space<vmem>>, vector<1x16xf32>,
          %get3A_156 = vector.shape_cast %get3A_155 : vector<1x16xf32> to vector<1x16xf32>
          %get3A_157 = arith.index_cast %add3A_104 : i32 to index
          %get3A_158 = arith.constant 48 : index
          %get3A_159 = tpu.vector_load %arg15[%get3A_157, %get3A_158] {strides = array<i32>} : memref<64x128xf32, #tpu.memory_space<vmem>>, vector<1x16xf32>,
          %get3A_160 = vector.shape_cast %get3A_159 : vector<1x16xf32> to vector<1x16xf32>
          %add3A_161 = arith.addf %get3A_156, %get3A_160 : vector<1x16xf32>
          %max3A_162 = arith.constant 0.000000e+00 : f32
          %max3A_163 = vector.broadcast %max3A_162 : f32 to vector<1x16xf32>
          %max3A_164 = arith.maximumf %add3A_161, %max3A_163 : vector<1x16xf32>
          %swap3A_165 = arith.index_cast %add3A_104 : i32 to index
          %swap3A_166 = arith.constant 48 : index
          %swap3A_167 = tpu.vector_load %arg13[%swap3A_165, %swap3A_166] {strides = array<i32>} : memref<64x128xf32, #tpu.memory_space<vmem>>, vector<1x16xf32>,
          %swap3A_168 = vector.shape_cast %swap3A_167 : vector<1x16xf32> to vector<1x16xf32>
          %swap3A_169 = vector.shape_cast %max3A_164 : vector<1x16xf32> to vector<1x16xf32>
          tpu.vector_store %arg13[%swap3A_165, %swap3A_166], %swap3A_169 {strides = array<i32>} : memref<64x128xf32, #tpu.memory_space<vmem>>, vector<1x16xf32>,
          %get3A_170 = arith.index_cast %add3A_104 : i32 to index
          %get3A_171 = arith.constant 64 : index
          %get3A_172 = tpu.vector_load %arg13[%get3A_170, %get3A_171] {strides = array<i32>} : memref<64x128xf32, #tpu.memory_space<vmem>>, vector<1x16xf32>,
          %get3A_173 = vector.shape_cast %get3A_172 : vector<1x16xf32> to vector<1x16xf32>
          %get3A_174 = arith.index_cast %add3A_104 : i32 to index
          %get3A_175 = arith.constant 64 : index
          %get3A_176 = tpu.vector_load %arg15[%get3A_174, %get3A_175] {strides = array<i32>} : memref<64x128xf32, #tpu.memory_space<vmem>>, vector<1x16xf32>,
          %get3A_177 = vector.shape_cast %get3A_176 : vector<1x16xf32> to vector<1x16xf32>
          %add3A_178 = arith.addf %get3A_173, %get3A_177 : vector<1x16xf32>
          %max3A_179 = arith.constant 0.000000e+00 : f32
          %max3A_180 = vector.broadcast %max3A_179 : f32 to vector<1x16xf32>
          %max3A_181 = arith.maximumf %add3A_178, %max3A_180 : vector<1x16xf32>
          %swap3A_182 = arith.index_cast %add3A_104 : i32 to index
          %swap3A_183 = arith.constant 64 : index
          %swap3A_184 = tpu.vector_load %arg13[%swap3A_182, %swap3A_183] {strides = array<i32>} : memref<64x128xf32, #tpu.memory_space<vmem>>, vector<1x16xf32>,
          %swap3A_185 = vector.shape_cast %swap3A_184 : vector<1x16xf32> to vector<1x16xf32>
          %swap3A_186 = vector.shape_cast %max3A_181 : vector<1x16xf32> to vector<1x16xf32>
          tpu.vector_store %arg13[%swap3A_182, %swap3A_183], %swap3A_186 {strides = array<i32>} : memref<64x128xf32, #tpu.memory_space<vmem>>, vector<1x16xf32>,
          %get3A_187 = arith.index_cast %add3A_104 : i32 to index
          %get3A_188 = arith.constant 80 : index
          %get3A_189 = tpu.vector_load %arg13[%get3A_187, %get3A_188] {strides = array<i32>} : memref<64x128xf32, #tpu.memory_space<vmem>>, vector<1x16xf32>,
          %get3A_190 = vector.shape_cast %get3A_189 : vector<1x16xf32> to vector<1x16xf32>
          %get3A_191 = arith.index_cast %add3A_104 : i32 to index
          %get3A_192 = arith.constant 80 : index
          %get3A_193 = tpu.vector_load %arg15[%get3A_191, %get3A_192] {strides = array<i32>} : memref<64x128xf32, #tpu.memory_space<vmem>>, vector<1x16xf32>,
          %get3A_194 = vector.shape_cast %get3A_193 : vector<1x16xf32> to vector<1x16xf32>
          %add3A_195 = arith.addf %get3A_190, %get3A_194 : vector<1x16xf32>
          %max3A_196 = arith.constant 0.000000e+00 : f32
          %max3A_197 = vector.broadcast %max3A_196 : f32 to vector<1x16xf32>
          %max3A_198 = arith.maximumf %add3A_195, %max3A_197 : vector<1x16xf32>
          %swap3A_199 = arith.index_cast %add3A_104 : i32 to index
          %swap3A_200 = arith.constant 80 : index
          %swap3A_201 = tpu.vector_load %arg13[%swap3A_199, %swap3A_200] {strides = array<i32>} : memref<64x128xf32, #tpu.memory_space<vmem>>, vector<1x16xf32>,
          %swap3A_202 = vector.shape_cast %swap3A_201 : vector<1x16xf32> to vector<1x16xf32>
          %swap3A_203 = vector.shape_cast %max3A_198 : vector<1x16xf32> to vector<1x16xf32>
          tpu.vector_store %arg13[%swap3A_199, %swap3A_200], %swap3A_203 {strides = array<i32>} : memref<64x128xf32, #tpu.memory_space<vmem>>, vector<1x16xf32>,
          %get3A_204 = arith.index_cast %add3A_104 : i32 to index
          %get3A_205 = arith.constant 96 : index
          %get3A_206 = tpu.vector_load %arg13[%get3A_204, %get3A_205] {strides = array<i32>} : memref<64x128xf32, #tpu.memory_space<vmem>>, vector<1x16xf32>,
          %get3A_207 = vector.shape_cast %get3A_206 : vector<1x16xf32> to vector<1x16xf32>
          %get3A_208 = arith.index_cast %add3A_104 : i32 to index
          %get3A_209 = arith.constant 96 : index
          %get3A_210 = tpu.vector_load %arg15[%get3A_208, %get3A_209] {strides = array<i32>} : memref<64x128xf32, #tpu.memory_space<vmem>>, vector<1x16xf32>,
          %get3A_211 = vector.shape_cast %get3A_210 : vector<1x16xf32> to vector<1x16xf32>
          %add3A_212 = arith.addf %get3A_207, %get3A_211 : vector<1x16xf32>
          %max3A_213 = arith.constant 0.000000e+00 : f32
          %max3A_214 = vector.broadcast %max3A_213 : f32 to vector<1x16xf32>
          %max3A_215 = arith.maximumf %add3A_212, %max3A_214 : vector<1x16xf32>
          %swap3A_216 = arith.index_cast %add3A_104 : i32 to index
          %swap3A_217 = arith.constant 96 : index
          %swap3A_218 = tpu.vector_load %arg13[%swap3A_216, %swap3A_217] {strides = array<i32>} : memref<64x128xf32, #tpu.memory_space<vmem>>, vector<1x16xf32>,
          %swap3A_219 = vector.shape_cast %swap3A_218 : vector<1x16xf32> to vector<1x16xf32>
          %swap3A_220 = vector.shape_cast %max3A_215 : vector<1x16xf32> to vector<1x16xf32>
          tpu.vector_store %arg13[%swap3A_216, %swap3A_217], %swap3A_220 {strides = array<i32>} : memref<64x128xf32, #tpu.memory_space<vmem>>, vector<1x16xf32>,
          %get3A_221 = arith.index_cast %add3A_104 : i32 to index
          %get3A_222 = arith.constant 112 : index
          %get3A_223 = tpu.vector_load %arg13[%get3A_221, %get3A_222] {strides = array<i32>} : memref<64x128xf32, #tpu.memory_space<vmem>>, vector<1x16xf32>,
          %get3A_224 = vector.shape_cast %get3A_223 : vector<1x16xf32> to vector<1x16xf32>
          %get3A_225 = arith.index_cast %add3A_104 : i32 to index
          %get3A_226 = arith.constant 112 : index
          %get3A_227 = tpu.vector_load %arg15[%get3A_225, %get3A_226] {strides = array<i32>} : memref<64x128xf32, #tpu.memory_space<vmem>>, vector<1x16xf32>,
          %get3A_228 = vector.shape_cast %get3A_227 : vector<1x16xf32> to vector<1x16xf32>
          %add3A_229 = arith.addf %get3A_224, %get3A_228 : vector<1x16xf32>
          %max3A_230 = arith.constant 0.000000e+00 : f32
          %max3A_231 = vector.broadcast %max3A_230 : f32 to vector<1x16xf32>
          %max3A_232 = arith.maximumf %add3A_229, %max3A_231 : vector<1x16xf32>
          %swap3A_233 = arith.index_cast %add3A_104 : i32 to index
          %swap3A_234 = arith.constant 112 : index
          %swap3A_235 = tpu.vector_load %arg13[%swap3A_233, %swap3A_234] {strides = array<i32>} : memref<64x128xf32, #tpu.memory_space<vmem>>, vector<1x16xf32>,
          %swap3A_236 = vector.shape_cast %swap3A_235 : vector<1x16xf32> to vector<1x16xf32>
          %swap3A_237 = vector.shape_cast %max3A_232 : vector<1x16xf32> to vector<1x16xf32>
          tpu.vector_store %arg13[%swap3A_233, %swap3A_234], %swap3A_237 {strides = array<i32>} : memref<64x128xf32, #tpu.memory_space<vmem>>, vector<1x16xf32>,
        }
        %scan3A_97 = arith.constant 64 : i32
        %add3A_98 = arith.constant 1 : i32
        %add3A_99 = arith.addi %mul3A_44, %add3A_98 : i32
        "tpu.region"() ({
          %run_scoped3A = tpu.sem_alloc : memref<!tpu.dma_semaphore, #tpu.memory_space<semaphore_mem>>
          %dma_start3A_100 = arith.constant 0 : i32
          %dma_start3A_101 = tpu.memref_slice %arg10[%add3A_99, %dma_start3A_100] : memref<16x64xi32, #tpu.memory_space<vmem>> -> memref<1x64xi32, #tpu.memory_space<vmem>>
          %dma_start3A_102 = tpu.memref_squeeze %dma_start3A_101 : memref<1x64xi32, #tpu.memory_space<vmem>> -> memref<64xi32, #tpu.memory_space<vmem>>
          %dma_start3A_103 = arith.constant 0 : i32
          %dma_start3A_104 = arith.constant 0 : i32
          %dma_start3A_105 = tpu.memref_slice %arg16[%dma_start3A_103, %dma_start3A_104] : memref<10112x128xf32, #tpu.memory_space<vmem_shared>> -> memref<10112x128xf32, #tpu.memory_space<vmem_shared>>
          tpu.enqueue_indirect_dma source(%arg13 : memref<64x128xf32, #tpu.memory_space<vmem>>) target(%dma_start3A_105 : memref<10112x128xf32, #tpu.memory_space<vmem_shared>>) offsets(%dma_start3A_102 : memref<64xi32, #tpu.memory_space<vmem>>) semaphore(%run_scoped3A : memref<!tpu.dma_semaphore, #tpu.memory_space<semaphore_mem>>) {add = true}
          %dma_wait3A_106 = arith.constant 0 : i32
          %dma_wait3A_107 = tpu.memref_slice %arg10[%add3A_99, %dma_wait3A_106] : memref<16x64xi32, #tpu.memory_space<vmem>> -> memref<1x64xi32, #tpu.memory_space<vmem>>
          %dma_wait3A_108 = tpu.memref_squeeze %dma_wait3A_107 : memref<1x64xi32, #tpu.memory_space<vmem>> -> memref<64xi32, #tpu.memory_space<vmem>>
          %dma_wait3A_109 = arith.constant 0 : i32
          %dma_wait3A_110 = arith.constant 0 : i32
          %dma_wait3A_111 = tpu.memref_slice %arg16[%dma_wait3A_109, %dma_wait3A_110] : memref<10112x128xf32, #tpu.memory_space<vmem_shared>> -> memref<10112x128xf32, #tpu.memory_space<vmem_shared>>
          tpu.wait_indirect_dma semaphore(%run_scoped3A : memref<!tpu.dma_semaphore, #tpu.memory_space<semaphore_mem>>) src(%arg13 : memref<64x128xf32, #tpu.memory_space<vmem>>) dst(%dma_wait3A_111 : memref<10112x128xf32, #tpu.memory_space<vmem_shared>>)
          tpu.yield
        }) : () -> ()
      }
      %scan3A_37 = arith.constant 8 : i32
    }
    %scan3A_4 = arith.constant 10 : i32
    %barrier3A_5 = arith.constant 0 : index
    tpu.barrier barrier_id(%barrier3A_5)
    %mul3A_6 = arith.constant 632 : i32
    %mul3A_7 = arith.muli %arg1, %mul3A_6 : i32
    %mul3A_8 = arith.constant 632 : i32
    %mul3A_9 = arith.muli %arg1, %mul3A_8 : i32
    "tpu.region"() ({
      %run_scoped3A = tpu.sem_alloc : memref<!tpu.dma_semaphore, #tpu.memory_space<semaphore_mem>>
      %dma_start3A = arith.constant 0 : i32
      %dma_start3A_10 = tpu.memref_slice %arg8[%arg0, %mul3A_9, %dma_start3A] : memref<2x10112x128xf32, #tpu.memory_space<hbm>> -> memref<1x632x128xf32, #tpu.memory_space<hbm>>
      %dma_start3A_11 = tpu.memref_squeeze %dma_start3A_10 : memref<1x632x128xf32, #tpu.memory_space<hbm>> -> memref<632x128xf32, #tpu.memory_space<hbm>>
      %dma_start3A_12 = arith.constant 0 : i32
      %dma_start3A_13 = tpu.memref_slice %arg16[%mul3A_7, %dma_start3A_12] : memref<10112x128xf32, #tpu.memory_space<vmem_shared>> -> memref<632x128xf32, #tpu.memory_space<vmem_shared>>
      tpu.enqueue_dma source(%dma_start3A_13 : memref<632x128xf32, #tpu.memory_space<vmem_shared>>) target(%dma_start3A_11 : memref<632x128xf32, #tpu.memory_space<hbm>>) target_semaphore(%run_scoped3A : memref<!tpu.dma_semaphore, #tpu.memory_space<semaphore_mem>>)
      %dma_wait3A = arith.constant 0 : i32
      %dma_wait3A_14 = tpu.memref_slice %arg8[%arg0, %mul3A_9, %dma_wait3A] : memref<2x10112x128xf32, #tpu.memory_space<hbm>> -> memref<1x632x128xf32, #tpu.memory_space<hbm>>
      %dma_wait3A_15 = tpu.memref_squeeze %dma_wait3A_14 : memref<1x632x128xf32, #tpu.memory_space<hbm>> -> memref<632x128xf32, #tpu.memory_space<hbm>>
      %dma_wait3A_16 = arith.constant 0 : i32
      %dma_wait3A_17 = tpu.memref_slice %arg16[%mul3A_7, %dma_wait3A_16] : memref<10112x128xf32, #tpu.memory_space<vmem_shared>> -> memref<632x128xf32, #tpu.memory_space<vmem_shared>>
      tpu.wait_dma2 semaphore(%run_scoped3A : memref<!tpu.dma_semaphore, #tpu.memory_space<semaphore_mem>>) src(%dma_wait3A_17 : memref<632x128xf32, #tpu.memory_space<vmem_shared>>) dst(%dma_wait3A_15 : memref<632x128xf32, #tpu.memory_space<hbm>>)
      tpu.yield
    }) : () -> ()
    return
  }
}

#map = affine_map<(d0, d1) -> (0, 0)>
#map1 = affine_map<(d0, d1) -> (0, 0, 0, 0)>
#map2 = affine_map<(d0, d1) -> (0, 0, 0)>
module attributes {stable_mosaic.version = 14 : i64} {
  func.func @k(%arg0: i32, %arg1: i32, %arg2: memref<10000x128xf32, #tpu.memory_space<hbm>>, %arg3: memref<216x128xf32, #tpu.memory_space<hbm>>, %arg4: memref<2x16x160x64xi32, #tpu.memory_space<hbm>>, %arg5: memref<2x16x160x64xi32, #tpu.memory_space<hbm>>, %arg6: memref<2x16x160x64xi32, #tpu.memory_space<hbm>>, %arg7: memref<632x128xf32, #tpu.memory_space<hbm>>, %arg8: memref<2x10112x128xf32, #tpu.memory_space<hbm>>, %arg9: memref<16x64xi32, #tpu.memory_space<vmem>>, %arg10: memref<16x64xi32, #tpu.memory_space<vmem>>, %arg11: memref<16x64xi32, #tpu.memory_space<vmem>>, %arg12: memref<64x128xf32, #tpu.memory_space<vmem>>, %arg13: memref<64x128xf32, #tpu.memory_space<vmem>>, %arg14: memref<64x128xf32, #tpu.memory_space<vmem>>, %arg15: memref<64x128xf32, #tpu.memory_space<vmem>>, %arg16: memref<10112x128xf32, #tpu.memory_space<vmem_shared>>, %arg17: memref<!tpu.dma_semaphore, #tpu.memory_space<semaphore_mem>>, %arg18: memref<!tpu.dma_semaphore, #tpu.memory_space<semaphore_mem>>, %arg19: memref<!tpu.dma_semaphore, #tpu.memory_space<semaphore_mem>>, %arg20: memref<!tpu.dma_semaphore, #tpu.memory_space<semaphore_mem>>) attributes {dimension_semantics = [#tpu.dimension_semantics<core_parallel>, #tpu.dimension_semantics<subcore_parallel>], iteration_bounds = array<i64: 2, 16>, scalar_prefetch = 0 : i64, scratch_operands = 12 : i64, tpu.core_type = #tpu.core_type<sc_vector_subcore>, window_params = [{transform_indices = #map}, {transform_indices = #map}, {transform_indices = #map1}, {transform_indices = #map1}, {transform_indices = #map1}, {transform_indices = #map}, {transform_indices = #map2}]} {
    %mul3A = arith.constant 632 : i32
    %mul3A_0 = arith.muli %arg1, %mul3A : i32
    "tpu.region"() ({
      %run_scoped3A = tpu.sem_alloc : memref<!tpu.dma_semaphore, #tpu.memory_space<semaphore_mem>>
      %dma_start3A = arith.constant 0 : i32
      %dma_start3A_10 = tpu.memref_slice %arg16[%mul3A_0, %dma_start3A] : memref<10112x128xf32, #tpu.memory_space<vmem_shared>> -> memref<632x128xf32, #tpu.memory_space<vmem_shared>>
      %dma_start3A_11 = arith.constant 0 : i32
      %dma_start3A_12 = arith.constant 0 : i32
      %dma_start3A_13 = tpu.memref_slice %arg7[%dma_start3A_11, %dma_start3A_12] : memref<632x128xf32, #tpu.memory_space<hbm>> -> memref<632x128xf32, #tpu.memory_space<hbm>>
      tpu.enqueue_dma source(%dma_start3A_13 : memref<632x128xf32, #tpu.memory_space<hbm>>) target(%dma_start3A_10 : memref<632x128xf32, #tpu.memory_space<vmem_shared>>) target_semaphore(%run_scoped3A : memref<!tpu.dma_semaphore, #tpu.memory_space<semaphore_mem>>)
      %dma_wait3A = arith.constant 0 : i32
      %dma_wait3A_14 = tpu.memref_slice %arg16[%mul3A_0, %dma_wait3A] : memref<10112x128xf32, #tpu.memory_space<vmem_shared>> -> memref<632x128xf32, #tpu.memory_space<vmem_shared>>
      %dma_wait3A_15 = arith.constant 0 : i32
      %dma_wait3A_16 = arith.constant 0 : i32
      %dma_wait3A_17 = tpu.memref_slice %arg7[%dma_wait3A_15, %dma_wait3A_16] : memref<632x128xf32, #tpu.memory_space<hbm>> -> memref<632x128xf32, #tpu.memory_space<hbm>>
      tpu.wait_dma2 semaphore(%run_scoped3A : memref<!tpu.dma_semaphore, #tpu.memory_space<semaphore_mem>>) src(%dma_wait3A_17 : memref<632x128xf32, #tpu.memory_space<hbm>>) dst(%dma_wait3A_14 : memref<632x128xf32, #tpu.memory_space<vmem_shared>>)
      tpu.yield
    }) : () -> ()
    %barrier3A = arith.constant 0 : index
    tpu.barrier barrier_id(%barrier3A)
    %scan3A = arith.constant 0 : i32
    %scan3A_1 = arith.constant 10 : i32
    %scan3A_2 = arith.addi %scan3A, %scan3A_1 : i32
    %scan3A_3 = arith.constant 1 : i32
    scf.for %scan3A_10 = %scan3A to %scan3A_2 step %scan3A_3  : i32 {
      %mul3A_11 = arith.constant 1 : i32
      %mul3A_12 = arith.muli %scan3A_10, %mul3A_11 : i32
      %add3A = arith.constant 0 : i32
      %add3A_13 = arith.addi %add3A, %mul3A_12 : i32
      %mul3A_14 = arith.constant 16 : i32
      %mul3A_15 = arith.muli %add3A_13, %mul3A_14 : i32
      "tpu.region"() ({
        %run_scoped3A = tpu.sem_alloc : memref<!tpu.dma_semaphore, #tpu.memory_space<semaphore_mem>>
        %dma_start3A_38 = arith.constant 0 : i32
        %dma_start3A_39 = tpu.memref_slice %arg4[%arg0, %arg1, %mul3A_15, %dma_start3A_38] : memref<2x16x160x64xi32, #tpu.memory_space<hbm>> -> memref<1x1x16x64xi32, #tpu.memory_space<hbm>>
        %dma_start3A_40 = tpu.memref_squeeze %dma_start3A_39 : memref<1x1x16x64xi32, #tpu.memory_space<hbm>> -> memref<16x64xi32, #tpu.memory_space<hbm>>
        %dma_start3A_41 = arith.constant 0 : i32
        %dma_start3A_42 = tpu.memref_slice %arg4[%arg0, %arg1, %mul3A_15, %dma_start3A_41] : memref<2x16x160x64xi32, #tpu.memory_space<hbm>> -> memref<1x1x16x64xi32, #tpu.memory_space<hbm>>
        %dma_start3A_43 = tpu.memref_squeeze %dma_start3A_42 : memref<1x1x16x64xi32, #tpu.memory_space<hbm>> -> memref<16x64xi32, #tpu.memory_space<hbm>>
        tpu.enqueue_dma source(%dma_start3A_43 : memref<16x64xi32, #tpu.memory_space<hbm>>) target(%arg9 : memref<16x64xi32, #tpu.memory_space<vmem>>) target_semaphore(%run_scoped3A : memref<!tpu.dma_semaphore, #tpu.memory_space<semaphore_mem>>)
        %dma_wait3A = arith.constant 0 : i32
        %dma_wait3A_44 = tpu.memref_slice %arg4[%arg0, %arg1, %mul3A_15, %dma_wait3A] : memref<2x16x160x64xi32, #tpu.memory_space<hbm>> -> memref<1x1x16x64xi32, #tpu.memory_space<hbm>>
        %dma_wait3A_45 = tpu.memref_squeeze %dma_wait3A_44 : memref<1x1x16x64xi32, #tpu.memory_space<hbm>> -> memref<16x64xi32, #tpu.memory_space<hbm>>
        %dma_wait3A_46 = arith.constant 0 : i32
        %dma_wait3A_47 = tpu.memref_slice %arg4[%arg0, %arg1, %mul3A_15, %dma_wait3A_46] : memref<2x16x160x64xi32, #tpu.memory_space<hbm>> -> memref<1x1x16x64xi32, #tpu.memory_space<hbm>>
        %dma_wait3A_48 = tpu.memref_squeeze %dma_wait3A_47 : memref<1x1x16x64xi32, #tpu.memory_space<hbm>> -> memref<16x64xi32, #tpu.memory_space<hbm>>
        tpu.wait_dma2 semaphore(%run_scoped3A : memref<!tpu.dma_semaphore, #tpu.memory_space<semaphore_mem>>) src(%dma_wait3A_48 : memref<16x64xi32, #tpu.memory_space<hbm>>) dst(%arg9 : memref<16x64xi32, #tpu.memory_space<vmem>>)
        tpu.yield
      }) : () -> ()
      %mul3A_16 = arith.constant 16 : i32
      %mul3A_17 = arith.muli %add3A_13, %mul3A_16 : i32
      "tpu.region"() ({
        %run_scoped3A = tpu.sem_alloc : memref<!tpu.dma_semaphore, #tpu.memory_space<semaphore_mem>>
        %dma_start3A_38 = arith.constant 0 : i32
        %dma_start3A_39 = tpu.memref_slice %arg5[%arg0, %arg1, %mul3A_17, %dma_start3A_38] : memref<2x16x160x64xi32, #tpu.memory_space<hbm>> -> memref<1x1x16x64xi32, #tpu.memory_space<hbm>>
        %dma_start3A_40 = tpu.memref_squeeze %dma_start3A_39 : memref<1x1x16x64xi32, #tpu.memory_space<hbm>> -> memref<16x64xi32, #tpu.memory_space<hbm>>
        %dma_start3A_41 = arith.constant 0 : i32
        %dma_start3A_42 = tpu.memref_slice %arg5[%arg0, %arg1, %mul3A_17, %dma_start3A_41] : memref<2x16x160x64xi32, #tpu.memory_space<hbm>> -> memref<1x1x16x64xi32, #tpu.memory_space<hbm>>
        %dma_start3A_43 = tpu.memref_squeeze %dma_start3A_42 : memref<1x1x16x64xi32, #tpu.memory_space<hbm>> -> memref<16x64xi32, #tpu.memory_space<hbm>>
        tpu.enqueue_dma source(%dma_start3A_43 : memref<16x64xi32, #tpu.memory_space<hbm>>) target(%arg10 : memref<16x64xi32, #tpu.memory_space<vmem>>) target_semaphore(%run_scoped3A : memref<!tpu.dma_semaphore, #tpu.memory_space<semaphore_mem>>)
        %dma_wait3A = arith.constant 0 : i32
        %dma_wait3A_44 = tpu.memref_slice %arg5[%arg0, %arg1, %mul3A_17, %dma_wait3A] : memref<2x16x160x64xi32, #tpu.memory_space<hbm>> -> memref<1x1x16x64xi32, #tpu.memory_space<hbm>>
        %dma_wait3A_45 = tpu.memref_squeeze %dma_wait3A_44 : memref<1x1x16x64xi32, #tpu.memory_space<hbm>> -> memref<16x64xi32, #tpu.memory_space<hbm>>
        %dma_wait3A_46 = arith.constant 0 : i32
        %dma_wait3A_47 = tpu.memref_slice %arg5[%arg0, %arg1, %mul3A_17, %dma_wait3A_46] : memref<2x16x160x64xi32, #tpu.memory_space<hbm>> -> memref<1x1x16x64xi32, #tpu.memory_space<hbm>>
        %dma_wait3A_48 = tpu.memref_squeeze %dma_wait3A_47 : memref<1x1x16x64xi32, #tpu.memory_space<hbm>> -> memref<16x64xi32, #tpu.memory_space<hbm>>
        tpu.wait_dma2 semaphore(%run_scoped3A : memref<!tpu.dma_semaphore, #tpu.memory_space<semaphore_mem>>) src(%dma_wait3A_48 : memref<16x64xi32, #tpu.memory_space<hbm>>) dst(%arg10 : memref<16x64xi32, #tpu.memory_space<vmem>>)
        tpu.yield
      }) : () -> ()
      %mul3A_18 = arith.constant 16 : i32
      %mul3A_19 = arith.muli %add3A_13, %mul3A_18 : i32
      "tpu.region"() ({
        %run_scoped3A = tpu.sem_alloc : memref<!tpu.dma_semaphore, #tpu.memory_space<semaphore_mem>>
        %dma_start3A_38 = arith.constant 0 : i32
        %dma_start3A_39 = tpu.memref_slice %arg6[%arg0, %arg1, %mul3A_19, %dma_start3A_38] : memref<2x16x160x64xi32, #tpu.memory_space<hbm>> -> memref<1x1x16x64xi32, #tpu.memory_space<hbm>>
        %dma_start3A_40 = tpu.memref_squeeze %dma_start3A_39 : memref<1x1x16x64xi32, #tpu.memory_space<hbm>> -> memref<16x64xi32, #tpu.memory_space<hbm>>
        %dma_start3A_41 = arith.constant 0 : i32
        %dma_start3A_42 = tpu.memref_slice %arg6[%arg0, %arg1, %mul3A_19, %dma_start3A_41] : memref<2x16x160x64xi32, #tpu.memory_space<hbm>> -> memref<1x1x16x64xi32, #tpu.memory_space<hbm>>
        %dma_start3A_43 = tpu.memref_squeeze %dma_start3A_42 : memref<1x1x16x64xi32, #tpu.memory_space<hbm>> -> memref<16x64xi32, #tpu.memory_space<hbm>>
        tpu.enqueue_dma source(%dma_start3A_43 : memref<16x64xi32, #tpu.memory_space<hbm>>) target(%arg11 : memref<16x64xi32, #tpu.memory_space<vmem>>) target_semaphore(%run_scoped3A : memref<!tpu.dma_semaphore, #tpu.memory_space<semaphore_mem>>)
        %dma_wait3A = arith.constant 0 : i32
        %dma_wait3A_44 = tpu.memref_slice %arg6[%arg0, %arg1, %mul3A_19, %dma_wait3A] : memref<2x16x160x64xi32, #tpu.memory_space<hbm>> -> memref<1x1x16x64xi32, #tpu.memory_space<hbm>>
        %dma_wait3A_45 = tpu.memref_squeeze %dma_wait3A_44 : memref<1x1x16x64xi32, #tpu.memory_space<hbm>> -> memref<16x64xi32, #tpu.memory_space<hbm>>
        %dma_wait3A_46 = arith.constant 0 : i32
        %dma_wait3A_47 = tpu.memref_slice %arg6[%arg0, %arg1, %mul3A_19, %dma_wait3A_46] : memref<2x16x160x64xi32, #tpu.memory_space<hbm>> -> memref<1x1x16x64xi32, #tpu.memory_space<hbm>>
        %dma_wait3A_48 = tpu.memref_squeeze %dma_wait3A_47 : memref<1x1x16x64xi32, #tpu.memory_space<hbm>> -> memref<16x64xi32, #tpu.memory_space<hbm>>
        tpu.wait_dma2 semaphore(%run_scoped3A : memref<!tpu.dma_semaphore, #tpu.memory_space<semaphore_mem>>) src(%dma_wait3A_48 : memref<16x64xi32, #tpu.memory_space<hbm>>) dst(%arg11 : memref<16x64xi32, #tpu.memory_space<vmem>>)
        tpu.yield
      }) : () -> ()
      %dma_start3A = arith.constant 0 : i32
      %dma_start3A_20 = arith.constant 0 : i32
      %dma_start3A_21 = tpu.memref_slice %arg9[%dma_start3A, %dma_start3A_20] : memref<16x64xi32, #tpu.memory_space<vmem>> -> memref<1x64xi32, #tpu.memory_space<vmem>>
      %dma_start3A_22 = tpu.memref_squeeze %dma_start3A_21 : memref<1x64xi32, #tpu.memory_space<vmem>> -> memref<64xi32, #tpu.memory_space<vmem>>
      %dma_start3A_23 = arith.constant 0 : i32
      %dma_start3A_24 = arith.constant 0 : i32
      %dma_start3A_25 = tpu.memref_slice %arg2[%dma_start3A_23, %dma_start3A_24] : memref<10000x128xf32, #tpu.memory_space<hbm>> -> memref<10000x128xf32, #tpu.memory_space<hbm>>
      tpu.enqueue_indirect_dma source(%dma_start3A_25 : memref<10000x128xf32, #tpu.memory_space<hbm>>) target(%arg12 : memref<64x128xf32, #tpu.memory_space<vmem>>) offsets(%dma_start3A_22 : memref<64xi32, #tpu.memory_space<vmem>>) semaphore(%arg17 : memref<!tpu.dma_semaphore, #tpu.memory_space<semaphore_mem>>)
      %dma_start3A_26 = arith.constant 0 : i32
      %dma_start3A_27 = arith.constant 0 : i32
      %dma_start3A_28 = tpu.memref_slice %arg11[%dma_start3A_26, %dma_start3A_27] : memref<16x64xi32, #tpu.memory_space<vmem>> -> memref<1x64xi32, #tpu.memory_space<vmem>>
      %dma_start3A_29 = tpu.memref_squeeze %dma_start3A_28 : memref<1x64xi32, #tpu.memory_space<vmem>> -> memref<64xi32, #tpu.memory_space<vmem>>
      %dma_start3A_30 = arith.constant 0 : i32
      %dma_start3A_31 = arith.constant 0 : i32
      %dma_start3A_32 = tpu.memref_slice %arg3[%dma_start3A_30, %dma_start3A_31] : memref<216x128xf32, #tpu.memory_space<hbm>> -> memref<216x128xf32, #tpu.memory_space<hbm>>
      tpu.enqueue_indirect_dma source(%dma_start3A_32 : memref<216x128xf32, #tpu.memory_space<hbm>>) target(%arg14 : memref<64x128xf32, #tpu.memory_space<vmem>>) offsets(%dma_start3A_29 : memref<64xi32, #tpu.memory_space<vmem>>) semaphore(%arg19 : memref<!tpu.dma_semaphore, #tpu.memory_space<semaphore_mem>>)
      %scan3A_33 = arith.constant 0 : i32
      %scan3A_34 = arith.constant 8 : i32
      %scan3A_35 = arith.addi %scan3A_33, %scan3A_34 : i32
      %scan3A_36 = arith.constant 1 : i32
      scf.for %scan3A_38 = %scan3A_33 to %scan3A_35 step %scan3A_36  : i32 {
        %mul3A_39 = arith.constant 1 : i32
        %mul3A_40 = arith.muli %scan3A_38, %mul3A_39 : i32
        %add3A_41 = arith.constant 0 : i32
        %add3A_42 = arith.addi %add3A_41, %mul3A_40 : i32
        %mul3A_43 = arith.constant 2 : i32
        %mul3A_44 = arith.muli %mul3A_43, %add3A_42 : i32
        %dma_wait3A = arith.constant 0 : i32
        %dma_wait3A_45 = arith.constant 0 : i32
        %dma_wait3A_46 = tpu.memref_slice %arg9[%dma_wait3A, %dma_wait3A_45] : memref<16x64xi32, #tpu.memory_space<vmem>> -> memref<1x64xi32, #tpu.memory_space<vmem>>
        %dma_wait3A_47 = tpu.memref_squeeze %dma_wait3A_46 : memref<1x64xi32, #tpu.memory_space<vmem>> -> memref<64xi32, #tpu.memory_space<vmem>>
        %dma_wait3A_48 = arith.constant 0 : i32
        %dma_wait3A_49 = arith.constant 0 : i32
        %dma_wait3A_50 = tpu.memref_slice %arg2[%dma_wait3A_48, %dma_wait3A_49] : memref<10000x128xf32, #tpu.memory_space<hbm>> -> memref<10000x128xf32, #tpu.memory_space<hbm>>
        tpu.wait_indirect_dma semaphore(%arg17 : memref<!tpu.dma_semaphore, #tpu.memory_space<semaphore_mem>>) src(%dma_wait3A_50 : memref<10000x128xf32, #tpu.memory_space<hbm>>) dst(%arg12 : memref<64x128xf32, #tpu.memory_space<vmem>>)
        %dma_wait3A_51 = arith.constant 0 : i32
        %dma_wait3A_52 = arith.constant 0 : i32
        %dma_wait3A_53 = tpu.memref_slice %arg11[%dma_wait3A_51, %dma_wait3A_52] : memref<16x64xi32, #tpu.memory_space<vmem>> -> memref<1x64xi32, #tpu.memory_space<vmem>>
        %dma_wait3A_54 = tpu.memref_squeeze %dma_wait3A_53 : memref<1x64xi32, #tpu.memory_space<vmem>> -> memref<64xi32, #tpu.memory_space<vmem>>
        %dma_wait3A_55 = arith.constant 0 : i32
        %dma_wait3A_56 = arith.constant 0 : i32
        %dma_wait3A_57 = tpu.memref_slice %arg3[%dma_wait3A_55, %dma_wait3A_56] : memref<216x128xf32, #tpu.memory_space<hbm>> -> memref<216x128xf32, #tpu.memory_space<hbm>>
        tpu.wait_indirect_dma semaphore(%arg19 : memref<!tpu.dma_semaphore, #tpu.memory_space<semaphore_mem>>) src(%dma_wait3A_57 : memref<216x128xf32, #tpu.memory_space<hbm>>) dst(%arg14 : memref<64x128xf32, #tpu.memory_space<vmem>>)
        %add3A_58 = arith.constant 1 : i32
        %add3A_59 = arith.addi %mul3A_44, %add3A_58 : i32
        %dma_start3A_60 = arith.constant 0 : i32
        %dma_start3A_61 = tpu.memref_slice %arg9[%add3A_59, %dma_start3A_60] : memref<16x64xi32, #tpu.memory_space<vmem>> -> memref<1x64xi32, #tpu.memory_space<vmem>>
        %dma_start3A_62 = tpu.memref_squeeze %dma_start3A_61 : memref<1x64xi32, #tpu.memory_space<vmem>> -> memref<64xi32, #tpu.memory_space<vmem>>
        %dma_start3A_63 = arith.constant 0 : i32
        %dma_start3A_64 = arith.constant 0 : i32
        %dma_start3A_65 = tpu.memref_slice %arg2[%dma_start3A_63, %dma_start3A_64] : memref<10000x128xf32, #tpu.memory_space<hbm>> -> memref<10000x128xf32, #tpu.memory_space<hbm>>
        tpu.enqueue_indirect_dma source(%dma_start3A_65 : memref<10000x128xf32, #tpu.memory_space<hbm>>) target(%arg13 : memref<64x128xf32, #tpu.memory_space<vmem>>) offsets(%dma_start3A_62 : memref<64xi32, #tpu.memory_space<vmem>>) semaphore(%arg18 : memref<!tpu.dma_semaphore, #tpu.memory_space<semaphore_mem>>)
        %dma_start3A_66 = arith.constant 0 : i32
        %dma_start3A_67 = tpu.memref_slice %arg11[%add3A_59, %dma_start3A_66] : memref<16x64xi32, #tpu.memory_space<vmem>> -> memref<1x64xi32, #tpu.memory_space<vmem>>
        %dma_start3A_68 = tpu.memref_squeeze %dma_start3A_67 : memref<1x64xi32, #tpu.memory_space<vmem>> -> memref<64xi32, #tpu.memory_space<vmem>>
        %dma_start3A_69 = arith.constant 0 : i32
        %dma_start3A_70 = arith.constant 0 : i32
        %dma_start3A_71 = tpu.memref_slice %arg3[%dma_start3A_69, %dma_start3A_70] : memref<216x128xf32, #tpu.memory_space<hbm>> -> memref<216x128xf32, #tpu.memory_space<hbm>>
        tpu.enqueue_indirect_dma source(%dma_start3A_71 : memref<216x128xf32, #tpu.memory_space<hbm>>) target(%arg15 : memref<64x128xf32, #tpu.memory_space<vmem>>) offsets(%dma_start3A_68 : memref<64xi32, #tpu.memory_space<vmem>>) semaphore(%arg20 : memref<!tpu.dma_semaphore, #tpu.memory_space<semaphore_mem>>)
        %scan3A_72 = arith.constant 0 : i32
        %scan3A_73 = arith.constant 64 : i32
        %scan3A_74 = arith.addi %scan3A_72, %scan3A_73 : i32
        %scan3A_75 = arith.constant 1 : i32
        scf.for %scan3A_100 = %scan3A_72 to %scan3A_74 step %scan3A_75  : i32 {
          %mul3A_101 = arith.constant 1 : i32
          %mul3A_102 = arith.muli %scan3A_100, %mul3A_101 : i32
          %add3A_103 = arith.constant 0 : i32
          %add3A_104 = arith.addi %add3A_103, %mul3A_102 : i32
          %get3A = arith.index_cast %add3A_104 : i32 to index
          %get3A_105 = arith.constant 0 : index
          %get3A_106 = tpu.vector_load %arg12[%get3A, %get3A_105] {strides = array<i32>} : memref<64x128xf32, #tpu.memory_space<vmem>>, vector<1x16xf32>,
          %get3A_107 = vector.shape_cast %get3A_106 : vector<1x16xf32> to vector<1x16xf32>
          %get3A_108 = arith.index_cast %add3A_104 : i32 to index
          %get3A_109 = arith.constant 0 : index
          %get3A_110 = tpu.vector_load %arg14[%get3A_108, %get3A_109] {strides = array<i32>} : memref<64x128xf32, #tpu.memory_space<vmem>>, vector<1x16xf32>,
          %get3A_111 = vector.shape_cast %get3A_110 : vector<1x16xf32> to vector<1x16xf32>
          %add3A_112 = arith.addf %get3A_107, %get3A_111 : vector<1x16xf32>
          %max3A = arith.constant 0.000000e+00 : f32
          %max3A_113 = vector.broadcast %max3A : f32 to vector<1x16xf32>
          %max3A_114 = arith.maximumf %add3A_112, %max3A_113 : vector<1x16xf32>
          %swap3A = arith.index_cast %add3A_104 : i32 to index
          %swap3A_115 = arith.constant 0 : index
          %swap3A_116 = tpu.vector_load %arg12[%swap3A, %swap3A_115] {strides = array<i32>} : memref<64x128xf32, #tpu.memory_space<vmem>>, vector<1x16xf32>,
          %swap3A_117 = vector.shape_cast %swap3A_116 : vector<1x16xf32> to vector<1x16xf32>
          %swap3A_118 = vector.shape_cast %max3A_114 : vector<1x16xf32> to vector<1x16xf32>
          tpu.vector_store %arg12[%swap3A, %swap3A_115], %swap3A_118 {strides = array<i32>} : memref<64x128xf32, #tpu.memory_space<vmem>>, vector<1x16xf32>,
          %get3A_119 = arith.index_cast %add3A_104 : i32 to index
          %get3A_120 = arith.constant 16 : index
          %get3A_121 = tpu.vector_load %arg12[%get3A_119, %get3A_120] {strides = array<i32>} : memref<64x128xf32, #tpu.memory_space<vmem>>, vector<1x16xf32>,
          %get3A_122 = vector.shape_cast %get3A_121 : vector<1x16xf32> to vector<1x16xf32>
          %get3A_123 = arith.index_cast %add3A_104 : i32 to index
          %get3A_124 = arith.constant 16 : index
          %get3A_125 = tpu.vector_load %arg14[%get3A_123, %get3A_124] {strides = array<i32>} : memref<64x128xf32, #tpu.memory_space<vmem>>, vector<1x16xf32>,
          %get3A_126 = vector.shape_cast %get3A_125 : vector<1x16xf32> to vector<1x16xf32>
          %add3A_127 = arith.addf %get3A_122, %get3A_126 : vector<1x16xf32>
          %max3A_128 = arith.constant 0.000000e+00 : f32
          %max3A_129 = vector.broadcast %max3A_128 : f32 to vector<1x16xf32>
          %max3A_130 = arith.maximumf %add3A_127, %max3A_129 : vector<1x16xf32>
          %swap3A_131 = arith.index_cast %add3A_104 : i32 to index
          %swap3A_132 = arith.constant 16 : index
          %swap3A_133 = tpu.vector_load %arg12[%swap3A_131, %swap3A_132] {strides = array<i32>} : memref<64x128xf32, #tpu.memory_space<vmem>>, vector<1x16xf32>,
          %swap3A_134 = vector.shape_cast %swap3A_133 : vector<1x16xf32> to vector<1x16xf32>
          %swap3A_135 = vector.shape_cast %max3A_130 : vector<1x16xf32> to vector<1x16xf32>
          tpu.vector_store %arg12[%swap3A_131, %swap3A_132], %swap3A_135 {strides = array<i32>} : memref<64x128xf32, #tpu.memory_space<vmem>>, vector<1x16xf32>,
          %get3A_136 = arith.index_cast %add3A_104 : i32 to index
          %get3A_137 = arith.constant 32 : index
          %get3A_138 = tpu.vector_load %arg12[%get3A_136, %get3A_137] {strides = array<i32>} : memref<64x128xf32, #tpu.memory_space<vmem>>, vector<1x16xf32>,
          %get3A_139 = vector.shape_cast %get3A_138 : vector<1x16xf32> to vector<1x16xf32>
          %get3A_140 = arith.index_cast %add3A_104 : i32 to index
          %get3A_141 = arith.constant 32 : index
          %get3A_142 = tpu.vector_load %arg14[%get3A_140, %get3A_141] {strides = array<i32>} : memref<64x128xf32, #tpu.memory_space<vmem>>, vector<1x16xf32>,
          %get3A_143 = vector.shape_cast %get3A_142 : vector<1x16xf32> to vector<1x16xf32>
          %add3A_144 = arith.addf %get3A_139, %get3A_143 : vector<1x16xf32>
          %max3A_145 = arith.constant 0.000000e+00 : f32
          %max3A_146 = vector.broadcast %max3A_145 : f32 to vector<1x16xf32>
          %max3A_147 = arith.maximumf %add3A_144, %max3A_146 : vector<1x16xf32>
          %swap3A_148 = arith.index_cast %add3A_104 : i32 to index
          %swap3A_149 = arith.constant 32 : index
          %swap3A_150 = tpu.vector_load %arg12[%swap3A_148, %swap3A_149] {strides = array<i32>} : memref<64x128xf32, #tpu.memory_space<vmem>>, vector<1x16xf32>,
          %swap3A_151 = vector.shape_cast %swap3A_150 : vector<1x16xf32> to vector<1x16xf32>
          %swap3A_152 = vector.shape_cast %max3A_147 : vector<1x16xf32> to vector<1x16xf32>
          tpu.vector_store %arg12[%swap3A_148, %swap3A_149], %swap3A_152 {strides = array<i32>} : memref<64x128xf32, #tpu.memory_space<vmem>>, vector<1x16xf32>,
          %get3A_153 = arith.index_cast %add3A_104 : i32 to index
          %get3A_154 = arith.constant 48 : index
          %get3A_155 = tpu.vector_load %arg12[%get3A_153, %get3A_154] {strides = array<i32>} : memref<64x128xf32, #tpu.memory_space<vmem>>, vector<1x16xf32>,
          %get3A_156 = vector.shape_cast %get3A_155 : vector<1x16xf32> to vector<1x16xf32>
          %get3A_157 = arith.index_cast %add3A_104 : i32 to index
          %get3A_158 = arith.constant 48 : index
          %get3A_159 = tpu.vector_load %arg14[%get3A_157, %get3A_158] {strides = array<i32>} : memref<64x128xf32, #tpu.memory_space<vmem>>, vector<1x16xf32>,
          %get3A_160 = vector.shape_cast %get3A_159 : vector<1x16xf32> to vector<1x16xf32>
          %add3A_161 = arith.addf %get3A_156, %get3A_160 : vector<1x16xf32>
          %max3A_162 = arith.constant 0.000000e+00 : f32
          %max3A_163 = vector.broadcast %max3A_162 : f32 to vector<1x16xf32>
          %max3A_164 = arith.maximumf %add3A_161, %max3A_163 : vector<1x16xf32>
          %swap3A_165 = arith.index_cast %add3A_104 : i32 to index
          %swap3A_166 = arith.constant 48 : index
          %swap3A_167 = tpu.vector_load %arg12[%swap3A_165, %swap3A_166] {strides = array<i32>} : memref<64x128xf32, #tpu.memory_space<vmem>>, vector<1x16xf32>,
          %swap3A_168 = vector.shape_cast %swap3A_167 : vector<1x16xf32> to vector<1x16xf32>
          %swap3A_169 = vector.shape_cast %max3A_164 : vector<1x16xf32> to vector<1x16xf32>
          tpu.vector_store %arg12[%swap3A_165, %swap3A_166], %swap3A_169 {strides = array<i32>} : memref<64x128xf32, #tpu.memory_space<vmem>>, vector<1x16xf32>,
          %get3A_170 = arith.index_cast %add3A_104 : i32 to index
          %get3A_171 = arith.constant 64 : index
          %get3A_172 = tpu.vector_load %arg12[%get3A_170, %get3A_171] {strides = array<i32>} : memref<64x128xf32, #tpu.memory_space<vmem>>, vector<1x16xf32>,
          %get3A_173 = vector.shape_cast %get3A_172 : vector<1x16xf32> to vector<1x16xf32>
          %get3A_174 = arith.index_cast %add3A_104 : i32 to index
          %get3A_175 = arith.constant 64 : index
          %get3A_176 = tpu.vector_load %arg14[%get3A_174, %get3A_175] {strides = array<i32>} : memref<64x128xf32, #tpu.memory_space<vmem>>, vector<1x16xf32>,
          %get3A_177 = vector.shape_cast %get3A_176 : vector<1x16xf32> to vector<1x16xf32>
          %add3A_178 = arith.addf %get3A_173, %get3A_177 : vector<1x16xf32>
          %max3A_179 = arith.constant 0.000000e+00 : f32
          %max3A_180 = vector.broadcast %max3A_179 : f32 to vector<1x16xf32>
          %max3A_181 = arith.maximumf %add3A_178, %max3A_180 : vector<1x16xf32>
          %swap3A_182 = arith.index_cast %add3A_104 : i32 to index
          %swap3A_183 = arith.constant 64 : index
          %swap3A_184 = tpu.vector_load %arg12[%swap3A_182, %swap3A_183] {strides = array<i32>} : memref<64x128xf32, #tpu.memory_space<vmem>>, vector<1x16xf32>,
          %swap3A_185 = vector.shape_cast %swap3A_184 : vector<1x16xf32> to vector<1x16xf32>
          %swap3A_186 = vector.shape_cast %max3A_181 : vector<1x16xf32> to vector<1x16xf32>
          tpu.vector_store %arg12[%swap3A_182, %swap3A_183], %swap3A_186 {strides = array<i32>} : memref<64x128xf32, #tpu.memory_space<vmem>>, vector<1x16xf32>,
          %get3A_187 = arith.index_cast %add3A_104 : i32 to index
          %get3A_188 = arith.constant 80 : index
          %get3A_189 = tpu.vector_load %arg12[%get3A_187, %get3A_188] {strides = array<i32>} : memref<64x128xf32, #tpu.memory_space<vmem>>, vector<1x16xf32>,
          %get3A_190 = vector.shape_cast %get3A_189 : vector<1x16xf32> to vector<1x16xf32>
          %get3A_191 = arith.index_cast %add3A_104 : i32 to index
          %get3A_192 = arith.constant 80 : index
          %get3A_193 = tpu.vector_load %arg14[%get3A_191, %get3A_192] {strides = array<i32>} : memref<64x128xf32, #tpu.memory_space<vmem>>, vector<1x16xf32>,
          %get3A_194 = vector.shape_cast %get3A_193 : vector<1x16xf32> to vector<1x16xf32>
          %add3A_195 = arith.addf %get3A_190, %get3A_194 : vector<1x16xf32>
          %max3A_196 = arith.constant 0.000000e+00 : f32
          %max3A_197 = vector.broadcast %max3A_196 : f32 to vector<1x16xf32>
          %max3A_198 = arith.maximumf %add3A_195, %max3A_197 : vector<1x16xf32>
          %swap3A_199 = arith.index_cast %add3A_104 : i32 to index
          %swap3A_200 = arith.constant 80 : index
          %swap3A_201 = tpu.vector_load %arg12[%swap3A_199, %swap3A_200] {strides = array<i32>} : memref<64x128xf32, #tpu.memory_space<vmem>>, vector<1x16xf32>,
          %swap3A_202 = vector.shape_cast %swap3A_201 : vector<1x16xf32> to vector<1x16xf32>
          %swap3A_203 = vector.shape_cast %max3A_198 : vector<1x16xf32> to vector<1x16xf32>
          tpu.vector_store %arg12[%swap3A_199, %swap3A_200], %swap3A_203 {strides = array<i32>} : memref<64x128xf32, #tpu.memory_space<vmem>>, vector<1x16xf32>,
          %get3A_204 = arith.index_cast %add3A_104 : i32 to index
          %get3A_205 = arith.constant 96 : index
          %get3A_206 = tpu.vector_load %arg12[%get3A_204, %get3A_205] {strides = array<i32>} : memref<64x128xf32, #tpu.memory_space<vmem>>, vector<1x16xf32>,
          %get3A_207 = vector.shape_cast %get3A_206 : vector<1x16xf32> to vector<1x16xf32>
          %get3A_208 = arith.index_cast %add3A_104 : i32 to index
          %get3A_209 = arith.constant 96 : index
          %get3A_210 = tpu.vector_load %arg14[%get3A_208, %get3A_209] {strides = array<i32>} : memref<64x128xf32, #tpu.memory_space<vmem>>, vector<1x16xf32>,
          %get3A_211 = vector.shape_cast %get3A_210 : vector<1x16xf32> to vector<1x16xf32>
          %add3A_212 = arith.addf %get3A_207, %get3A_211 : vector<1x16xf32>
          %max3A_213 = arith.constant 0.000000e+00 : f32
          %max3A_214 = vector.broadcast %max3A_213 : f32 to vector<1x16xf32>
          %max3A_215 = arith.maximumf %add3A_212, %max3A_214 : vector<1x16xf32>
          %swap3A_216 = arith.index_cast %add3A_104 : i32 to index
          %swap3A_217 = arith.constant 96 : index
          %swap3A_218 = tpu.vector_load %arg12[%swap3A_216, %swap3A_217] {strides = array<i32>} : memref<64x128xf32, #tpu.memory_space<vmem>>, vector<1x16xf32>,
          %swap3A_219 = vector.shape_cast %swap3A_218 : vector<1x16xf32> to vector<1x16xf32>
          %swap3A_220 = vector.shape_cast %max3A_215 : vector<1x16xf32> to vector<1x16xf32>
          tpu.vector_store %arg12[%swap3A_216, %swap3A_217], %swap3A_220 {strides = array<i32>} : memref<64x128xf32, #tpu.memory_space<vmem>>, vector<1x16xf32>,
          %get3A_221 = arith.index_cast %add3A_104 : i32 to index
          %get3A_222 = arith.constant 112 : index
          %get3A_223 = tpu.vector_load %arg12[%get3A_221, %get3A_222] {strides = array<i32>} : memref<64x128xf32, #tpu.memory_space<vmem>>, vector<1x16xf32>,
          %get3A_224 = vector.shape_cast %get3A_223 : vector<1x16xf32> to vector<1x16xf32>
          %get3A_225 = arith.index_cast %add3A_104 : i32 to index
          %get3A_226 = arith.constant 112 : index
          %get3A_227 = tpu.vector_load %arg14[%get3A_225, %get3A_226] {strides = array<i32>} : memref<64x128xf32, #tpu.memory_space<vmem>>, vector<1x16xf32>,
          %get3A_228 = vector.shape_cast %get3A_227 : vector<1x16xf32> to vector<1x16xf32>
          %add3A_229 = arith.addf %get3A_224, %get3A_228 : vector<1x16xf32>
          %max3A_230 = arith.constant 0.000000e+00 : f32
          %max3A_231 = vector.broadcast %max3A_230 : f32 to vector<1x16xf32>
          %max3A_232 = arith.maximumf %add3A_229, %max3A_231 : vector<1x16xf32>
          %swap3A_233 = arith.index_cast %add3A_104 : i32 to index
          %swap3A_234 = arith.constant 112 : index
          %swap3A_235 = tpu.vector_load %arg12[%swap3A_233, %swap3A_234] {strides = array<i32>} : memref<64x128xf32, #tpu.memory_space<vmem>>, vector<1x16xf32>,
          %swap3A_236 = vector.shape_cast %swap3A_235 : vector<1x16xf32> to vector<1x16xf32>
          %swap3A_237 = vector.shape_cast %max3A_232 : vector<1x16xf32> to vector<1x16xf32>
          tpu.vector_store %arg12[%swap3A_233, %swap3A_234], %swap3A_237 {strides = array<i32>} : memref<64x128xf32, #tpu.memory_space<vmem>>, vector<1x16xf32>,
        }
        %scan3A_76 = arith.constant 64 : i32
        "tpu.region"() ({
          %run_scoped3A = tpu.sem_alloc : memref<!tpu.dma_semaphore, #tpu.memory_space<semaphore_mem>>
          %dma_start3A_100 = arith.constant 0 : i32
          %dma_start3A_101 = tpu.memref_slice %arg10[%mul3A_44, %dma_start3A_100] : memref<16x64xi32, #tpu.memory_space<vmem>> -> memref<1x64xi32, #tpu.memory_space<vmem>>
          %dma_start3A_102 = tpu.memref_squeeze %dma_start3A_101 : memref<1x64xi32, #tpu.memory_space<vmem>> -> memref<64xi32, #tpu.memory_space<vmem>>
          %dma_start3A_103 = arith.constant 0 : i32
          %dma_start3A_104 = arith.constant 0 : i32
          %dma_start3A_105 = tpu.memref_slice %arg16[%dma_start3A_103, %dma_start3A_104] : memref<10112x128xf32, #tpu.memory_space<vmem_shared>> -> memref<10112x128xf32, #tpu.memory_space<vmem_shared>>
          tpu.enqueue_indirect_dma source(%arg12 : memref<64x128xf32, #tpu.memory_space<vmem>>) target(%dma_start3A_105 : memref<10112x128xf32, #tpu.memory_space<vmem_shared>>) offsets(%dma_start3A_102 : memref<64xi32, #tpu.memory_space<vmem>>) semaphore(%run_scoped3A : memref<!tpu.dma_semaphore, #tpu.memory_space<semaphore_mem>>) {add = true}
          %dma_wait3A_106 = arith.constant 0 : i32
          %dma_wait3A_107 = tpu.memref_slice %arg10[%mul3A_44, %dma_wait3A_106] : memref<16x64xi32, #tpu.memory_space<vmem>> -> memref<1x64xi32, #tpu.memory_space<vmem>>
          %dma_wait3A_108 = tpu.memref_squeeze %dma_wait3A_107 : memref<1x64xi32, #tpu.memory_space<vmem>> -> memref<64xi32, #tpu.memory_space<vmem>>
          %dma_wait3A_109 = arith.constant 0 : i32
          %dma_wait3A_110 = arith.constant 0 : i32
          %dma_wait3A_111 = tpu.memref_slice %arg16[%dma_wait3A_109, %dma_wait3A_110] : memref<10112x128xf32, #tpu.memory_space<vmem_shared>> -> memref<10112x128xf32, #tpu.memory_space<vmem_shared>>
          tpu.wait_indirect_dma semaphore(%run_scoped3A : memref<!tpu.dma_semaphore, #tpu.memory_space<semaphore_mem>>) src(%arg12 : memref<64x128xf32, #tpu.memory_space<vmem>>) dst(%dma_wait3A_111 : memref<10112x128xf32, #tpu.memory_space<vmem_shared>>)
          tpu.yield
        }) : () -> ()
        %dma_wait3A_77 = arith.constant 0 : i32
        %dma_wait3A_78 = arith.constant 0 : i32
        %dma_wait3A_79 = tpu.memref_slice %arg9[%dma_wait3A_77, %dma_wait3A_78] : memref<16x64xi32, #tpu.memory_space<vmem>> -> memref<1x64xi32, #tpu.memory_space<vmem>>
        %dma_wait3A_80 = tpu.memref_squeeze %dma_wait3A_79 : memref<1x64xi32, #tpu.memory_space<vmem>> -> memref<64xi32, #tpu.memory_space<vmem>>
        %dma_wait3A_81 = arith.constant 0 : i32
        %dma_wait3A_82 = arith.constant 0 : i32
        %dma_wait3A_83 = tpu.memref_slice %arg2[%dma_wait3A_81, %dma_wait3A_82] : memref<10000x128xf32, #tpu.memory_space<hbm>> -> memref<10000x128xf32, #tpu.memory_space<hbm>>
        tpu.wait_indirect_dma semaphore(%arg18 : memref<!tpu.dma_semaphore, #tpu.memory_space<semaphore_mem>>) src(%dma_wait3A_83 : memref<10000x128xf32, #tpu.memory_space<hbm>>) dst(%arg13 : memref<64x128xf32, #tpu.memory_space<vmem>>)
        %dma_wait3A_84 = arith.constant 0 : i32
        %dma_wait3A_85 = arith.constant 0 : i32
        %dma_wait3A_86 = tpu.memref_slice %arg11[%dma_wait3A_84, %dma_wait3A_85] : memref<16x64xi32, #tpu.memory_space<vmem>> -> memref<1x64xi32, #tpu.memory_space<vmem>>
        %dma_wait3A_87 = tpu.memref_squeeze %dma_wait3A_86 : memref<1x64xi32, #tpu.memory_space<vmem>> -> memref<64xi32, #tpu.memory_space<vmem>>
        %dma_wait3A_88 = arith.constant 0 : i32
        %dma_wait3A_89 = arith.constant 0 : i32
        %dma_wait3A_90 = tpu.memref_slice %arg3[%dma_wait3A_88, %dma_wait3A_89] : memref<216x128xf32, #tpu.memory_space<hbm>> -> memref<216x128xf32, #tpu.memory_space<hbm>>
        tpu.wait_indirect_dma semaphore(%arg20 : memref<!tpu.dma_semaphore, #tpu.memory_space<semaphore_mem>>) src(%dma_wait3A_90 : memref<216x128xf32, #tpu.memory_space<hbm>>) dst(%arg15 : memref<64x128xf32, #tpu.memory_space<vmem>>)
        %lt3A = arith.constant 7 : i32
        %lt3A_91 = arith.cmpi slt, %add3A_42, %lt3A : i32
        %convert_element_type3A = arith.extui %lt3A_91 : i1 to i32
        %cond3A = arith.constant 0 : i32
        %cond3A_92 = arith.cmpi ne, %convert_element_type3A, %cond3A : i32
        scf.if %cond3A_92 {
          %add3A_100 = arith.constant 2 : i32
          %add3A_101 = arith.addi %mul3A_44, %add3A_100 : i32
          %dma_start3A_102 = arith.constant 0 : i32
          %dma_start3A_103 = tpu.memref_slice %arg9[%add3A_101, %dma_start3A_102] : memref<16x64xi32, #tpu.memory_space<vmem>> -> memref<1x64xi32, #tpu.memory_space<vmem>>
          %dma_start3A_104 = tpu.memref_squeeze %dma_start3A_103 : memref<1x64xi32, #tpu.memory_space<vmem>> -> memref<64xi32, #tpu.memory_space<vmem>>
          %dma_start3A_105 = arith.constant 0 : i32
          %dma_start3A_106 = arith.constant 0 : i32
          %dma_start3A_107 = tpu.memref_slice %arg2[%dma_start3A_105, %dma_start3A_106] : memref<10000x128xf32, #tpu.memory_space<hbm>> -> memref<10000x128xf32, #tpu.memory_space<hbm>>
          tpu.enqueue_indirect_dma source(%dma_start3A_107 : memref<10000x128xf32, #tpu.memory_space<hbm>>) target(%arg12 : memref<64x128xf32, #tpu.memory_space<vmem>>) offsets(%dma_start3A_104 : memref<64xi32, #tpu.memory_space<vmem>>) semaphore(%arg17 : memref<!tpu.dma_semaphore, #tpu.memory_space<semaphore_mem>>)
          %dma_start3A_108 = arith.constant 0 : i32
          %dma_start3A_109 = tpu.memref_slice %arg11[%add3A_101, %dma_start3A_108] : memref<16x64xi32, #tpu.memory_space<vmem>> -> memref<1x64xi32, #tpu.memory_space<vmem>>
          %dma_start3A_110 = tpu.memref_squeeze %dma_start3A_109 : memref<1x64xi32, #tpu.memory_space<vmem>> -> memref<64xi32, #tpu.memory_space<vmem>>
          %dma_start3A_111 = arith.constant 0 : i32
          %dma_start3A_112 = arith.constant 0 : i32
          %dma_start3A_113 = tpu.memref_slice %arg3[%dma_start3A_111, %dma_start3A_112] : memref<216x128xf32, #tpu.memory_space<hbm>> -> memref<216x128xf32, #tpu.memory_space<hbm>>
          tpu.enqueue_indirect_dma source(%dma_start3A_113 : memref<216x128xf32, #tpu.memory_space<hbm>>) target(%arg14 : memref<64x128xf32, #tpu.memory_space<vmem>>) offsets(%dma_start3A_110 : memref<64xi32, #tpu.memory_space<vmem>>) semaphore(%arg19 : memref<!tpu.dma_semaphore, #tpu.memory_space<semaphore_mem>>)
        } else {
        }
        %scan3A_93 = arith.constant 0 : i32
        %scan3A_94 = arith.constant 64 : i32
        %scan3A_95 = arith.addi %scan3A_93, %scan3A_94 : i32
        %scan3A_96 = arith.constant 1 : i32
        scf.for %scan3A_100 = %scan3A_93 to %scan3A_95 step %scan3A_96  : i32 {
          %mul3A_101 = arith.constant 1 : i32
          %mul3A_102 = arith.muli %scan3A_100, %mul3A_101 : i32
          %add3A_103 = arith.constant 0 : i32
          %add3A_104 = arith.addi %add3A_103, %mul3A_102 : i32
          %get3A = arith.index_cast %add3A_104 : i32 to index
          %get3A_105 = arith.constant 0 : index
          %get3A_106 = tpu.vector_load %arg13[%get3A, %get3A_105] {strides = array<i32>} : memref<64x128xf32, #tpu.memory_space<vmem>>, vector<1x16xf32>,
          %get3A_107 = vector.shape_cast %get3A_106 : vector<1x16xf32> to vector<1x16xf32>
          %get3A_108 = arith.index_cast %add3A_104 : i32 to index
          %get3A_109 = arith.constant 0 : index
          %get3A_110 = tpu.vector_load %arg15[%get3A_108, %get3A_109] {strides = array<i32>} : memref<64x128xf32, #tpu.memory_space<vmem>>, vector<1x16xf32>,
          %get3A_111 = vector.shape_cast %get3A_110 : vector<1x16xf32> to vector<1x16xf32>
          %add3A_112 = arith.addf %get3A_107, %get3A_111 : vector<1x16xf32>
          %max3A = arith.constant 0.000000e+00 : f32
          %max3A_113 = vector.broadcast %max3A : f32 to vector<1x16xf32>
          %max3A_114 = arith.maximumf %add3A_112, %max3A_113 : vector<1x16xf32>
          %swap3A = arith.index_cast %add3A_104 : i32 to index
          %swap3A_115 = arith.constant 0 : index
          %swap3A_116 = tpu.vector_load %arg13[%swap3A, %swap3A_115] {strides = array<i32>} : memref<64x128xf32, #tpu.memory_space<vmem>>, vector<1x16xf32>,
          %swap3A_117 = vector.shape_cast %swap3A_116 : vector<1x16xf32> to vector<1x16xf32>
          %swap3A_118 = vector.shape_cast %max3A_114 : vector<1x16xf32> to vector<1x16xf32>
          tpu.vector_store %arg13[%swap3A, %swap3A_115], %swap3A_118 {strides = array<i32>} : memref<64x128xf32, #tpu.memory_space<vmem>>, vector<1x16xf32>,
          %get3A_119 = arith.index_cast %add3A_104 : i32 to index
          %get3A_120 = arith.constant 16 : index
          %get3A_121 = tpu.vector_load %arg13[%get3A_119, %get3A_120] {strides = array<i32>} : memref<64x128xf32, #tpu.memory_space<vmem>>, vector<1x16xf32>,
          %get3A_122 = vector.shape_cast %get3A_121 : vector<1x16xf32> to vector<1x16xf32>
          %get3A_123 = arith.index_cast %add3A_104 : i32 to index
          %get3A_124 = arith.constant 16 : index
          %get3A_125 = tpu.vector_load %arg15[%get3A_123, %get3A_124] {strides = array<i32>} : memref<64x128xf32, #tpu.memory_space<vmem>>, vector<1x16xf32>,
          %get3A_126 = vector.shape_cast %get3A_125 : vector<1x16xf32> to vector<1x16xf32>
          %add3A_127 = arith.addf %get3A_122, %get3A_126 : vector<1x16xf32>
          %max3A_128 = arith.constant 0.000000e+00 : f32
          %max3A_129 = vector.broadcast %max3A_128 : f32 to vector<1x16xf32>
          %max3A_130 = arith.maximumf %add3A_127, %max3A_129 : vector<1x16xf32>
          %swap3A_131 = arith.index_cast %add3A_104 : i32 to index
          %swap3A_132 = arith.constant 16 : index
          %swap3A_133 = tpu.vector_load %arg13[%swap3A_131, %swap3A_132] {strides = array<i32>} : memref<64x128xf32, #tpu.memory_space<vmem>>, vector<1x16xf32>,
          %swap3A_134 = vector.shape_cast %swap3A_133 : vector<1x16xf32> to vector<1x16xf32>
          %swap3A_135 = vector.shape_cast %max3A_130 : vector<1x16xf32> to vector<1x16xf32>
          tpu.vector_store %arg13[%swap3A_131, %swap3A_132], %swap3A_135 {strides = array<i32>} : memref<64x128xf32, #tpu.memory_space<vmem>>, vector<1x16xf32>,
          %get3A_136 = arith.index_cast %add3A_104 : i32 to index
          %get3A_137 = arith.constant 32 : index
          %get3A_138 = tpu.vector_load %arg13[%get3A_136, %get3A_137] {strides = array<i32>} : memref<64x128xf32, #tpu.memory_space<vmem>>, vector<1x16xf32>,
          %get3A_139 = vector.shape_cast %get3A_138 : vector<1x16xf32> to vector<1x16xf32>
          %get3A_140 = arith.index_cast %add3A_104 : i32 to index
          %get3A_141 = arith.constant 32 : index
          %get3A_142 = tpu.vector_load %arg15[%get3A_140, %get3A_141] {strides = array<i32>} : memref<64x128xf32, #tpu.memory_space<vmem>>, vector<1x16xf32>,
          %get3A_143 = vector.shape_cast %get3A_142 : vector<1x16xf32> to vector<1x16xf32>
          %add3A_144 = arith.addf %get3A_139, %get3A_143 : vector<1x16xf32>
          %max3A_145 = arith.constant 0.000000e+00 : f32
          %max3A_146 = vector.broadcast %max3A_145 : f32 to vector<1x16xf32>
          %max3A_147 = arith.maximumf %add3A_144, %max3A_146 : vector<1x16xf32>
          %swap3A_148 = arith.index_cast %add3A_104 : i32 to index
          %swap3A_149 = arith.constant 32 : index
          %swap3A_150 = tpu.vector_load %arg13[%swap3A_148, %swap3A_149] {strides = array<i32>} : memref<64x128xf32, #tpu.memory_space<vmem>>, vector<1x16xf32>,
          %swap3A_151 = vector.shape_cast %swap3A_150 : vector<1x16xf32> to vector<1x16xf32>
          %swap3A_152 = vector.shape_cast %max3A_147 : vector<1x16xf32> to vector<1x16xf32>
          tpu.vector_store %arg13[%swap3A_148, %swap3A_149], %swap3A_152 {strides = array<i32>} : memref<64x128xf32, #tpu.memory_space<vmem>>, vector<1x16xf32>,
          %get3A_153 = arith.index_cast %add3A_104 : i32 to index
          %get3A_154 = arith.constant 48 : index
          %get3A_155 = tpu.vector_load %arg13[%get3A_153, %get3A_154] {strides = array<i32>} : memref<64x128xf32, #tpu.memory_space<vmem>>, vector<1x16xf32>,
          %get3A_156 = vector.shape_cast %get3A_155 : vector<1x16xf32> to vector<1x16xf32>
          %get3A_157 = arith.index_cast %add3A_104 : i32 to index
          %get3A_158 = arith.constant 48 : index
          %get3A_159 = tpu.vector_load %arg15[%get3A_157, %get3A_158] {strides = array<i32>} : memref<64x128xf32, #tpu.memory_space<vmem>>, vector<1x16xf32>,
          %get3A_160 = vector.shape_cast %get3A_159 : vector<1x16xf32> to vector<1x16xf32>
          %add3A_161 = arith.addf %get3A_156, %get3A_160 : vector<1x16xf32>
          %max3A_162 = arith.constant 0.000000e+00 : f32
          %max3A_163 = vector.broadcast %max3A_162 : f32 to vector<1x16xf32>
          %max3A_164 = arith.maximumf %add3A_161, %max3A_163 : vector<1x16xf32>
          %swap3A_165 = arith.index_cast %add3A_104 : i32 to index
          %swap3A_166 = arith.constant 48 : index
          %swap3A_167 = tpu.vector_load %arg13[%swap3A_165, %swap3A_166] {strides = array<i32>} : memref<64x128xf32, #tpu.memory_space<vmem>>, vector<1x16xf32>,
          %swap3A_168 = vector.shape_cast %swap3A_167 : vector<1x16xf32> to vector<1x16xf32>
          %swap3A_169 = vector.shape_cast %max3A_164 : vector<1x16xf32> to vector<1x16xf32>
          tpu.vector_store %arg13[%swap3A_165, %swap3A_166], %swap3A_169 {strides = array<i32>} : memref<64x128xf32, #tpu.memory_space<vmem>>, vector<1x16xf32>,
          %get3A_170 = arith.index_cast %add3A_104 : i32 to index
          %get3A_171 = arith.constant 64 : index
          %get3A_172 = tpu.vector_load %arg13[%get3A_170, %get3A_171] {strides = array<i32>} : memref<64x128xf32, #tpu.memory_space<vmem>>, vector<1x16xf32>,
          %get3A_173 = vector.shape_cast %get3A_172 : vector<1x16xf32> to vector<1x16xf32>
          %get3A_174 = arith.index_cast %add3A_104 : i32 to index
          %get3A_175 = arith.constant 64 : index
          %get3A_176 = tpu.vector_load %arg15[%get3A_174, %get3A_175] {strides = array<i32>} : memref<64x128xf32, #tpu.memory_space<vmem>>, vector<1x16xf32>,
          %get3A_177 = vector.shape_cast %get3A_176 : vector<1x16xf32> to vector<1x16xf32>
          %add3A_178 = arith.addf %get3A_173, %get3A_177 : vector<1x16xf32>
          %max3A_179 = arith.constant 0.000000e+00 : f32
          %max3A_180 = vector.broadcast %max3A_179 : f32 to vector<1x16xf32>
          %max3A_181 = arith.maximumf %add3A_178, %max3A_180 : vector<1x16xf32>
          %swap3A_182 = arith.index_cast %add3A_104 : i32 to index
          %swap3A_183 = arith.constant 64 : index
          %swap3A_184 = tpu.vector_load %arg13[%swap3A_182, %swap3A_183] {strides = array<i32>} : memref<64x128xf32, #tpu.memory_space<vmem>>, vector<1x16xf32>,
          %swap3A_185 = vector.shape_cast %swap3A_184 : vector<1x16xf32> to vector<1x16xf32>
          %swap3A_186 = vector.shape_cast %max3A_181 : vector<1x16xf32> to vector<1x16xf32>
          tpu.vector_store %arg13[%swap3A_182, %swap3A_183], %swap3A_186 {strides = array<i32>} : memref<64x128xf32, #tpu.memory_space<vmem>>, vector<1x16xf32>,
          %get3A_187 = arith.index_cast %add3A_104 : i32 to index
          %get3A_188 = arith.constant 80 : index
          %get3A_189 = tpu.vector_load %arg13[%get3A_187, %get3A_188] {strides = array<i32>} : memref<64x128xf32, #tpu.memory_space<vmem>>, vector<1x16xf32>,
          %get3A_190 = vector.shape_cast %get3A_189 : vector<1x16xf32> to vector<1x16xf32>
          %get3A_191 = arith.index_cast %add3A_104 : i32 to index
          %get3A_192 = arith.constant 80 : index
          %get3A_193 = tpu.vector_load %arg15[%get3A_191, %get3A_192] {strides = array<i32>} : memref<64x128xf32, #tpu.memory_space<vmem>>, vector<1x16xf32>,
          %get3A_194 = vector.shape_cast %get3A_193 : vector<1x16xf32> to vector<1x16xf32>
          %add3A_195 = arith.addf %get3A_190, %get3A_194 : vector<1x16xf32>
          %max3A_196 = arith.constant 0.000000e+00 : f32
          %max3A_197 = vector.broadcast %max3A_196 : f32 to vector<1x16xf32>
          %max3A_198 = arith.maximumf %add3A_195, %max3A_197 : vector<1x16xf32>
          %swap3A_199 = arith.index_cast %add3A_104 : i32 to index
          %swap3A_200 = arith.constant 80 : index
          %swap3A_201 = tpu.vector_load %arg13[%swap3A_199, %swap3A_200] {strides = array<i32>} : memref<64x128xf32, #tpu.memory_space<vmem>>, vector<1x16xf32>,
          %swap3A_202 = vector.shape_cast %swap3A_201 : vector<1x16xf32> to vector<1x16xf32>
          %swap3A_203 = vector.shape_cast %max3A_198 : vector<1x16xf32> to vector<1x16xf32>
          tpu.vector_store %arg13[%swap3A_199, %swap3A_200], %swap3A_203 {strides = array<i32>} : memref<64x128xf32, #tpu.memory_space<vmem>>, vector<1x16xf32>,
          %get3A_204 = arith.index_cast %add3A_104 : i32 to index
          %get3A_205 = arith.constant 96 : index
          %get3A_206 = tpu.vector_load %arg13[%get3A_204, %get3A_205] {strides = array<i32>} : memref<64x128xf32, #tpu.memory_space<vmem>>, vector<1x16xf32>,
          %get3A_207 = vector.shape_cast %get3A_206 : vector<1x16xf32> to vector<1x16xf32>
          %get3A_208 = arith.index_cast %add3A_104 : i32 to index
          %get3A_209 = arith.constant 96 : index
          %get3A_210 = tpu.vector_load %arg15[%get3A_208, %get3A_209] {strides = array<i32>} : memref<64x128xf32, #tpu.memory_space<vmem>>, vector<1x16xf32>,
          %get3A_211 = vector.shape_cast %get3A_210 : vector<1x16xf32> to vector<1x16xf32>
          %add3A_212 = arith.addf %get3A_207, %get3A_211 : vector<1x16xf32>
          %max3A_213 = arith.constant 0.000000e+00 : f32
          %max3A_214 = vector.broadcast %max3A_213 : f32 to vector<1x16xf32>
          %max3A_215 = arith.maximumf %add3A_212, %max3A_214 : vector<1x16xf32>
          %swap3A_216 = arith.index_cast %add3A_104 : i32 to index
          %swap3A_217 = arith.constant 96 : index
          %swap3A_218 = tpu.vector_load %arg13[%swap3A_216, %swap3A_217] {strides = array<i32>} : memref<64x128xf32, #tpu.memory_space<vmem>>, vector<1x16xf32>,
          %swap3A_219 = vector.shape_cast %swap3A_218 : vector<1x16xf32> to vector<1x16xf32>
          %swap3A_220 = vector.shape_cast %max3A_215 : vector<1x16xf32> to vector<1x16xf32>
          tpu.vector_store %arg13[%swap3A_216, %swap3A_217], %swap3A_220 {strides = array<i32>} : memref<64x128xf32, #tpu.memory_space<vmem>>, vector<1x16xf32>,
          %get3A_221 = arith.index_cast %add3A_104 : i32 to index
          %get3A_222 = arith.constant 112 : index
          %get3A_223 = tpu.vector_load %arg13[%get3A_221, %get3A_222] {strides = array<i32>} : memref<64x128xf32, #tpu.memory_space<vmem>>, vector<1x16xf32>,
          %get3A_224 = vector.shape_cast %get3A_223 : vector<1x16xf32> to vector<1x16xf32>
          %get3A_225 = arith.index_cast %add3A_104 : i32 to index
          %get3A_226 = arith.constant 112 : index
          %get3A_227 = tpu.vector_load %arg15[%get3A_225, %get3A_226] {strides = array<i32>} : memref<64x128xf32, #tpu.memory_space<vmem>>, vector<1x16xf32>,
          %get3A_228 = vector.shape_cast %get3A_227 : vector<1x16xf32> to vector<1x16xf32>
          %add3A_229 = arith.addf %get3A_224, %get3A_228 : vector<1x16xf32>
          %max3A_230 = arith.constant 0.000000e+00 : f32
          %max3A_231 = vector.broadcast %max3A_230 : f32 to vector<1x16xf32>
          %max3A_232 = arith.maximumf %add3A_229, %max3A_231 : vector<1x16xf32>
          %swap3A_233 = arith.index_cast %add3A_104 : i32 to index
          %swap3A_234 = arith.constant 112 : index
          %swap3A_235 = tpu.vector_load %arg13[%swap3A_233, %swap3A_234] {strides = array<i32>} : memref<64x128xf32, #tpu.memory_space<vmem>>, vector<1x16xf32>,
          %swap3A_236 = vector.shape_cast %swap3A_235 : vector<1x16xf32> to vector<1x16xf32>
          %swap3A_237 = vector.shape_cast %max3A_232 : vector<1x16xf32> to vector<1x16xf32>
          tpu.vector_store %arg13[%swap3A_233, %swap3A_234], %swap3A_237 {strides = array<i32>} : memref<64x128xf32, #tpu.memory_space<vmem>>, vector<1x16xf32>,
        }
        %scan3A_97 = arith.constant 64 : i32
        %add3A_98 = arith.constant 1 : i32
        %add3A_99 = arith.addi %mul3A_44, %add3A_98 : i32
        "tpu.region"() ({
          %run_scoped3A = tpu.sem_alloc : memref<!tpu.dma_semaphore, #tpu.memory_space<semaphore_mem>>
          %dma_start3A_100 = arith.constant 0 : i32
          %dma_start3A_101 = tpu.memref_slice %arg10[%add3A_99, %dma_start3A_100] : memref<16x64xi32, #tpu.memory_space<vmem>> -> memref<1x64xi32, #tpu.memory_space<vmem>>
          %dma_start3A_102 = tpu.memref_squeeze %dma_start3A_101 : memref<1x64xi32, #tpu.memory_space<vmem>> -> memref<64xi32, #tpu.memory_space<vmem>>
          %dma_start3A_103 = arith.constant 0 : i32
          %dma_start3A_104 = arith.constant 0 : i32
          %dma_start3A_105 = tpu.memref_slice %arg16[%dma_start3A_103, %dma_start3A_104] : memref<10112x128xf32, #tpu.memory_space<vmem_shared>> -> memref<10112x128xf32, #tpu.memory_space<vmem_shared>>
          tpu.enqueue_indirect_dma source(%arg13 : memref<64x128xf32, #tpu.memory_space<vmem>>) target(%dma_start3A_105 : memref<10112x128xf32, #tpu.memory_space<vmem_shared>>) offsets(%dma_start3A_102 : memref<64xi32, #tpu.memory_space<vmem>>) semaphore(%run_scoped3A : memref<!tpu.dma_semaphore, #tpu.memory_space<semaphore_mem>>) {add = true}
          %dma_wait3A_106 = arith.constant 0 : i32
          %dma_wait3A_107 = tpu.memref_slice %arg10[%add3A_99, %dma_wait3A_106] : memref<16x64xi32, #tpu.memory_space<vmem>> -> memref<1x64xi32, #tpu.memory_space<vmem>>
          %dma_wait3A_108 = tpu.memref_squeeze %dma_wait3A_107 : memref<1x64xi32, #tpu.memory_space<vmem>> -> memref<64xi32, #tpu.memory_space<vmem>>
          %dma_wait3A_109 = arith.constant 0 : i32
          %dma_wait3A_110 = arith.constant 0 : i32
          %dma_wait3A_111 = tpu.memref_slice %arg16[%dma_wait3A_109, %dma_wait3A_110] : memref<10112x128xf32, #tpu.memory_space<vmem_shared>> -> memref<10112x128xf32, #tpu.memory_space<vmem_shared>>
          tpu.wait_indirect_dma semaphore(%run_scoped3A : memref<!tpu.dma_semaphore, #tpu.memory_space<semaphore_mem>>) src(%arg13 : memref<64x128xf32, #tpu.memory_space<vmem>>) dst(%dma_wait3A_111 : memref<10112x128xf32, #tpu.memory_space<vmem_shared>>)
          tpu.yield
        }) : () -> ()
      }
      %scan3A_37 = arith.constant 8 : i32
    }
    %scan3A_4 = arith.constant 10 : i32
    %barrier3A_5 = arith.constant 0 : index
    tpu.barrier barrier_id(%barrier3A_5)
    %mul3A_6 = arith.constant 632 : i32
    %mul3A_7 = arith.muli %arg1, %mul3A_6 : i32
    %mul3A_8 = arith.constant 632 : i32
    %mul3A_9 = arith.muli %arg1, %mul3A_8 : i32
    "tpu.region"() ({
      %run_scoped3A = tpu.sem_alloc : memref<!tpu.dma_semaphore, #tpu.memory_space<semaphore_mem>>
      %dma_start3A = arith.constant 0 : i32
      %dma_start3A_10 = tpu.memref_slice %arg8[%arg0, %mul3A_9, %dma_start3A] : memref<2x10112x128xf32, #tpu.memory_space<hbm>> -> memref<1x632x128xf32, #tpu.memory_space<hbm>>
      %dma_start3A_11 = tpu.memref_squeeze %dma_start3A_10 : memref<1x632x128xf32, #tpu.memory_space<hbm>> -> memref<632x128xf32, #tpu.memory_space<hbm>>
      %dma_start3A_12 = arith.constant 0 : i32
      %dma_start3A_13 = tpu.memref_slice %arg16[%mul3A_7, %dma_start3A_12] : memref<10112x128xf32, #tpu.memory_space<vmem_shared>> -> memref<632x128xf32, #tpu.memory_space<vmem_shared>>
      tpu.enqueue_dma source(%dma_start3A_13 : memref<632x128xf32, #tpu.memory_space<vmem_shared>>) target(%dma_start3A_11 : memref<632x128xf32, #tpu.memory_space<hbm>>) target_semaphore(%run_scoped3A : memref<!tpu.dma_semaphore, #tpu.memory_space<semaphore_mem>>)
      %dma_wait3A = arith.constant 0 : i32
      %dma_wait3A_14 = tpu.memref_slice %arg8[%arg0, %mul3A_9, %dma_wait3A] : memref<2x10112x128xf32, #tpu.memory_space<hbm>> -> memref<1x632x128xf32, #tpu.memory_space<hbm>>
      %dma_wait3A_15 = tpu.memref_squeeze %dma_wait3A_14 : memref<1x632x128xf32, #tpu.memory_space<hbm>> -> memref<632x128xf32, #tpu.memory_space<hbm>>
      %dma_wait3A_16 = arith.constant 0 : i32
      %dma_wait3A_17 = tpu.memref_slice %arg16[%mul3A_7, %dma_wait3A_16] : memref<10112x128xf32, #tpu.memory_space<vmem_shared>> -> memref<632x128xf32, #tpu.memory_space<vmem_shared>>
      tpu.wait_dma2 semaphore(%run_scoped3A : memref<!tpu.dma_semaphore, #tpu.memory_space<semaphore_mem>>) src(%dma_wait3A_17 : memref<632x128xf32, #tpu.memory_space<vmem_shared>>) dst(%dma_wait3A_15 : memref<632x128xf32, #tpu.memory_space<hbm>>)
      tpu.yield
    }) : () -> ()
    return
  }
}

module attributes {stable_mosaic.version = 14 : i64} {
  func.func @body(%arg0: i32, %arg1: memref<1024x128xf32, #tpu.memory_space<vmem>>, %arg2: memref<2x1024x128xf32, #tpu.memory_space<vmem>>, %arg3: memref<1x128xf32, #tpu.memory_space<vmem>>, %arg4: memref<128x128xf32, #tpu.memory_space<vmem>>, %arg5: memref<1x128xf32, #tpu.memory_space<vmem>>, %arg6: memref<128x128xf32, #tpu.memory_space<vmem>>, %arg7: memref<1x128xf32, #tpu.memory_space<vmem>>, %arg8: memref<1024x128xf32, #tpu.memory_space<vmem>>) attributes {dimension_semantics = [#tpu.dimension_semantics<arbitrary>], iteration_bounds = array<i64: 10>, scalar_prefetch = 0 : i64, scratch_operands = 0 : i64, tpu.core_type = #tpu.core_type<tc>, window_params = [{transform_indices = @transform_0, window_bounds = array<i64: 1024, 128>}, {transform_indices = @transform_1, window_bounds = array<i64: 2, 1024, 128>}, {pipeline_mode = #tpu.pipeline_mode<synchronous>, transform_indices = @transform_2, window_bounds = array<i64: 1, 128>}, {pipeline_mode = #tpu.pipeline_mode<synchronous>, transform_indices = @transform_3, window_bounds = array<i64: 128, 128>}, {pipeline_mode = #tpu.pipeline_mode<synchronous>, transform_indices = @transform_4, window_bounds = array<i64: 1, 128>}, {pipeline_mode = #tpu.pipeline_mode<synchronous>, transform_indices = @transform_5, window_bounds = array<i64: 128, 128>}, {pipeline_mode = #tpu.pipeline_mode<synchronous>, transform_indices = @transform_6, window_bounds = array<i64: 1, 128>}, {transform_indices = @transform_7, window_bounds = array<i64: 1024, 128>}]} {
    %get3A = arith.constant 0 : index
    %get3A_0 = arith.constant 0 : index
    %get3A_1 = vector.load %arg1[%get3A, %get3A_0] : memref<1024x128xf32, #tpu.memory_space<vmem>>, vector<1024x128xf32>
    %get3A_2 = arith.constant 0 : index
    %get3A_3 = arith.constant 0 : index
    %get3A_4 = vector.load %arg3[%get3A_2, %get3A_3] : memref<1x128xf32, #tpu.memory_space<vmem>>, vector<1x128xf32>
    %mul3A = vector.broadcast %get3A_4 : vector<1x128xf32> to vector<1024x128xf32>
    %mul3A_5 = arith.mulf %get3A_1, %mul3A : vector<1024x128xf32>
    %get3A_6 = arith.constant 0 : index
    %get3A_7 = arith.constant 0 : index
    %get3A_8 = arith.constant 0 : index
    %get3A_9 = vector.load %arg2[%get3A_6, %get3A_7, %get3A_8] : memref<2x1024x128xf32, #tpu.memory_space<vmem>>, vector<1x1024x128xf32>
    %get3A_10 = vector.shape_cast %get3A_9 : vector<1x1024x128xf32> to vector<1024x128xf32>
    %add3A = arith.addf %mul3A_5, %get3A_10 : vector<1024x128xf32>
    %get3A_11 = arith.constant 1 : index
    %get3A_12 = arith.constant 0 : index
    %get3A_13 = arith.constant 0 : index
    %get3A_14 = vector.load %arg2[%get3A_11, %get3A_12, %get3A_13] : memref<2x1024x128xf32, #tpu.memory_space<vmem>>, vector<1x1024x128xf32>
    %get3A_15 = vector.shape_cast %get3A_14 : vector<1x1024x128xf32> to vector<1024x128xf32>
    %add3A_16 = arith.addf %add3A, %get3A_15 : vector<1024x128xf32>
    %get3A_17 = arith.constant 0 : index
    %get3A_18 = arith.constant 0 : index
    %get3A_19 = vector.load %arg4[%get3A_17, %get3A_18] : memref<128x128xf32, #tpu.memory_space<vmem>>, vector<128x128xf32>
    %dot_general3A = arith.constant dense<0.000000e+00> : vector<1024x128xf32>
    %dot_general3A_20 = tpu.matmul %add3A_16, %get3A_19, %dot_general3A {dimension_numbers = #tpu.dot_dimension_numbers<[1], [0], [0], [1], [0, 0, 1, 1], [], []>, transpose_lhs_hint = false} : vector<1024x128xf32>, vector<128x128xf32>, vector<1024x128xf32> -> vector<1024x128xf32>
    %get3A_21 = arith.constant 0 : index
    %get3A_22 = arith.constant 0 : index
    %get3A_23 = vector.load %arg5[%get3A_21, %get3A_22] : memref<1x128xf32, #tpu.memory_space<vmem>>, vector<1x128xf32>
    %add3A_24 = vector.broadcast %get3A_23 : vector<1x128xf32> to vector<1024x128xf32>
    %add3A_25 = arith.addf %dot_general3A_20, %add3A_24 : vector<1024x128xf32>
    %max3A = arith.constant 0.000000e+00 : f32
    %max3A_26 = vector.broadcast %max3A : f32 to vector<1024x128xf32>
    %max3A_27 = arith.maximumf %add3A_25, %max3A_26 : vector<1024x128xf32>
    %get3A_28 = arith.constant 0 : index
    %get3A_29 = arith.constant 0 : index
    %get3A_30 = vector.load %arg6[%get3A_28, %get3A_29] : memref<128x128xf32, #tpu.memory_space<vmem>>, vector<128x128xf32>
    %dot_general3A_31 = arith.constant dense<0.000000e+00> : vector<1024x128xf32>
    %dot_general3A_32 = tpu.matmul %max3A_27, %get3A_30, %dot_general3A_31 {dimension_numbers = #tpu.dot_dimension_numbers<[1], [0], [0], [1], [0, 0, 1, 1], [], []>, transpose_lhs_hint = false} : vector<1024x128xf32>, vector<128x128xf32>, vector<1024x128xf32> -> vector<1024x128xf32>
    %get3A_33 = arith.constant 0 : index
    %get3A_34 = arith.constant 0 : index
    %get3A_35 = vector.load %arg7[%get3A_33, %get3A_34] : memref<1x128xf32, #tpu.memory_space<vmem>>, vector<1x128xf32>
    %add3A_36 = vector.broadcast %get3A_35 : vector<1x128xf32> to vector<1024x128xf32>
    %add3A_37 = arith.addf %dot_general3A_32, %add3A_36 : vector<1024x128xf32>
    %max3A_38 = arith.constant 0.000000e+00 : f32
    %max3A_39 = vector.broadcast %max3A_38 : f32 to vector<1024x128xf32>
    %max3A_40 = arith.maximumf %add3A_37, %max3A_39 : vector<1024x128xf32>
    %swap3A = arith.constant 0 : index
    %swap3A_41 = arith.constant 0 : index
    %swap3A_42 = vector.load %arg8[%swap3A, %swap3A_41] : memref<1024x128xf32, #tpu.memory_space<vmem>>, vector<1024x128xf32>
    tpu.vector_store %arg8[%swap3A, %swap3A_41], %max3A_40 {strides = array<i32>} : memref<1024x128xf32, #tpu.memory_space<vmem>>, vector<1024x128xf32>,
    return
  }
  func.func @transform_0(%arg0: i32) -> (i32, i32) {
    %c0_i32 = arith.constant 0 : i32
    %c0_i32_0 = arith.constant 0 : i32
    return %arg0, %c0_i32 : i32, i32
  }
  func.func @transform_1(%arg0: i32) -> (i32, i32, i32) {
    %c0_i32 = arith.constant 0 : i32
    %c0_i32_0 = arith.constant 0 : i32
    %c0_i32_1 = arith.constant 0 : i32
    return %c0_i32, %arg0, %c0_i32_0 : i32, i32, i32
  }
  func.func @transform_2(%arg0: i32) -> (i32, i32) {
    %c0_i32 = arith.constant 0 : i32
    %c0_i32_0 = arith.constant 0 : i32
    %c0_i32_1 = arith.constant 0 : i32
    return %c0_i32, %c0_i32_0 : i32, i32
  }
  func.func @transform_3(%arg0: i32) -> (i32, i32) {
    %c0_i32 = arith.constant 0 : i32
    %c0_i32_0 = arith.constant 0 : i32
    %c0_i32_1 = arith.constant 0 : i32
    return %c0_i32, %c0_i32_0 : i32, i32
  }
  func.func @transform_4(%arg0: i32) -> (i32, i32) {
    %c0_i32 = arith.constant 0 : i32
    %c0_i32_0 = arith.constant 0 : i32
    %c0_i32_1 = arith.constant 0 : i32
    return %c0_i32, %c0_i32_0 : i32, i32
  }
  func.func @transform_5(%arg0: i32) -> (i32, i32) {
    %c0_i32 = arith.constant 0 : i32
    %c0_i32_0 = arith.constant 0 : i32
    %c0_i32_1 = arith.constant 0 : i32
    return %c0_i32, %c0_i32_0 : i32, i32
  }
  func.func @transform_6(%arg0: i32) -> (i32, i32) {
    %c0_i32 = arith.constant 0 : i32
    %c0_i32_0 = arith.constant 0 : i32
    %c0_i32_1 = arith.constant 0 : i32
    return %c0_i32, %c0_i32_0 : i32, i32
  }
  func.func @transform_7(%arg0: i32) -> (i32, i32) {
    %c0_i32 = arith.constant 0 : i32
    %c0_i32_0 = arith.constant 0 : i32
    return %arg0, %c0_i32 : i32, i32
  }
}

module attributes {stable_mosaic.version = 14 : i64} {
  func.func @body(%arg0: i32, %arg1: memref<1024x128xf32, #tpu.memory_space<vmem>>, %arg2: memref<2x1024x128xf32, #tpu.memory_space<vmem>>, %arg3: memref<1x128xf32, #tpu.memory_space<vmem>>, %arg4: memref<128x128xf32, #tpu.memory_space<vmem>>, %arg5: memref<1x128xf32, #tpu.memory_space<vmem>>, %arg6: memref<128x128xf32, #tpu.memory_space<vmem>>, %arg7: memref<1x128xf32, #tpu.memory_space<vmem>>, %arg8: memref<1024x128xf32, #tpu.memory_space<vmem>>) attributes {dimension_semantics = [#tpu.dimension_semantics<arbitrary>], iteration_bounds = array<i64: 10>, scalar_prefetch = 0 : i64, scratch_operands = 0 : i64, tpu.core_type = #tpu.core_type<tc>, window_params = [{transform_indices = @transform_0, window_bounds = array<i64: 1024, 128>}, {transform_indices = @transform_1, window_bounds = array<i64: 2, 1024, 128>}, {pipeline_mode = #tpu.pipeline_mode<synchronous>, transform_indices = @transform_2, window_bounds = array<i64: 1, 128>}, {pipeline_mode = #tpu.pipeline_mode<synchronous>, transform_indices = @transform_3, window_bounds = array<i64: 128, 128>}, {pipeline_mode = #tpu.pipeline_mode<synchronous>, transform_indices = @transform_4, window_bounds = array<i64: 1, 128>}, {pipeline_mode = #tpu.pipeline_mode<synchronous>, transform_indices = @transform_5, window_bounds = array<i64: 128, 128>}, {pipeline_mode = #tpu.pipeline_mode<synchronous>, transform_indices = @transform_6, window_bounds = array<i64: 1, 128>}, {transform_indices = @transform_7, window_bounds = array<i64: 1024, 128>}]} {
    %get3A = arith.constant 0 : index
    %get3A_0 = arith.constant 0 : index
    %get3A_1 = vector.load %arg1[%get3A, %get3A_0] : memref<1024x128xf32, #tpu.memory_space<vmem>>, vector<1024x128xf32>
    %get3A_2 = arith.constant 0 : index
    %get3A_3 = arith.constant 0 : index
    %get3A_4 = vector.load %arg3[%get3A_2, %get3A_3] : memref<1x128xf32, #tpu.memory_space<vmem>>, vector<1x128xf32>
    %mul3A = vector.broadcast %get3A_4 : vector<1x128xf32> to vector<1024x128xf32>
    %mul3A_5 = arith.mulf %get3A_1, %mul3A : vector<1024x128xf32>
    %get3A_6 = arith.constant 0 : index
    %get3A_7 = arith.constant 0 : index
    %get3A_8 = arith.constant 0 : index
    %get3A_9 = vector.load %arg2[%get3A_6, %get3A_7, %get3A_8] : memref<2x1024x128xf32, #tpu.memory_space<vmem>>, vector<1x1024x128xf32>
    %get3A_10 = vector.shape_cast %get3A_9 : vector<1x1024x128xf32> to vector<1024x128xf32>
    %add3A = arith.addf %mul3A_5, %get3A_10 : vector<1024x128xf32>
    %get3A_11 = arith.constant 1 : index
    %get3A_12 = arith.constant 0 : index
    %get3A_13 = arith.constant 0 : index
    %get3A_14 = vector.load %arg2[%get3A_11, %get3A_12, %get3A_13] : memref<2x1024x128xf32, #tpu.memory_space<vmem>>, vector<1x1024x128xf32>
    %get3A_15 = vector.shape_cast %get3A_14 : vector<1x1024x128xf32> to vector<1024x128xf32>
    %add3A_16 = arith.addf %add3A, %get3A_15 : vector<1024x128xf32>
    %get3A_17 = arith.constant 0 : index
    %get3A_18 = arith.constant 0 : index
    %get3A_19 = vector.load %arg4[%get3A_17, %get3A_18] : memref<128x128xf32, #tpu.memory_space<vmem>>, vector<128x128xf32>
    %dot_general3A = arith.constant dense<0.000000e+00> : vector<1024x128xf32>
    %dot_general3A_20 = tpu.matmul %add3A_16, %get3A_19, %dot_general3A {dimension_numbers = #tpu.dot_dimension_numbers<[1], [0], [0], [1], [0, 0, 1, 1], [], []>, transpose_lhs_hint = false} : vector<1024x128xf32>, vector<128x128xf32>, vector<1024x128xf32> -> vector<1024x128xf32>
    %get3A_21 = arith.constant 0 : index
    %get3A_22 = arith.constant 0 : index
    %get3A_23 = vector.load %arg5[%get3A_21, %get3A_22] : memref<1x128xf32, #tpu.memory_space<vmem>>, vector<1x128xf32>
    %add3A_24 = vector.broadcast %get3A_23 : vector<1x128xf32> to vector<1024x128xf32>
    %add3A_25 = arith.addf %dot_general3A_20, %add3A_24 : vector<1024x128xf32>
    %max3A = arith.constant 0.000000e+00 : f32
    %max3A_26 = vector.broadcast %max3A : f32 to vector<1024x128xf32>
    %max3A_27 = arith.maximumf %add3A_25, %max3A_26 : vector<1024x128xf32>
    %get3A_28 = arith.constant 0 : index
    %get3A_29 = arith.constant 0 : index
    %get3A_30 = vector.load %arg6[%get3A_28, %get3A_29] : memref<128x128xf32, #tpu.memory_space<vmem>>, vector<128x128xf32>
    %dot_general3A_31 = arith.constant dense<0.000000e+00> : vector<1024x128xf32>
    %dot_general3A_32 = tpu.matmul %max3A_27, %get3A_30, %dot_general3A_31 {dimension_numbers = #tpu.dot_dimension_numbers<[1], [0], [0], [1], [0, 0, 1, 1], [], []>, transpose_lhs_hint = false} : vector<1024x128xf32>, vector<128x128xf32>, vector<1024x128xf32> -> vector<1024x128xf32>
    %get3A_33 = arith.constant 0 : index
    %get3A_34 = arith.constant 0 : index
    %get3A_35 = vector.load %arg7[%get3A_33, %get3A_34] : memref<1x128xf32, #tpu.memory_space<vmem>>, vector<1x128xf32>
    %add3A_36 = vector.broadcast %get3A_35 : vector<1x128xf32> to vector<1024x128xf32>
    %add3A_37 = arith.addf %dot_general3A_32, %add3A_36 : vector<1024x128xf32>
    %swap3A = arith.constant 0 : index
    %swap3A_38 = arith.constant 0 : index
    %swap3A_39 = vector.load %arg8[%swap3A, %swap3A_38] : memref<1024x128xf32, #tpu.memory_space<vmem>>, vector<1024x128xf32>
    tpu.vector_store %arg8[%swap3A, %swap3A_38], %add3A_37 {strides = array<i32>} : memref<1024x128xf32, #tpu.memory_space<vmem>>, vector<1024x128xf32>,
    return
  }
  func.func @transform_0(%arg0: i32) -> (i32, i32) {
    %c0_i32 = arith.constant 0 : i32
    %c0_i32_0 = arith.constant 0 : i32
    return %arg0, %c0_i32 : i32, i32
  }
  func.func @transform_1(%arg0: i32) -> (i32, i32, i32) {
    %c0_i32 = arith.constant 0 : i32
    %c0_i32_0 = arith.constant 0 : i32
    %c0_i32_1 = arith.constant 0 : i32
    return %c0_i32, %arg0, %c0_i32_0 : i32, i32, i32
  }
  func.func @transform_2(%arg0: i32) -> (i32, i32) {
    %c0_i32 = arith.constant 0 : i32
    %c0_i32_0 = arith.constant 0 : i32
    %c0_i32_1 = arith.constant 0 : i32
    return %c0_i32, %c0_i32_0 : i32, i32
  }
  func.func @transform_3(%arg0: i32) -> (i32, i32) {
    %c0_i32 = arith.constant 0 : i32
    %c0_i32_0 = arith.constant 0 : i32
    %c0_i32_1 = arith.constant 0 : i32
    return %c0_i32, %c0_i32_0 : i32, i32
  }
  func.func @transform_4(%arg0: i32) -> (i32, i32) {
    %c0_i32 = arith.constant 0 : i32
    %c0_i32_0 = arith.constant 0 : i32
    %c0_i32_1 = arith.constant 0 : i32
    return %c0_i32, %c0_i32_0 : i32, i32
  }
  func.func @transform_5(%arg0: i32) -> (i32, i32) {
    %c0_i32 = arith.constant 0 : i32
    %c0_i32_0 = arith.constant 0 : i32
    %c0_i32_1 = arith.constant 0 : i32
    return %c0_i32, %c0_i32_0 : i32, i32
  }
  func.func @transform_6(%arg0: i32) -> (i32, i32) {
    %c0_i32 = arith.constant 0 : i32
    %c0_i32_0 = arith.constant 0 : i32
    %c0_i32_1 = arith.constant 0 : i32
    return %c0_i32, %c0_i32_0 : i32, i32
  }
  func.func @transform_7(%arg0: i32) -> (i32, i32) {
    %c0_i32 = arith.constant 0 : i32
    %c0_i32_0 = arith.constant 0 : i32
    return %arg0, %c0_i32 : i32, i32
  }
}

</mosaic_0001>

<sc_bundles>
// kernel: kernel.12.cloned.1.call-start
scs
__scs_entry_jumppad:
0x0: {  	(pc) =	sbr.rel $0x88, $3  }
0x1: {  	(tag) =	ssettag $0x0;
	lr =	simm.s32 $0x1  }
0x2: {  	[smem:$0x3F93] =	sst lr;
	_ =	strace $0xD0000000  }
0x3: {  	_ = 	snop  }
0x4: {  	_ = 	snop  }
0x5: {  	_ = 	snop  }
0x6: {  	_ = 	snop  }
0x7: {  	_ = 	snop  }
__scs_overlays_trampoline_lowered:
0x8: {  	[smem:$0x3FA2] =	sst s0  }
0x9: {  	[smem:$0x3FA3] =	sst s1  }
0xa: {  	[smem:$0x3FA4] =	sst s2  }
0xb: {  	[smem:$0x3FA5] =	sst s3  }
0xc: {  	[smem:$0x3FA6] =	sst s4  }
0xd: {  	[smem:$0x3FA7] =	sst s5  }
0xe: {  	[smem:$0x3FA8] =	sst s6  }
0xf: {  	[smem:$0x3FA9] =	sst s7  }
0x10: {  	[smem:$0x3FAA] =	sst s8  }
0x11: {  	[smem:$0x3FAB] =	sst s9;
	s0 =	simm.s32 @!p0 $0x0  }
0x12: {  	s1 =	sld [smem:$0x3F91];
	s0 =	simm.s32 @p0 $0x1  }
0x13: {  	[smem:$0x3FAC] =	sst s0;
	s0 =	simm.s32 @!p1 $0x0  }
0x14: {  	s2 =	sld [smem:$0x3F90];
	s0 =	simm.s32 @p1 $0x1  }
0x15: {  	[smem:$0x3FAD] =	sst s0;
	s0 =	simm.s32 @!p2 $0x0  }
0x16: {  	s3 =	sld [smem:$0x3FDB];
	s0 =	simm.s32 @p2 $0x1  }
0x17: {  	s4 =	simm.s32 $0x1BF5;
	[smem:$0x3FAF] =	sst s0  }
0x18: {  	s0 =	sld [smem:$0x3F92];
	_ =	swait.ge [sflag:s4], $0x0  }
0x19: {  	s7 =	sld [smem:$0x3F93]  }
0x1a: {  	s8 =	sadd.s32 $0xFFFFE003, lr  }
0x1b: {  	s9 =	sadd.s32 $0xFFFFFEF7, lr;
	s5 =	simm.s32 $0xFFFFFFFF;
	p2 =	slt.u32 s8, $0xFFFFF086  }
0x1c: {  	p1 =	slt.u32 s9, $0xF7A;
	s5 =	simm.s32 @!p2 $0x0  }
0x1d: {  	s5 =	simm.s32 @p1 $0x1;
	p0 =	seq.s32 s7, s2  }
0x1e: {  	s7 =	smul.u32 @!p0 $0xF7A, s2;
	p2 =	seq.s32 @!p0 s5, $0x0  }
0x1f: {  	s9 =	smul.u32 $0xF7A, s1;
	s8 =	simm.s32 @!p0 $0x1BF5;
	p2 =	por !p2, p0  }
0x20: {  	[sflag:s8] =	ssyncset.s32 @!p0 $0xFFFFF086;
	s6 =	sadd.s32 @!p0 s3, s7;
	s7 =	simm.s32 @!p0 $0x108  }
0x21: {  	s3 =	sadd.s32 s3, s9;
	s6 =	sadd.s32 @!p0 $0x88, s6;
	s7 =	simm.s32 @p2 $0x1082  }
0x22: {  	[simem:s7], [sflag:s8] =	dma.local @!p0 [hbm:s6], $0xF7A  }
0x23: {  	s9 =	sor.u32 $0xD0000000, s2;
	s6 =	simm.s32 $0x108;
	_ =	swait.ge @!p0 [sflag:s8], $0x0  }
0x24: {  	s3 =	sadd.s32 $0x88, s3;
	s6 =	simm.s32 @!p1 $0x1082;
	[sflag:s4] =	ssyncset.s32 $0xFFFFF086  }
0x25: {  	[simem:s6], [sflag:s4] =	dma.local [hbm:s3], $0xF7A  }
0x26: {  	[smem:$0x3F93] =	sst s1;
	(tag) =	ssettag s2;
	_ =	strace s9  }
0x27: {  	s1 =	sld [smem:$0x3FA3]  }
0x28: {  	s2 =	sld [smem:$0x3FA4]  }
0x29: {  	s4 =	sld [smem:$0x3FA6]  }
0x2a: {  	p0 =	seq.s32 s5, $0x0;
	s5 =	sld [smem:$0x3FA7]  }
0x2b: {  	s6 =	sld [smem:$0x3FA8]  }
0x2c: {  	s7 =	sld [smem:$0x3FA9]  }
0x2d: {  	s3 =	simm.s32 $0x108;
	s8 =	sld [smem:$0x3FAA]  }
0x2e: {  	s3 =	simm.s32 @!p0 $0x1082;
	s9 =	sld [smem:$0x3FAB]  }
0x2f: {  	lr =	sadd.s32 s0, s3;
	s0 =	sld [smem:$0x3FA2]  }
0x30: {  	s3 =	sld [smem:$0x3FA5]  }
0x31: {  	[smem:$0x3FAE] =	sst s10  }
0x32: {  	s10 =	sld [smem:$0x3FAC];
	_ =	sdelay $0x3  }
0x33: {  	p0 =	seq.s32 s10, $0x1;
	s10 =	sld [smem:$0x3FAE];
	_ =	sdelay $0x3  }
0x34: {  	[smem:$0x3FAE] =	sst s10  }
0x35: {  	s10 =	sld [smem:$0x3FAD];
	_ =	sdelay $0x3  }
0x36: {  	p1 =	seq.s32 s10, $0x1;
	s10 =	sld [smem:$0x3FAE];
	_ =	sdelay $0x3  }
0x37: {  	[smem:$0x3FAE] =	sst s10  }
0x38: {  	s10 =	sld [smem:$0x3FAF]  }
0x39: {  	_ = 	snop;
	(pc) =	sbr.ind lr, $3  }
0x3a: {  	_ = 	snop  }
0x3b: {  	_ = 	snop  }
0x3c: {  	p2 =	seq.s32 s10, $0x1;
	s10 =	sld [smem:$0x3FAE]  }
0x3d: {  	_ =	shalt  }
0x3e: {  	_ =	shalt  }
0x3f: {  	_ =	shalt  }
0x40: {  	_ =	shalt  }
0x41: {  	_ =	shalt  }
0x42: {  	_ =	shalt  }
0x43: {  	_ =	shalt  }
0x44: {  	_ =	shalt  }
0x45: {  	_ =	shalt  }
0x46: {  	_ =	shalt  }
0x47: {  	_ =	shalt  }
0x48: {  	_ =	shalt  }
0x49: {  	_ =	shalt  }
0x4a: {  	_ =	shalt  }
0x4b: {  	_ =	shalt  }
0x4c: {  	_ =	shalt  }
0x4d: {  	_ =	shalt  }
0x4e: {  	_ =	shalt  }
0x4f: {  	_ =	shalt  }
0x50: {  	_ =	shalt  }
0x51: {  	_ =	shalt  }
0x52: {  	_ =	shalt  }
0x53: {  	_ =	shalt  }
0x54: {  	_ =	shalt  }
0x55: {  	_ =	shalt  }
0x56: {  	_ =	shalt  }
0x57: {  	_ =	shalt  }
0x58: {  	_ =	shalt  }
0x59: {  	_ =	shalt  }
0x5a: {  	_ =	shalt  }
0x5b: {  	_ =	shalt  }
0x5c: {  	_ =	shalt  }
0x5d: {  	_ =	shalt  }
0x5e: {  	_ =	shalt  }
0x5f: {  	_ =	shalt  }
0x60: {  	_ =	shalt  }
0x61: {  	_ =	shalt  }
0x62: {  	_ =	shalt  }
0x63: {  	_ =	shalt  }
0x64: {  	_ =	shalt  }
0x65: {  	_ =	shalt  }
0x66: {  	_ =	shalt  }
0x67: {  	_ =	shalt  }
0x68: {  	_ =	shalt  }
0x69: {  	_ =	shalt  }
0x6a: {  	_ =	shalt  }
0x6b: {  	_ =	shalt  }
0x6c: {  	_ =	shalt  }
0x6d: {  	_ =	shalt  }
0x6e: {  	_ =	shalt  }
0x6f: {  	_ =	shalt  }
0x70: {  	_ =	shalt  }
0x71: {  	_ =	shalt  }
0x72: {  	_ =	shalt  }
0x73: {  	_ =	shalt  }
0x74: {  	_ =	shalt  }
0x75: {  	_ =	shalt  }
0x76: {  	_ =	shalt  }
0x77: {  	_ =	shalt  }
0x78: {  	_ =	shalt  }
0x79: {  	_ =	shalt  }
0x7a: {  	_ =	shalt  }
0x7b: {  	_ =	shalt  }
0x7c: {  	_ =	shalt  }
0x7d: {  	_ =	shalt  }
0x7e: {  	_ =	shalt  }
0x7f: {  	_ =	shalt  }
0x80: {  	_ =	shalt  }
0x81: {  	_ =	shalt  }
0x82: {  	_ =	shalt  }
0x83: {  	_ =	shalt  }
0x84: {  	_ =	shalt  }
0x85: {  	_ =	shalt  }
0x86: {  	_ =	shalt  }
0x87: {  	_ =	shalt  }
.Lfunc_end0:
.L_simem_size_0:
called_computation.1_lowered:
.L_overlay_start_0:
0x88: {  	s2 =	sld [smem:$0x3FD9]  }
0x89: {  	s3 =	sld [smem:$0x3FFE];
	_ =	sdelay $0x1  }
0x8a: {  	s1 =	srdreg.scid  }
0x8b: {  	s0 =	sand.u32 $0x1, s1  }
0x8c: {  	s17 =	sshll.u32 s0, $0xA;
	s2 =	sadd.s32 s3, s2  }
0x8d: {  	s2 =	sadd.s32 s2, s17  }
0x8e: {  	[smem:$0x3FBA] =	sst s2  }
0x8f: {  	_ = 	snop  }
0x90: {  	s2 =	sld [smem:$0x3FD0];
	(tm) =	ssettm $0x1  }
0x91: {  	s18 =	sld [smem:$0x3FFB];
	_ =	sdelay $0x3  }
0x92: {  	_ =	strace s18  }
0x93: {  	s3 =	sld [smem:$0x3FFC];
	_ =	sdelay $0x3  }
0x94: {  	_ =	strace s3  }
0x95: {  	s3 =	sld [smem:$0x3FFD];
	_ =	sdelay $0x3  }
0x96: {  	_ =	strace s3  }
0x97: {  	_ =	strace $0x8FFFFFFF  }
0x98: {  	s19 =	sld [smem:$0x3FDB];
	_ =	sdelay $0x1  }
0x99: {  	s4 =	simm.s32 $_scs_section_size  }
0x9a: {  	s5 =	simm.s32 $_size__tile_overlayer_lowered;
	s6 =	simm.s32 $_tile_overlayer_lowered  }
0x9b: {  	s22 =	simm.s32 $0x1BFF;
	s21 =	sshll.u32 s6, $0x1;
	s3 =	sadd.s32 s4, s19  }
0x9c: {  	s7 =	simm.s32 $0x0;
	s20 =	sshll.u32 s5, $0x1;
	s5 =	sadd.s32 s21, s3  }
0x9d: {  	[timem:s7], [sflag:s22] =	dma.local [hbm:s5], s20  }
0x9e: {  	_ =	swait.ge [sflag:s22], s20  }
0x9f: {  	s4 =	ssub.s32 $0x0, s20;
	[sflag:s22] =	ssyncset.done $0x0  }
0xa0: {  	[sflag:s22] =	ssyncadd.s32 s4;
	_ =	sdelay $0x1  }
0xa1: {  	s23 =	simm.s32 $0x1B8B  }
0xa2: {  	_ =	swait.ge [sflag:s23], $0x1  }
0xa3: {  	[sflag:s23] =	ssyncset.done $0x0  }
0xa4: {  	s25 =	simm.s32 $0x1B8E;
	s24 =	sld [smem:$0x3FFE];
	[sflag:s23] =	ssyncadd.s32 $0xFFFFFFFF  }
0xa5: {  	s26 =	simm.s32 $execute0_lowered;
	[smem:$0x3FD2] =	sst s25  }
0xa6: {  	s5 =	sshll.u32 s26, $0x1;
	_ =	strace $0x80000049;
	[dreg:$0x1] =	wrdreg $0xFFFFFFFF  }
0xa7: {  	s28 =	simm.s32 $_size_execute0_lowered;
	s3 =	sadd.s32 s3, s5;
	[dreg:$0x0] =	wrdreg $0x0  }
0xa8: {  	s5 =	sshll.u32 s28, $0x1;
	[dreg:$0x2] =	wrdreg s3  }
0xa9: {  	[dreg:$0x3] =	wrdreg s5  }
0xaa: {  	[dreg:$0x4] =	wrdreg $0xC0  }
0xab: {  	_ =	task [dreg:s7], $0x5FFFF  }
0xac: {  	[dreg:$0x1] =	wrdreg $0xFFFFFFFF  }
0xad: {  	[dreg:$0x0] =	wrdreg $0x60  }
0xae: {  	[dreg:$0x2] =	wrdreg s2  }
0xaf: {  	[dreg:$0x3] =	wrdreg s24  }
0xb0: {  	[dreg:$0x4] =	wrdreg $0x98000  }
0xb1: {  	[dreg:$0x5] =	wrdreg $0x9  }
0xb2: {  	_ =	task.clear_ibuf [dreg:s7], $0x6FFFF;
	_ =	strace $0x90000049  }
0xb3: {  	s29 =	simm.s32 $0x9;
	_ =	strace $0x8000004B  }
0xb4: {  	_ =	swait.ge [sflag:s29], $0x1  }
0xb5: {  	[sflag:s29] =	ssyncadd.s32 $0xFFFFFFFF  }
0xb6: {  	_ =	strace $0x9000004B  }
0xb7: {  	_ =	sfence  }
0xb8: {  	s30 =	sld [smem:$0x0];
	_ =	sdelay $0x2  }
0xb9: {  	s31 =	sshll.u32 s1, $0xD;
	s1 =	sshrl.u32 s1, $0x2  }
0xba: {  	s3 =	sand.u32 $0x4000, s31;
	s1 =	sadd.s32 s1, s30  }
0xbb: {  	s0 =	sor.u32 s3, s0;
	s1 =	sshll.u32 s1, $0x11  }
0xbc: {  	s0 =	sor.u32 s1, s0  }
0xbd: {  	s0 =	sadd.s32 $0x8F2B, s0  }
0xbe: {  	[sflag:s0] =	ssyncadd.remote.s32 $0x1  }
0xbf: {  	_ =	sfence.sel $0xFFFF  }
0xc0: {  	[dreg:$0x0] =	wrdreg $0xFFFFFFFF;
	(pc) =	sbr.abs _section_cstart, $3  }
0xc1: {  	[dreg:$0x1] =	wrdreg $0xFFFFFFFF  }
0xc2: {  	_ =	task.clear_ibuf [dreg:s7], $0x2FFFF;
	_ =	strace $0x9FFFFFFF  }
0xc3: {  	(tm) =	ssettm $0x7FFFFFFF  }
tec
execute0_lowered:
.L_overlay_start_1:
0x0: {  	(tag) =	ssettag $0x1  }
0x1: {  	s1 =	rddreg [dreg:$0x0]  }
0x2: {  	s0 =	rddreg [dreg:$0x1]  }
0x3: {  	s2 =	rddreg [dreg:$0x2];
	s4 =	simm.s32 $0x0  }
0x4: {  	s3 =	srdreg.scid;
	s9 =	stileid.u32;
	s16 =	simm.s32 $0x800  }
0x5: {  	s17 =	simm.s32 $0x1000;
	s18 =	simm.s32 $0x40;
	s19 =	simm.s32 $0x1800  }
0x6: {  	s20 =	simm.s32 $0x5800;
	s21 =	simm.s32 $0x1;
	s22 =	simm.s32 $0x3  }
0x7: {  	s23 =	simm.s32 $0x3800;
	s24 =	simm.s32 $0x7800;
	s25 =	simm.s32 $0x2  }
0x8: {  	[smem:$0x7FF] =	sst s4;
	s3 =	sand.u32 $0x1, s3;
	s11 =	smul.u32 $0x13C00, s9  }
0x9: {  	s5 =	sadd.s32 $0x36000, s0;
	s6 =	sadd.s32 $0x5EE00, s0;
	s26 =	smul.u32 $0x4F000, s9  }
0xa: {  	s7 =	sadd.s32 $0x4AE00, s0;
	s8 =	sadd.s32 $0x36E00, s0;
	s13 =	smul.u32 $0x5000, s9  }
0xb: {  	s12 =	sadd.s32 $0xB800, s0;
	s31 =	sshll.u32 s9, $0x6;
	s10 =	smul.u32 $0x13C000, s3  }
0xc: {  	_ =	strace $0x8000004A;
	[dreg:$0x4] =	wrdreg s12;
	s28 =	ssub.s32 $0x2, s3  }
0xd: {  	s3 =	smul.u32 $0x50000, s3;
	s29 =	sshrl.u32 s28, $0x1;
	s30 =	sshrl.u32 s26, $0x2  }
0xe: {  	s26 =	simm.s32 $0x4;
	s10 =	sadd.s32 s11, s10;
	s14 =	ssub.s32 s28, s29  }
0xf: {  	s15 =	sadd.s32 s30, s2;
	s11 =	sadd.s32 s13, s3;
	s10 =	sshrl.u32 s10, $0x3  }
0x10: {  	s13 =	smax.u32 s14, $0x1;
	s14 =	sshrl.u32 s15, $0x3;
	s0 =	sadd.s32 s10, s0  }
0x11: {  	s15 =	simm.s32 $0x5;
	s10 =	sor.u32 $0x1C05, s31;
	s12 =	sadd.s32 $0x72E00, s0  }
.LBB2_1:
0x12: {  	s0 =	rddreg [dreg:$0x4]  }
0x13: {  	[spmem:s14], [sflag:s10] =	dma.local [hbm:s0], $0x2780  }
0x14: {  	_ =	swait.ge [sflag:s15], $0x2780  }
0x15: {  	[sflag:s15] =	ssyncset.done $0x0  }
0x16: {  	[sflag:s15] =	ssyncadd.s32 $0xFFFFD880  }
0x17: {  	s28 =	simm.s32 $0x0;
	[bflag:$0x0] =	sbarrier.arrive $0xFFFF  }
.LBB2_2:
0x18: {  	s0 =	sshll.u32 s28, $0xB  }
0x19: {  	s0 =	sadd.s32 s0, s11  }
0x1a: {  	s0 =	sshrl.u32 s0, $0x3  }
0x1b: {  	s29 =	simm.s32 $0x0;
	s3 =	sadd.s32 s6, s0  }
0x1c: {  	[tilespmem:s29], [sflag:$0x5] =	stream.linear.gather [hbm4b:s3+s29], $0x800, $0x38;
	[tilespmem:$0x1D400] =	vst v63  }
0x1d: {  	_ =	swait.ge [sflag:s15], $0x800  }
0x1e: {  	[sflag:s15] =	ssyncset.done $0x0  }
0x1f: {  	s31 =	sadd.s32 s7, s0;
	[sflag:s15] =	ssyncadd.s32 $0xFFFFF800  }
0x20: {  	[tilespmem:s16], [sflag:$0x5] =	stream.linear.gather [hbm4b:s31+s29], $0x800, $0x38;
	[tilespmem:$0x1D400] =	vst v63  }
0x21: {  	_ =	swait.ge [sflag:s15], $0x800  }
0x22: {  	[sflag:s15] =	ssyncset.done $0x0  }
0x23: {  	s0 =	sadd.s32 s8, s0;
	[sflag:s15] =	ssyncadd.s32 $0xFFFFF800  }
0x24: {  	[tilespmem:s17], [sflag:$0x5] =	stream.linear.gather [hbm4b:s0+s29], $0x800, $0x38;
	[tilespmem:$0x1D400] =	vst v63  }
0x25: {  	_ =	swait.ge [sflag:s15], $0x800  }
0x26: {  	[sflag:s15] =	ssyncset.done $0x0  }
0x27: {  	[sflag:s15] =	ssyncadd.s32 $0xFFFFF800  }
0x28: {  	[tilespmem:s19], [sflag:$0x1] =	stream.indirect.gather [hbm4b:s1+s18], $0x80, s29, s18, $0xb8;
	[tilespmem:$0x1D400] =	vst v63  }
0x29: {  	_ = 	snop  }
0x2a: {  	[tilespmem:s20], [sflag:$0x3] =	stream.indirect.gather [hbm4b:s5+s18], $0x80, s17, s18, $0xb8;
	[tilespmem:$0x1D400] =	vst v63  }
.LBB2_3:
0x2b: {  	_ =	swait.ge [sflag:s21], $0x2000  }
0x2c: {  	[sflag:s21] =	ssyncset.done $0x0  }
0x2d: {  	[sflag:s21] =	ssyncadd.s32 $0xFFFFE000  }
0x2e: {  	_ =	swait.ge [sflag:s22], $0x2000  }
0x2f: {  	s31 =	sshll.u32 s29, $0x8;
	[sflag:s22] =	ssyncset.done $0x0  }
0x30: {  	s30 =	sor.u32 $0x80, s31;
	[sflag:s22] =	ssyncadd.s32 $0xFFFFE000  }
0x31: {  	[tilespmem:s23], [sflag:$0x2] =	stream.indirect.gather [hbm4b:s1+s18], $0x80, s30, s18, $0xb8;
	[tilespmem:$0x1D400] =	vst v63  }
0x32: {  	s0 =	sadd.s32 $0x1080, s31  }
0x33: {  	[tilespmem:s24], [sflag:$0x4] =	stream.indirect.gather [hbm4b:s5+s18], $0x80, s0, s18, $0xb8;
	[tilespmem:$0x1D400] =	vst v63  }
0x34: {  	s0 =	simm.s32 $0x0  }
0x35: {  	v6 =	vld [tilespmem:s0+$0x5800]  }
0x36: {  	v11 =	vld [tilespmem:s0+$0x5810]  }
0x37: {  	v5 =	vld [tilespmem:s0+$0x5820]  }
0x38: {  	v4 =	vld [tilespmem:s0+$0x5830]  }
0x39: {  	v3 =	vld [tilespmem:s0+$0x5840]  }
0x3a: {  	v2 =	vld [tilespmem:s0+$0x5850]  }
0x3b: {  	v1 =	vld [tilespmem:s0+$0x5860]  }
0x3c: {  	v0 =	vld [tilespmem:s0+$0x5870]  }
0x3d: {  	v12 =	vld [tilespmem:s0+$0x1800]  }
0x3e: {  	v13 =	vld [tilespmem:s0+$0x1810]  }
0x3f: {  	v10 =	vld [tilespmem:s0+$0x1820]  }
0x40: {  	v9 =	vld [tilespmem:s0+$0x1830]  }
0x41: {  	v8 =	vld [tilespmem:s0+$0x1840]  }
0x42: {  	v7 =	vld [tilespmem:s0+$0x1850];
	v12 =	vadd.f32 v6, v12  }
0x43: {  	s3 =	simm.s32 $0x200;
	v11 =	vadd.f32 v11, v13;
	v6 =	vld [tilespmem:s0+$0x1860]  }
.LBB2_4:
0x44: {  	s9 =	sshra.s32 s3, $0x2;
	p0 =	sne.s32 s3, $0x7E00;
	v12 =	vmax.f32 v12, $0.0e+00;
	v5 =	vadd.f32 v5, v10;
	v10 =	vld [tilespmem:s0+$0x1870]  }
0x45: {  	v13 =	vld [tilespmem:s9+$0x5800];
	[tilespmem:s0+$0x1800] =	vst v12;
	v11 =	vmax.f32 v11, $0.0e+00;
	v4 =	vadd.f32 v4, v9  }
0x46: {  	v14 =	vld [tilespmem:s9+$0x5810];
	[tilespmem:s0+$0x1810] =	vst v11;
	v9 =	vmax.f32 v5, $0.0e+00;
	v3 =	vadd.f32 v3, v8  }
0x47: {  	v5 =	vld [tilespmem:s9+$0x5820];
	[tilespmem:s0+$0x1820] =	vst v9;
	v8 =	vmax.f32 v4, $0.0e+00;
	v2 =	vadd.f32 v2, v7  }
0x48: {  	v4 =	vld [tilespmem:s9+$0x5830];
	[tilespmem:s0+$0x1830] =	vst v8;
	v7 =	vmax.f32 v3, $0.0e+00;
	v1 =	vadd.f32 v1, v6  }
0x49: {  	v3 =	vld [tilespmem:s9+$0x5840];
	[tilespmem:s0+$0x1840] =	vst v7;
	v6 =	vmax.f32 v2, $0.0e+00;
	v0 =	vadd.f32 v0, v10  }
0x4a: {  	v2 =	vld [tilespmem:s9+$0x5850];
	[tilespmem:s0+$0x1850] =	vst v6;
	v6 =	vmax.f32 v1, $0.0e+00  }
0x4b: {  	v1 =	vld [tilespmem:s9+$0x5860];
	[tilespmem:s0+$0x1860] =	vst v6;
	v6 =	vmax.f32 v0, $0.0e+00  }
0x4c: {  	v0 =	vld [tilespmem:s9+$0x5870];
	[tilespmem:s0+$0x1870] =	vst v6;
	s0 =	smov.u32 s9  }
0x4d: {  	v6 =	vld [tilespmem:s0+$0x1800]  }
0x4e: {  	v11 =	vld [tilespmem:s0+$0x1810]  }
.Ltmp0:
0x4f: {  	v10 =	vld [tilespmem:s0+$0x1820];
	(pc) =	sbr.rel @p0 .LBB2_4-.Ltmp0, $4  }
0x50: {  	v9 =	vld [tilespmem:s0+$0x1830]  }
0x51: {  	v8 =	vld [tilespmem:s0+$0x1840]  }
0x52: {  	v12 =	vadd.f32 v13, v6;
	v7 =	vld [tilespmem:s0+$0x1850]  }
0x53: {  	s3 =	sadd.s32 $0x200, s3;
	v11 =	vadd.f32 v14, v11;
	v6 =	vld [tilespmem:s0+$0x1860]  }
0x54: {  	v12 =	vmax.f32 v12, $0.0e+00;
	v5 =	vadd.f32 v5, v10;
	v10 =	vld [tilespmem:s0+$0x1870]  }
0x55: {  	[tilespmem:s0+$0x1800] =	vst v12;
	v11 =	vmax.f32 v11, $0.0e+00;
	v4 =	vadd.f32 v4, v9  }
0x56: {  	[tilespmem:s0+$0x1810] =	vst v11;
	v5 =	vmax.f32 v5, $0.0e+00;
	v3 =	vadd.f32 v3, v8  }
0x57: {  	[tilespmem:s0+$0x1820] =	vst v5;
	v4 =	vmax.f32 v4, $0.0e+00;
	v2 =	vadd.f32 v2, v7  }
0x58: {  	[tilespmem:s0+$0x1830] =	vst v4;
	v3 =	vmax.f32 v3, $0.0e+00;
	v1 =	vadd.f32 v1, v6  }
0x59: {  	[tilespmem:s0+$0x1840] =	vst v3;
	v2 =	vmax.f32 v2, $0.0e+00;
	v0 =	vadd.f32 v0, v10  }
0x5a: {  	[tilespmem:s0+$0x1850] =	vst v2;
	v1 =	vmax.f32 v1, $0.0e+00  }
0x5b: {  	s3 =	sand.u32 $0x3FFFFF00, s31;
	[tilespmem:s0+$0x1860] =	vst v1;
	v0 =	vmax.f32 v0, $0.0e+00  }
0x5c: {  	s9 =	sadd.s32 $0x800, s3;
	[tilespmem:s0+$0x1870] =	vst v0  }
0x5d: {  	[spmem:s2] =	stream.indirect.scatter.add.f32 [tilespmem:s19], [sflag:$0x5], $0x80, s9, s18, $0xb8;
	[tilespmem:$0x1D400] =	vst v63  }
0x5e: {  	_ =	swait.ge [sflag:s15], $0x2000  }
0x5f: {  	[sflag:s15] =	ssyncset.done $0x0  }
0x60: {  	[sflag:s15] =	ssyncadd.s32 $0xFFFFE000  }
0x61: {  	_ =	swait.ge [sflag:s25], $0x2000  }
0x62: {  	[sflag:s25] =	ssyncset.done $0x0  }
0x63: {  	[sflag:s25] =	ssyncadd.s32 $0xFFFFE000  }
0x64: {  	p0 =	seq.s32 s29, $0x7;
	_ =	swait.ge [sflag:s26], $0x2000  }
0x65: {  	s3 =	simm.s32 @!p0 $0x40;
	[sflag:s26] =	ssyncset.done $0x0  }
0x66: {  	s0 =	sadd.s32 @!p0 $0x100, s31;
	s9 =	simm.s32 @!p0 $0x1800;
	[sflag:s26] =	ssyncadd.s32 $0xFFFFE000  }
0x67: {  	[tilespmem:s9], [sflag:$0x1] =	stream.indirect.gather @!p0 [hbm4b:s1+s3], $0x80, s0, s3, $0xb8;
	[tilespmem:$0x1D400] =	vst v63  }
0x68: {  	s0 =	sadd.s32 @!p0 $0x1100, s31;
	s9 =	simm.s32 @!p0 $0x5800  }
0x69: {  	[tilespmem:s9], [sflag:$0x3] =	stream.indirect.gather @!p0 [hbm4b:s5+s3], $0x80, s0, s3, $0xb8;
	[tilespmem:$0x1D400] =	vst v63  }
0x6a: {  	s0 =	simm.s32 $0x0  }
0x6b: {  	v6 =	vld [tilespmem:s0+$0x7800]  }
0x6c: {  	v11 =	vld [tilespmem:s0+$0x7810]  }
0x6d: {  	v5 =	vld [tilespmem:s0+$0x7820]  }
0x6e: {  	v4 =	vld [tilespmem:s0+$0x7830]  }
0x6f: {  	v3 =	vld [tilespmem:s0+$0x7840]  }
0x70: {  	v2 =	vld [tilespmem:s0+$0x7850]  }
0x71: {  	v1 =	vld [tilespmem:s0+$0x7860]  }
0x72: {  	v0 =	vld [tilespmem:s0+$0x7870]  }
0x73: {  	v12 =	vld [tilespmem:s0+$0x3800]  }
0x74: {  	v13 =	vld [tilespmem:s0+$0x3810]  }
0x75: {  	v10 =	vld [tilespmem:s0+$0x3820]  }
0x76: {  	v9 =	vld [tilespmem:s0+$0x3830]  }
0x77: {  	v8 =	vld [tilespmem:s0+$0x3840]  }
0x78: {  	v7 =	vld [tilespmem:s0+$0x3850];
	v12 =	vadd.f32 v6, v12  }
0x79: {  	s3 =	simm.s32 $0x200;
	v11 =	vadd.f32 v11, v13;
	v6 =	vld [tilespmem:s0+$0x3860]  }
.LBB2_6:
0x7a: {  	s9 =	sshra.s32 s3, $0x2;
	p0 =	sne.s32 s3, $0x7E00;
	v12 =	vmax.f32 v12, $0.0e+00;
	v5 =	vadd.f32 v5, v10;
	v10 =	vld [tilespmem:s0+$0x3870]  }
0x7b: {  	v13 =	vld [tilespmem:s9+$0x7800];
	[tilespmem:s0+$0x3800] =	vst v12;
	v11 =	vmax.f32 v11, $0.0e+00;
	v4 =	vadd.f32 v4, v9  }
0x7c: {  	v14 =	vld [tilespmem:s9+$0x7810];
	[tilespmem:s0+$0x3810] =	vst v11;
	v9 =	vmax.f32 v5, $0.0e+00;
	v3 =	vadd.f32 v3, v8  }
0x7d: {  	v5 =	vld [tilespmem:s9+$0x7820];
	[tilespmem:s0+$0x3820] =	vst v9;
	v8 =	vmax.f32 v4, $0.0e+00;
	v2 =	vadd.f32 v2, v7  }
0x7e: {  	v4 =	vld [tilespmem:s9+$0x7830];
	[tilespmem:s0+$0x3830] =	vst v8;
	v7 =	vmax.f32 v3, $0.0e+00;
	v1 =	vadd.f32 v1, v6  }
0x7f: {  	v3 =	vld [tilespmem:s9+$0x7840];
	[tilespmem:s0+$0x3840] =	vst v7;
	v6 =	vmax.f32 v2, $0.0e+00;
	v0 =	vadd.f32 v0, v10  }
0x80: {  	v2 =	vld [tilespmem:s9+$0x7850];
	[tilespmem:s0+$0x3850] =	vst v6;
	v6 =	vmax.f32 v1, $0.0e+00  }
0x81: {  	v1 =	vld [tilespmem:s9+$0x7860];
	[tilespmem:s0+$0x3860] =	vst v6;
	v6 =	vmax.f32 v0, $0.0e+00  }
0x82: {  	v0 =	vld [tilespmem:s9+$0x7870];
	[tilespmem:s0+$0x3870] =	vst v6;
	s0 =	smov.u32 s9  }
0x83: {  	v6 =	vld [tilespmem:s0+$0x3800]  }
0x84: {  	v11 =	vld [tilespmem:s0+$0x3810]  }
.Ltmp1:
0x85: {  	v10 =	vld [tilespmem:s0+$0x3820];
	(pc) =	sbr.rel @p0 .LBB2_6-.Ltmp1, $4  }
0x86: {  	v9 =	vld [tilespmem:s0+$0x3830]  }
0x87: {  	v8 =	vld [tilespmem:s0+$0x3840]  }
0x88: {  	v12 =	vadd.f32 v13, v6;
	v7 =	vld [tilespmem:s0+$0x3850]  }
0x89: {  	s3 =	sadd.s32 $0x200, s3;
	v11 =	vadd.f32 v14, v11;
	v6 =	vld [tilespmem:s0+$0x3860]  }
0x8a: {  	v12 =	vmax.f32 v12, $0.0e+00;
	v5 =	vadd.f32 v5, v10;
	v63 =	vld [tilespmem:s0+$0x3870]  }
0x8b: {  	[tilespmem:s0+$0x3800] =	vst v12;
	v11 =	vmax.f32 v11, $0.0e+00;
	v4 =	vadd.f32 v4, v9  }
0x8c: {  	[tilespmem:s0+$0x3810] =	vst v11;
	v5 =	vmax.f32 v5, $0.0e+00;
	v3 =	vadd.f32 v3, v8  }
0x8d: {  	[tilespmem:s0+$0x3820] =	vst v5;
	v4 =	vmax.f32 v4, $0.0e+00;
	v2 =	vadd.f32 v2, v7  }
0x8e: {  	[tilespmem:s0+$0x3830] =	vst v4;
	v3 =	vmax.f32 v3, $0.0e+00;
	v1 =	vadd.f32 v1, v6  }
0x8f: {  	[tilespmem:s0+$0x3840] =	vst v3;
	v2 =	vmax.f32 v2, $0.0e+00;
	v0 =	vadd.f32 v0, v63  }
0x90: {  	s29 =	sadd.s32 $0x1, s29;
	[tilespmem:s0+$0x3850] =	vst v2;
	v1 =	vmax.f32 v1, $0.0e+00  }
0x91: {  	p0 =	sne.s32 s29, $0x8;
	[tilespmem:s0+$0x3860] =	vst v1;
	v0 =	vmax.f32 v0, $0.0e+00  }
.Ltmp2:
0x92: {  	s31 =	sadd.s32 $0x800, s30;
	[tilespmem:s0+$0x3870] =	vst v0;
	(pc) =	sbr.rel @p0 .LBB2_3-.Ltmp2, $4  }
0x93: {  	[spmem:s2] =	stream.indirect.scatter.add.f32 [tilespmem:s23], [sflag:$0x5], $0x80, s31, s18, $0xb8;
	[tilespmem:$0x1D400] =	vst v63  }
0x94: {  	_ =	swait.ge [sflag:s15], $0x2000  }
0x95: {  	[sflag:s15] =	ssyncset.done $0x0  }
0x96: {  	[sflag:s15] =	ssyncadd.s32 $0xFFFFE000  }
0x97: {  	s28 =	sadd.s32 $0x1, s28  }
0x98: {  	p0 =	sne.s32 s28, $0xA  }
.Ltmp3:
0x99: {  	_ = 	snop;
	(pc) =	sbr.rel @p0 .LBB2_2-.Ltmp3, $1  }
0x9a: {  	_ =	sdelay $0x3  }
0x9b: {  	s4 =	sadd.s32 $0x1, s4  }
0x9c: {  	p0 =	sne.s32 s4, s13  }
.Ltmp4:
0x9d: {  	[bflag:$0x0] =	sbarrier.arrive $0xFFFF;
	(pc) =	sbr.rel @p0 .LBB2_1-.Ltmp4, $4  }
0x9e: {  	[hbm:s12], [sflag:s10] =	dma.local [spmem:s14], $0x2780  }
0x9f: {  	_ =	swait.ge [sflag:s15], $0x2780  }
0xa0: {  	[sflag:s15] =	ssyncset.done $0x0  }
0xa1: {  	[sflag:s15] =	ssyncadd.s32 $0xFFFFD880  }
0xa2: {  	_ =	sfence.sel $0x180000  }
0xa3: {  	[bflag:$0x0] =	sbarrier.arrive $0xFFFF  }
0xa4: {  	_ =	strace $0x9000004A  }
0xa5: {  	s0 =	stileid.u32;
	[bflag:$0x2] =	sbarrier.arrive $0xFFFF  }
0xa6: {  	p0 =	sne.s32 s0, $0x0;
	s0 =	rddreg [dreg:$0x3]  }
0xa7: {  	s0 =	sadd.s32 @!p0 $0x100000, s0  }
0xa8: {  	[sflag:s0] =	ssyncadd.tile.s32 @!p0 $0x1;
	_ =	shalt  }
.Lfunc_end2:
_tile_overlayer_lowered:
.L_overlay_start_2:
0xa9: {  	(tag) =	ssettag $0x2  }
0xaa: {  	s0 =	rddreg [dreg:$0x0];
	s2 =	stileid.u32  }
0xab: {  	s1 =	rddreg [dreg:$0x1];
	p0 =	sne.s32 s2, $0x0  }
0xac: {  	s3 =	rddreg [dreg:$0x2];
	[bflag:$0x3] =	sbarrier.arrive $0xFFFF;
	s2 =	simm.s32 @!p0 $0x1C05  }
0xad: {  	[timem:s3], [sflag:s2] =	dma.local @!p0 [hbm:s0], s1  }
0xae: {  	s0 =	simm.s32 @!p0 $0x5  }
0xaf: {  	_ =	swait.ge @!p0 [sflag:s0], s1  }
0xb0: {  	s1 =	ssub.s32 @!p0 $0x0, s1;
	[sflag:s0] =	ssyncset.done @!p0 $0x0  }
0xb1: {  	[sflag:s0] =	ssyncadd.s32 @!p0 s1  }
0xb2: {  	[bflag:$0x3] =	sbarrier.arrive $0xFFFF  }
0xb3: {  	_ =	shalt  }

// kernel: kernel.15.cloned.1.call-start
scs
__scs_entry_jumppad:
0x0: {  	(pc) =	sbr.rel $0x88, $3  }
0x1: {  	(tag) =	ssettag $0x0;
	lr =	simm.s32 $0x1  }
0x2: {  	[smem:$0x3F93] =	sst lr;
	_ =	strace $0xD0000000  }
0x3: {  	_ = 	snop  }
0x4: {  	_ = 	snop  }
0x5: {  	_ = 	snop  }
0x6: {  	_ = 	snop  }
0x7: {  	_ = 	snop  }
__scs_overlays_trampoline_lowered:
0x8: {  	[smem:$0x3FA2] =	sst s0  }
0x9: {  	[smem:$0x3FA3] =	sst s1  }
0xa: {  	[smem:$0x3FA4] =	sst s2  }
0xb: {  	[smem:$0x3FA5] =	sst s3  }
0xc: {  	[smem:$0x3FA6] =	sst s4  }
0xd: {  	[smem:$0x3FA7] =	sst s5  }
0xe: {  	[smem:$0x3FA8] =	sst s6  }
0xf: {  	[smem:$0x3FA9] =	sst s7  }
0x10: {  	[smem:$0x3FAA] =	sst s8  }
0x11: {  	[smem:$0x3FAB] =	sst s9;
	s0 =	simm.s32 @!p0 $0x0  }
0x12: {  	s1 =	sld [smem:$0x3F91];
	s0 =	simm.s32 @p0 $0x1  }
0x13: {  	[smem:$0x3FAC] =	sst s0;
	s0 =	simm.s32 @!p1 $0x0  }
0x14: {  	s2 =	sld [smem:$0x3F90];
	s0 =	simm.s32 @p1 $0x1  }
0x15: {  	[smem:$0x3FAD] =	sst s0;
	s0 =	simm.s32 @!p2 $0x0  }
0x16: {  	s3 =	sld [smem:$0x3FDB];
	s0 =	simm.s32 @p2 $0x1  }
0x17: {  	s4 =	simm.s32 $0x1BF5;
	[smem:$0x3FAF] =	sst s0  }
0x18: {  	s0 =	sld [smem:$0x3F92];
	_ =	swait.ge [sflag:s4], $0x0  }
0x19: {  	s7 =	sld [smem:$0x3F93]  }
0x1a: {  	s8 =	sadd.s32 $0xFFFFE003, lr  }
0x1b: {  	s9 =	sadd.s32 $0xFFFFFEF7, lr;
	s5 =	simm.s32 $0xFFFFFFFF;
	p2 =	slt.u32 s8, $0xFFFFF086  }
0x1c: {  	p1 =	slt.u32 s9, $0xF7A;
	s5 =	simm.s32 @!p2 $0x0  }
0x1d: {  	s5 =	simm.s32 @p1 $0x1;
	p0 =	seq.s32 s7, s2  }
0x1e: {  	s7 =	smul.u32 @!p0 $0xF7A, s2;
	p2 =	seq.s32 @!p0 s5, $0x0  }
0x1f: {  	s9 =	smul.u32 $0xF7A, s1;
	s8 =	simm.s32 @!p0 $0x1BF5;
	p2 =	por !p2, p0  }
0x20: {  	[sflag:s8] =	ssyncset.s32 @!p0 $0xFFFFF086;
	s6 =	sadd.s32 @!p0 s3, s7;
	s7 =	simm.s32 @!p0 $0x108  }
0x21: {  	s3 =	sadd.s32 s3, s9;
	s6 =	sadd.s32 @!p0 $0x88, s6;
	s7 =	simm.s32 @p2 $0x1082  }
0x22: {  	[simem:s7], [sflag:s8] =	dma.local @!p0 [hbm:s6], $0xF7A  }
0x23: {  	s9 =	sor.u32 $0xD0000000, s2;
	s6 =	simm.s32 $0x108;
	_ =	swait.ge @!p0 [sflag:s8], $0x0  }
0x24: {  	s3 =	sadd.s32 $0x88, s3;
	s6 =	simm.s32 @!p1 $0x1082;
	[sflag:s4] =	ssyncset.s32 $0xFFFFF086  }
0x25: {  	[simem:s6], [sflag:s4] =	dma.local [hbm:s3], $0xF7A  }
0x26: {  	[smem:$0x3F93] =	sst s1;
	(tag) =	ssettag s2;
	_ =	strace s9  }
0x27: {  	s1 =	sld [smem:$0x3FA3]  }
0x28: {  	s2 =	sld [smem:$0x3FA4]  }
0x29: {  	s4 =	sld [smem:$0x3FA6]  }
0x2a: {  	p0 =	seq.s32 s5, $0x0;
	s5 =	sld [smem:$0x3FA7]  }
0x2b: {  	s6 =	sld [smem:$0x3FA8]  }
0x2c: {  	s7 =	sld [smem:$0x3FA9]  }
0x2d: {  	s3 =	simm.s32 $0x108;
	s8 =	sld [smem:$0x3FAA]  }
0x2e: {  	s3 =	simm.s32 @!p0 $0x1082;
	s9 =	sld [smem:$0x3FAB]  }
0x2f: {  	lr =	sadd.s32 s0, s3;
	s0 =	sld [smem:$0x3FA2]  }
0x30: {  	s3 =	sld [smem:$0x3FA5]  }
0x31: {  	[smem:$0x3FAE] =	sst s10  }
0x32: {  	s10 =	sld [smem:$0x3FAC];
	_ =	sdelay $0x3  }
0x33: {  	p0 =	seq.s32 s10, $0x1;
	s10 =	sld [smem:$0x3FAE];
	_ =	sdelay $0x3  }
0x34: {  	[smem:$0x3FAE] =	sst s10  }
0x35: {  	s10 =	sld [smem:$0x3FAD];
	_ =	sdelay $0x3  }
0x36: {  	p1 =	seq.s32 s10, $0x1;
	s10 =	sld [smem:$0x3FAE];
	_ =	sdelay $0x3  }
0x37: {  	[smem:$0x3FAE] =	sst s10  }
0x38: {  	s10 =	sld [smem:$0x3FAF]  }
0x39: {  	_ = 	snop;
	(pc) =	sbr.ind lr, $3  }
0x3a: {  	_ = 	snop  }
0x3b: {  	_ = 	snop  }
0x3c: {  	p2 =	seq.s32 s10, $0x1;
	s10 =	sld [smem:$0x3FAE]  }
0x3d: {  	_ =	shalt  }
0x3e: {  	_ =	shalt  }
0x3f: {  	_ =	shalt  }
0x40: {  	_ =	shalt  }
0x41: {  	_ =	shalt  }
0x42: {  	_ =	shalt  }
0x43: {  	_ =	shalt  }
0x44: {  	_ =	shalt  }
0x45: {  	_ =	shalt  }
0x46: {  	_ =	shalt  }
0x47: {  	_ =	shalt  }
0x48: {  	_ =	shalt  }
0x49: {  	_ =	shalt  }
0x4a: {  	_ =	shalt  }
0x4b: {  	_ =	shalt  }
0x4c: {  	_ =	shalt  }
0x4d: {  	_ =	shalt  }
0x4e: {  	_ =	shalt  }
0x4f: {  	_ =	shalt  }
0x50: {  	_ =	shalt  }
0x51: {  	_ =	shalt  }
0x52: {  	_ =	shalt  }
0x53: {  	_ =	shalt  }
0x54: {  	_ =	shalt  }
0x55: {  	_ =	shalt  }
0x56: {  	_ =	shalt  }
0x57: {  	_ =	shalt  }
0x58: {  	_ =	shalt  }
0x59: {  	_ =	shalt  }
0x5a: {  	_ =	shalt  }
0x5b: {  	_ =	shalt  }
0x5c: {  	_ =	shalt  }
0x5d: {  	_ =	shalt  }
0x5e: {  	_ =	shalt  }
0x5f: {  	_ =	shalt  }
0x60: {  	_ =	shalt  }
0x61: {  	_ =	shalt  }
0x62: {  	_ =	shalt  }
0x63: {  	_ =	shalt  }
0x64: {  	_ =	shalt  }
0x65: {  	_ =	shalt  }
0x66: {  	_ =	shalt  }
0x67: {  	_ =	shalt  }
0x68: {  	_ =	shalt  }
0x69: {  	_ =	shalt  }
0x6a: {  	_ =	shalt  }
0x6b: {  	_ =	shalt  }
0x6c: {  	_ =	shalt  }
0x6d: {  	_ =	shalt  }
0x6e: {  	_ =	shalt  }
0x6f: {  	_ =	shalt  }
0x70: {  	_ =	shalt  }
0x71: {  	_ =	shalt  }
0x72: {  	_ =	shalt  }
0x73: {  	_ =	shalt  }
0x74: {  	_ =	shalt  }
0x75: {  	_ =	shalt  }
0x76: {  	_ =	shalt  }
0x77: {  	_ =	shalt  }
0x78: {  	_ =	shalt  }
0x79: {  	_ =	shalt  }
0x7a: {  	_ =	shalt  }
0x7b: {  	_ =	shalt  }
0x7c: {  	_ =	shalt  }
0x7d: {  	_ =	shalt  }
0x7e: {  	_ =	shalt  }
0x7f: {  	_ =	shalt  }
0x80: {  	_ =	shalt  }
0x81: {  	_ =	shalt  }
0x82: {  	_ =	shalt  }
0x83: {  	_ =	shalt  }
0x84: {  	_ =	shalt  }
0x85: {  	_ =	shalt  }
0x86: {  	_ =	shalt  }
0x87: {  	_ =	shalt  }
.Lfunc_end0:
.L_simem_size_0:
called_computation.2_lowered:
.L_overlay_start_0:
0x88: {  	s2 =	sld [smem:$0x3FD9]  }
0x89: {  	s3 =	sld [smem:$0x3FFE];
	_ =	sdelay $0x1  }
0x8a: {  	s1 =	srdreg.scid  }
0x8b: {  	s0 =	sand.u32 $0x1, s1  }
0x8c: {  	s17 =	sshll.u32 s0, $0xA;
	s2 =	sadd.s32 s3, s2  }
0x8d: {  	s2 =	sadd.s32 s2, s17  }
0x8e: {  	[smem:$0x3FBA] =	sst s2  }
0x8f: {  	_ = 	snop  }
0x90: {  	s2 =	sld [smem:$0x3FD0];
	(tm) =	ssettm $0x1  }
0x91: {  	s18 =	sld [smem:$0x3FFB];
	_ =	sdelay $0x3  }
0x92: {  	_ =	strace s18  }
0x93: {  	s3 =	sld [smem:$0x3FFC];
	_ =	sdelay $0x3  }
0x94: {  	_ =	strace s3  }
0x95: {  	s3 =	sld [smem:$0x3FFD];
	_ =	sdelay $0x3  }
0x96: {  	_ =	strace s3  }
0x97: {  	_ =	strace $0x8FFFFFFF  }
0x98: {  	s19 =	sld [smem:$0x3FDB];
	_ =	sdelay $0x1  }
0x99: {  	s4 =	simm.s32 $_scs_section_size  }
0x9a: {  	s5 =	simm.s32 $_size__tile_overlayer_lowered;
	s6 =	simm.s32 $_tile_overlayer_lowered  }
0x9b: {  	s22 =	simm.s32 $0x1BFF;
	s21 =	sshll.u32 s6, $0x1;
	s3 =	sadd.s32 s4, s19  }
0x9c: {  	s7 =	simm.s32 $0x0;
	s20 =	sshll.u32 s5, $0x1;
	s5 =	sadd.s32 s21, s3  }
0x9d: {  	[timem:s7], [sflag:s22] =	dma.local [hbm:s5], s20  }
0x9e: {  	_ =	swait.ge [sflag:s22], s20  }
0x9f: {  	s4 =	ssub.s32 $0x0, s20;
	[sflag:s22] =	ssyncset.done $0x0  }
0xa0: {  	[sflag:s22] =	ssyncadd.s32 s4;
	_ =	sdelay $0x1  }
0xa1: {  	s23 =	simm.s32 $0x1B8B  }
0xa2: {  	_ =	swait.ge [sflag:s23], $0x1  }
0xa3: {  	[sflag:s23] =	ssyncset.done $0x0  }
0xa4: {  	s25 =	simm.s32 $0x1B8E;
	s24 =	sld [smem:$0x3FFE];
	[sflag:s23] =	ssyncadd.s32 $0xFFFFFFFF  }
0xa5: {  	s26 =	simm.s32 $execute0_lowered;
	[smem:$0x3FD2] =	sst s25  }
0xa6: {  	s5 =	sshll.u32 s26, $0x1;
	_ =	strace $0x8000004C;
	[dreg:$0x1] =	wrdreg $0xFFFFFFFF  }
0xa7: {  	s28 =	simm.s32 $_size_execute0_lowered;
	s3 =	sadd.s32 s3, s5;
	[dreg:$0x0] =	wrdreg $0x0  }
0xa8: {  	s5 =	sshll.u32 s28, $0x1;
	[dreg:$0x2] =	wrdreg s3  }
0xa9: {  	[dreg:$0x3] =	wrdreg s5  }
0xaa: {  	[dreg:$0x4] =	wrdreg $0xC0  }
0xab: {  	_ =	task [dreg:s7], $0x5FFFF  }
0xac: {  	[dreg:$0x1] =	wrdreg $0xFFFFFFFF  }
0xad: {  	[dreg:$0x0] =	wrdreg $0x60  }
0xae: {  	[dreg:$0x2] =	wrdreg s2  }
0xaf: {  	[dreg:$0x3] =	wrdreg s24  }
0xb0: {  	[dreg:$0x4] =	wrdreg $0x98000  }
0xb1: {  	[dreg:$0x5] =	wrdreg $0x9  }
0xb2: {  	_ =	task.clear_ibuf [dreg:s7], $0x6FFFF;
	_ =	strace $0x9000004C  }
0xb3: {  	s29 =	simm.s32 $0x9;
	_ =	strace $0x8000004E  }
0xb4: {  	_ =	swait.ge [sflag:s29], $0x1  }
0xb5: {  	[sflag:s29] =	ssyncadd.s32 $0xFFFFFFFF  }
0xb6: {  	_ =	strace $0x9000004E  }
0xb7: {  	_ =	sfence  }
0xb8: {  	s30 =	sld [smem:$0x0];
	_ =	sdelay $0x2  }
0xb9: {  	s31 =	sshll.u32 s1, $0xD;
	s1 =	sshrl.u32 s1, $0x2  }
0xba: {  	s3 =	sand.u32 $0x4000, s31;
	s1 =	sadd.s32 s1, s30  }
0xbb: {  	s0 =	sor.u32 s3, s0;
	s1 =	sshll.u32 s1, $0x11  }
0xbc: {  	s0 =	sor.u32 s1, s0  }
0xbd: {  	s0 =	sadd.s32 $0x8F2B, s0  }
0xbe: {  	[sflag:s0] =	ssyncadd.remote.s32 $0x1  }
0xbf: {  	_ =	sfence.sel $0xFFFF  }
0xc0: {  	[dreg:$0x0] =	wrdreg $0xFFFFFFFF;
	(pc) =	sbr.abs _section_cstart, $3  }
0xc1: {  	[dreg:$0x1] =	wrdreg $0xFFFFFFFF  }
0xc2: {  	_ =	task.clear_ibuf [dreg:s7], $0x2FFFF;
	_ =	strace $0x9FFFFFFF  }
0xc3: {  	(tm) =	ssettm $0x7FFFFFFF  }
tec
execute0_lowered:
.L_overlay_start_1:
0x0: {  	(tag) =	ssettag $0x1  }
0x1: {  	s1 =	rddreg [dreg:$0x0]  }
0x2: {  	s0 =	rddreg [dreg:$0x1]  }
0x3: {  	s2 =	rddreg [dreg:$0x2];
	s4 =	simm.s32 $0x0  }
0x4: {  	s3 =	srdreg.scid;
	s9 =	stileid.u32;
	s16 =	simm.s32 $0x800  }
0x5: {  	s17 =	simm.s32 $0x1000;
	s18 =	simm.s32 $0x40;
	s19 =	simm.s32 $0x1800  }
0x6: {  	s20 =	simm.s32 $0x5800;
	s21 =	simm.s32 $0x1;
	s22 =	simm.s32 $0x3  }
0x7: {  	s23 =	simm.s32 $0x3800;
	s24 =	simm.s32 $0x7800;
	s25 =	simm.s32 $0x2  }
0x8: {  	[smem:$0x7FF] =	sst s4;
	s3 =	sand.u32 $0x1, s3;
	s11 =	smul.u32 $0x13C00, s9  }
0x9: {  	s5 =	sadd.s32 $0x5E00, s0;
	s6 =	sadd.s32 $0x5EE00, s0;
	s26 =	smul.u32 $0x4F000, s9  }
0xa: {  	s7 =	sadd.s32 $0x4AE00, s0;
	s8 =	sadd.s32 $0x36E00, s0;
	s13 =	smul.u32 $0x5000, s9  }
0xb: {  	s12 =	sadd.s32 $0xB800, s0;
	s31 =	sshll.u32 s9, $0x6;
	s10 =	smul.u32 $0x13C000, s3  }
0xc: {  	_ =	strace $0x8000004D;
	[dreg:$0x4] =	wrdreg s12;
	s28 =	ssub.s32 $0x2, s3  }
0xd: {  	s3 =	smul.u32 $0x50000, s3;
	s29 =	sshrl.u32 s28, $0x1;
	s30 =	sshrl.u32 s26, $0x2  }
0xe: {  	s26 =	simm.s32 $0x4;
	s10 =	sadd.s32 s11, s10;
	s14 =	ssub.s32 s28, s29  }
0xf: {  	s15 =	sadd.s32 s30, s2;
	s11 =	sadd.s32 s13, s3;
	s10 =	sshrl.u32 s10, $0x3  }
0x10: {  	s13 =	smax.u32 s14, $0x1;
	s14 =	sshrl.u32 s15, $0x3;
	s0 =	sadd.s32 s10, s0  }
0x11: {  	s15 =	simm.s32 $0x5;
	s10 =	sor.u32 $0x1C05, s31;
	s12 =	sadd.s32 $0x72E00, s0  }
.LBB2_1:
0x12: {  	s0 =	rddreg [dreg:$0x4]  }
0x13: {  	[spmem:s14], [sflag:s10] =	dma.local [hbm:s0], $0x2780  }
0x14: {  	_ =	swait.ge [sflag:s15], $0x2780  }
0x15: {  	[sflag:s15] =	ssyncset.done $0x0  }
0x16: {  	[sflag:s15] =	ssyncadd.s32 $0xFFFFD880  }
0x17: {  	s28 =	simm.s32 $0x0;
	[bflag:$0x0] =	sbarrier.arrive $0xFFFF  }
.LBB2_2:
0x18: {  	s0 =	sshll.u32 s28, $0xB  }
0x19: {  	s0 =	sadd.s32 s0, s11  }
0x1a: {  	s0 =	sshrl.u32 s0, $0x3  }
0x1b: {  	s29 =	simm.s32 $0x0;
	s3 =	sadd.s32 s6, s0  }
0x1c: {  	[tilespmem:s29], [sflag:$0x5] =	stream.linear.gather [hbm4b:s3+s29], $0x800, $0x38;
	[tilespmem:$0x1D400] =	vst v63  }
0x1d: {  	_ =	swait.ge [sflag:s15], $0x800  }
0x1e: {  	[sflag:s15] =	ssyncset.done $0x0  }
0x1f: {  	s31 =	sadd.s32 s7, s0;
	[sflag:s15] =	ssyncadd.s32 $0xFFFFF800  }
0x20: {  	[tilespmem:s16], [sflag:$0x5] =	stream.linear.gather [hbm4b:s31+s29], $0x800, $0x38;
	[tilespmem:$0x1D400] =	vst v63  }
0x21: {  	_ =	swait.ge [sflag:s15], $0x800  }
0x22: {  	[sflag:s15] =	ssyncset.done $0x0  }
0x23: {  	s0 =	sadd.s32 s8, s0;
	[sflag:s15] =	ssyncadd.s32 $0xFFFFF800  }
0x24: {  	[tilespmem:s17], [sflag:$0x5] =	stream.linear.gather [hbm4b:s0+s29], $0x800, $0x38;
	[tilespmem:$0x1D400] =	vst v63  }
0x25: {  	_ =	swait.ge [sflag:s15], $0x800  }
0x26: {  	[sflag:s15] =	ssyncset.done $0x0  }
0x27: {  	[sflag:s15] =	ssyncadd.s32 $0xFFFFF800  }
0x28: {  	[tilespmem:s19], [sflag:$0x1] =	stream.indirect.gather [hbm4b:s1+s18], $0x80, s29, s18, $0xb8;
	[tilespmem:$0x1D400] =	vst v63  }
0x29: {  	_ = 	snop  }
0x2a: {  	[tilespmem:s20], [sflag:$0x3] =	stream.indirect.gather [hbm4b:s5+s18], $0x80, s17, s18, $0xb8;
	[tilespmem:$0x1D400] =	vst v63  }
.LBB2_3:
0x2b: {  	_ =	swait.ge [sflag:s21], $0x2000  }
0x2c: {  	[sflag:s21] =	ssyncset.done $0x0  }
0x2d: {  	[sflag:s21] =	ssyncadd.s32 $0xFFFFE000  }
0x2e: {  	_ =	swait.ge [sflag:s22], $0x2000  }
0x2f: {  	s31 =	sshll.u32 s29, $0x8;
	[sflag:s22] =	ssyncset.done $0x0  }
0x30: {  	s30 =	sor.u32 $0x80, s31;
	[sflag:s22] =	ssyncadd.s32 $0xFFFFE000  }
0x31: {  	[tilespmem:s23], [sflag:$0x2] =	stream.indirect.gather [hbm4b:s1+s18], $0x80, s30, s18, $0xb8;
	[tilespmem:$0x1D400] =	vst v63  }
0x32: {  	s0 =	sadd.s32 $0x1080, s31  }
0x33: {  	[tilespmem:s24], [sflag:$0x4] =	stream.indirect.gather [hbm4b:s5+s18], $0x80, s0, s18, $0xb8;
	[tilespmem:$0x1D400] =	vst v63  }
0x34: {  	s0 =	simm.s32 $0x0  }
0x35: {  	v6 =	vld [tilespmem:s0+$0x5800]  }
0x36: {  	v11 =	vld [tilespmem:s0+$0x5810]  }
0x37: {  	v5 =	vld [tilespmem:s0+$0x5820]  }
0x38: {  	v4 =	vld [tilespmem:s0+$0x5830]  }
0x39: {  	v3 =	vld [tilespmem:s0+$0x5840]  }
0x3a: {  	v2 =	vld [tilespmem:s0+$0x5850]  }
0x3b: {  	v1 =	vld [tilespmem:s0+$0x5860]  }
0x3c: {  	v0 =	vld [tilespmem:s0+$0x5870]  }
0x3d: {  	v12 =	vld [tilespmem:s0+$0x1800]  }
0x3e: {  	v13 =	vld [tilespmem:s0+$0x1810]  }
0x3f: {  	v10 =	vld [tilespmem:s0+$0x1820]  }
0x40: {  	v9 =	vld [tilespmem:s0+$0x1830]  }
0x41: {  	v8 =	vld [tilespmem:s0+$0x1840]  }
0x42: {  	v7 =	vld [tilespmem:s0+$0x1850];
	v12 =	vadd.f32 v6, v12  }
0x43: {  	s3 =	simm.s32 $0x200;
	v11 =	vadd.f32 v11, v13;
	v6 =	vld [tilespmem:s0+$0x1860]  }
.LBB2_4:
0x44: {  	s9 =	sshra.s32 s3, $0x2;
	p0 =	sne.s32 s3, $0x7E00;
	v12 =	vmax.f32 v12, $0.0e+00;
	v5 =	vadd.f32 v5, v10;
	v10 =	vld [tilespmem:s0+$0x1870]  }
0x45: {  	v13 =	vld [tilespmem:s9+$0x5800];
	[tilespmem:s0+$0x1800] =	vst v12;
	v11 =	vmax.f32 v11, $0.0e+00;
	v4 =	vadd.f32 v4, v9  }
0x46: {  	v14 =	vld [tilespmem:s9+$0x5810];
	[tilespmem:s0+$0x1810] =	vst v11;
	v9 =	vmax.f32 v5, $0.0e+00;
	v3 =	vadd.f32 v3, v8  }
0x47: {  	v5 =	vld [tilespmem:s9+$0x5820];
	[tilespmem:s0+$0x1820] =	vst v9;
	v8 =	vmax.f32 v4, $0.0e+00;
	v2 =	vadd.f32 v2, v7  }
0x48: {  	v4 =	vld [tilespmem:s9+$0x5830];
	[tilespmem:s0+$0x1830] =	vst v8;
	v7 =	vmax.f32 v3, $0.0e+00;
	v1 =	vadd.f32 v1, v6  }
0x49: {  	v3 =	vld [tilespmem:s9+$0x5840];
	[tilespmem:s0+$0x1840] =	vst v7;
	v6 =	vmax.f32 v2, $0.0e+00;
	v0 =	vadd.f32 v0, v10  }
0x4a: {  	v2 =	vld [tilespmem:s9+$0x5850];
	[tilespmem:s0+$0x1850] =	vst v6;
	v6 =	vmax.f32 v1, $0.0e+00  }
0x4b: {  	v1 =	vld [tilespmem:s9+$0x5860];
	[tilespmem:s0+$0x1860] =	vst v6;
	v6 =	vmax.f32 v0, $0.0e+00  }
0x4c: {  	v0 =	vld [tilespmem:s9+$0x5870];
	[tilespmem:s0+$0x1870] =	vst v6;
	s0 =	smov.u32 s9  }
0x4d: {  	v6 =	vld [tilespmem:s0+$0x1800]  }
0x4e: {  	v11 =	vld [tilespmem:s0+$0x1810]  }
.Ltmp0:
0x4f: {  	v10 =	vld [tilespmem:s0+$0x1820];
	(pc) =	sbr.rel @p0 .LBB2_4-.Ltmp0, $4  }
0x50: {  	v9 =	vld [tilespmem:s0+$0x1830]  }
0x51: {  	v8 =	vld [tilespmem:s0+$0x1840]  }
0x52: {  	v12 =	vadd.f32 v13, v6;
	v7 =	vld [tilespmem:s0+$0x1850]  }
0x53: {  	s3 =	sadd.s32 $0x200, s3;
	v11 =	vadd.f32 v14, v11;
	v6 =	vld [tilespmem:s0+$0x1860]  }
0x54: {  	v12 =	vmax.f32 v12, $0.0e+00;
	v5 =	vadd.f32 v5, v10;
	v10 =	vld [tilespmem:s0+$0x1870]  }
0x55: {  	[tilespmem:s0+$0x1800] =	vst v12;
	v11 =	vmax.f32 v11, $0.0e+00;
	v4 =	vadd.f32 v4, v9  }
0x56: {  	[tilespmem:s0+$0x1810] =	vst v11;
	v5 =	vmax.f32 v5, $0.0e+00;
	v3 =	vadd.f32 v3, v8  }
0x57: {  	[tilespmem:s0+$0x1820] =	vst v5;
	v4 =	vmax.f32 v4, $0.0e+00;
	v2 =	vadd.f32 v2, v7  }
0x58: {  	[tilespmem:s0+$0x1830] =	vst v4;
	v3 =	vmax.f32 v3, $0.0e+00;
	v1 =	vadd.f32 v1, v6  }
0x59: {  	[tilespmem:s0+$0x1840] =	vst v3;
	v2 =	vmax.f32 v2, $0.0e+00;
	v0 =	vadd.f32 v0, v10  }
0x5a: {  	[tilespmem:s0+$0x1850] =	vst v2;
	v1 =	vmax.f32 v1, $0.0e+00  }
0x5b: {  	s3 =	sand.u32 $0x3FFFFF00, s31;
	[tilespmem:s0+$0x1860] =	vst v1;
	v0 =	vmax.f32 v0, $0.0e+00  }
0x5c: {  	s9 =	sadd.s32 $0x800, s3;
	[tilespmem:s0+$0x1870] =	vst v0  }
0x5d: {  	[spmem:s2] =	stream.indirect.scatter.add.f32 [tilespmem:s19], [sflag:$0x5], $0x80, s9, s18, $0xb8;
	[tilespmem:$0x1D400] =	vst v63  }
0x5e: {  	_ =	swait.ge [sflag:s15], $0x2000  }
0x5f: {  	[sflag:s15] =	ssyncset.done $0x0  }
0x60: {  	[sflag:s15] =	ssyncadd.s32 $0xFFFFE000  }
0x61: {  	_ =	swait.ge [sflag:s25], $0x2000  }
0x62: {  	[sflag:s25] =	ssyncset.done $0x0  }
0x63: {  	[sflag:s25] =	ssyncadd.s32 $0xFFFFE000  }
0x64: {  	p0 =	seq.s32 s29, $0x7;
	_ =	swait.ge [sflag:s26], $0x2000  }
0x65: {  	s3 =	simm.s32 @!p0 $0x40;
	[sflag:s26] =	ssyncset.done $0x0  }
0x66: {  	s0 =	sadd.s32 @!p0 $0x100, s31;
	s9 =	simm.s32 @!p0 $0x1800;
	[sflag:s26] =	ssyncadd.s32 $0xFFFFE000  }
0x67: {  	[tilespmem:s9], [sflag:$0x1] =	stream.indirect.gather @!p0 [hbm4b:s1+s3], $0x80, s0, s3, $0xb8;
	[tilespmem:$0x1D400] =	vst v63  }
0x68: {  	s0 =	sadd.s32 @!p0 $0x1100, s31;
	s9 =	simm.s32 @!p0 $0x5800  }
0x69: {  	[tilespmem:s9], [sflag:$0x3] =	stream.indirect.gather @!p0 [hbm4b:s5+s3], $0x80, s0, s3, $0xb8;
	[tilespmem:$0x1D400] =	vst v63  }
0x6a: {  	s0 =	simm.s32 $0x0  }
0x6b: {  	v6 =	vld [tilespmem:s0+$0x7800]  }
0x6c: {  	v11 =	vld [tilespmem:s0+$0x7810]  }
0x6d: {  	v5 =	vld [tilespmem:s0+$0x7820]  }
0x6e: {  	v4 =	vld [tilespmem:s0+$0x7830]  }
0x6f: {  	v3 =	vld [tilespmem:s0+$0x7840]  }
0x70: {  	v2 =	vld [tilespmem:s0+$0x7850]  }
0x71: {  	v1 =	vld [tilespmem:s0+$0x7860]  }
0x72: {  	v0 =	vld [tilespmem:s0+$0x7870]  }
0x73: {  	v12 =	vld [tilespmem:s0+$0x3800]  }
0x74: {  	v13 =	vld [tilespmem:s0+$0x3810]  }
0x75: {  	v10 =	vld [tilespmem:s0+$0x3820]  }
0x76: {  	v9 =	vld [tilespmem:s0+$0x3830]  }
0x77: {  	v8 =	vld [tilespmem:s0+$0x3840]  }
0x78: {  	v7 =	vld [tilespmem:s0+$0x3850];
	v12 =	vadd.f32 v6, v12  }
0x79: {  	s3 =	simm.s32 $0x200;
	v11 =	vadd.f32 v11, v13;
	v6 =	vld [tilespmem:s0+$0x3860]  }
.LBB2_6:
0x7a: {  	s9 =	sshra.s32 s3, $0x2;
	p0 =	sne.s32 s3, $0x7E00;
	v12 =	vmax.f32 v12, $0.0e+00;
	v5 =	vadd.f32 v5, v10;
	v10 =	vld [tilespmem:s0+$0x3870]  }
0x7b: {  	v13 =	vld [tilespmem:s9+$0x7800];
	[tilespmem:s0+$0x3800] =	vst v12;
	v11 =	vmax.f32 v11, $0.0e+00;
	v4 =	vadd.f32 v4, v9  }
0x7c: {  	v14 =	vld [tilespmem:s9+$0x7810];
	[tilespmem:s0+$0x3810] =	vst v11;
	v9 =	vmax.f32 v5, $0.0e+00;
	v3 =	vadd.f32 v3, v8  }
0x7d: {  	v5 =	vld [tilespmem:s9+$0x7820];
	[tilespmem:s0+$0x3820] =	vst v9;
	v8 =	vmax.f32 v4, $0.0e+00;
	v2 =	vadd.f32 v2, v7  }
0x7e: {  	v4 =	vld [tilespmem:s9+$0x7830];
	[tilespmem:s0+$0x3830] =	vst v8;
	v7 =	vmax.f32 v3, $0.0e+00;
	v1 =	vadd.f32 v1, v6  }
0x7f: {  	v3 =	vld [tilespmem:s9+$0x7840];
	[tilespmem:s0+$0x3840] =	vst v7;
	v6 =	vmax.f32 v2, $0.0e+00;
	v0 =	vadd.f32 v0, v10  }
0x80: {  	v2 =	vld [tilespmem:s9+$0x7850];
	[tilespmem:s0+$0x3850] =	vst v6;
	v6 =	vmax.f32 v1, $0.0e+00  }
0x81: {  	v1 =	vld [tilespmem:s9+$0x7860];
	[tilespmem:s0+$0x3860] =	vst v6;
	v6 =	vmax.f32 v0, $0.0e+00  }
0x82: {  	v0 =	vld [tilespmem:s9+$0x7870];
	[tilespmem:s0+$0x3870] =	vst v6;
	s0 =	smov.u32 s9  }
0x83: {  	v6 =	vld [tilespmem:s0+$0x3800]  }
0x84: {  	v11 =	vld [tilespmem:s0+$0x3810]  }
.Ltmp1:
0x85: {  	v10 =	vld [tilespmem:s0+$0x3820];
	(pc) =	sbr.rel @p0 .LBB2_6-.Ltmp1, $4  }
0x86: {  	v9 =	vld [tilespmem:s0+$0x3830]  }
0x87: {  	v8 =	vld [tilespmem:s0+$0x3840]  }
0x88: {  	v12 =	vadd.f32 v13, v6;
	v7 =	vld [tilespmem:s0+$0x3850]  }
0x89: {  	s3 =	sadd.s32 $0x200, s3;
	v11 =	vadd.f32 v14, v11;
	v6 =	vld [tilespmem:s0+$0x3860]  }
0x8a: {  	v12 =	vmax.f32 v12, $0.0e+00;
	v5 =	vadd.f32 v5, v10;
	v63 =	vld [tilespmem:s0+$0x3870]  }
0x8b: {  	[tilespmem:s0+$0x3800] =	vst v12;
	v11 =	vmax.f32 v11, $0.0e+00;
	v4 =	vadd.f32 v4, v9  }
0x8c: {  	[tilespmem:s0+$0x3810] =	vst v11;
	v5 =	vmax.f32 v5, $0.0e+00;
	v3 =	vadd.f32 v3, v8  }
0x8d: {  	[tilespmem:s0+$0x3820] =	vst v5;
	v4 =	vmax.f32 v4, $0.0e+00;
	v2 =	vadd.f32 v2, v7  }
0x8e: {  	[tilespmem:s0+$0x3830] =	vst v4;
	v3 =	vmax.f32 v3, $0.0e+00;
	v1 =	vadd.f32 v1, v6  }
0x8f: {  	[tilespmem:s0+$0x3840] =	vst v3;
	v2 =	vmax.f32 v2, $0.0e+00;
	v0 =	vadd.f32 v0, v63  }
0x90: {  	s29 =	sadd.s32 $0x1, s29;
	[tilespmem:s0+$0x3850] =	vst v2;
	v1 =	vmax.f32 v1, $0.0e+00  }
0x91: {  	p0 =	sne.s32 s29, $0x8;
	[tilespmem:s0+$0x3860] =	vst v1;
	v0 =	vmax.f32 v0, $0.0e+00  }
.Ltmp2:
0x92: {  	s31 =	sadd.s32 $0x800, s30;
	[tilespmem:s0+$0x3870] =	vst v0;
	(pc) =	sbr.rel @p0 .LBB2_3-.Ltmp2, $4  }
0x93: {  	[spmem:s2] =	stream.indirect.scatter.add.f32 [tilespmem:s23], [sflag:$0x5], $0x80, s31, s18, $0xb8;
	[tilespmem:$0x1D400] =	vst v63  }
0x94: {  	_ =	swait.ge [sflag:s15], $0x2000  }
0x95: {  	[sflag:s15] =	ssyncset.done $0x0  }
0x96: {  	[sflag:s15] =	ssyncadd.s32 $0xFFFFE000  }
0x97: {  	s28 =	sadd.s32 $0x1, s28  }
0x98: {  	p0 =	sne.s32 s28, $0xA  }
.Ltmp3:
0x99: {  	_ = 	snop;
	(pc) =	sbr.rel @p0 .LBB2_2-.Ltmp3, $1  }
0x9a: {  	_ =	sdelay $0x3  }
0x9b: {  	s4 =	sadd.s32 $0x1, s4  }
0x9c: {  	p0 =	sne.s32 s4, s13  }
.Ltmp4:
0x9d: {  	[bflag:$0x0] =	sbarrier.arrive $0xFFFF;
	(pc) =	sbr.rel @p0 .LBB2_1-.Ltmp4, $4  }
0x9e: {  	[hbm:s12], [sflag:s10] =	dma.local [spmem:s14], $0x2780  }
0x9f: {  	_ =	swait.ge [sflag:s15], $0x2780  }
0xa0: {  	[sflag:s15] =	ssyncset.done $0x0  }
0xa1: {  	[sflag:s15] =	ssyncadd.s32 $0xFFFFD880  }
0xa2: {  	_ =	sfence.sel $0x180000  }
0xa3: {  	[bflag:$0x0] =	sbarrier.arrive $0xFFFF  }
0xa4: {  	_ =	strace $0x9000004D  }
0xa5: {  	s0 =	stileid.u32;
	[bflag:$0x2] =	sbarrier.arrive $0xFFFF  }
0xa6: {  	p0 =	sne.s32 s0, $0x0;
	s0 =	rddreg [dreg:$0x3]  }
0xa7: {  	s0 =	sadd.s32 @!p0 $0x100000, s0  }
0xa8: {  	[sflag:s0] =	ssyncadd.tile.s32 @!p0 $0x1;
	_ =	shalt  }
.Lfunc_end2:
_tile_overlayer_lowered:
.L_overlay_start_2:
0xa9: {  	(tag) =	ssettag $0x2  }
0xaa: {  	s0 =	rddreg [dreg:$0x0];
	s2 =	stileid.u32  }
0xab: {  	s1 =	rddreg [dreg:$0x1];
	p0 =	sne.s32 s2, $0x0  }
0xac: {  	s3 =	rddreg [dreg:$0x2];
	[bflag:$0x3] =	sbarrier.arrive $0xFFFF;
	s2 =	simm.s32 @!p0 $0x1C05  }
0xad: {  	[timem:s3], [sflag:s2] =	dma.local @!p0 [hbm:s0], s1  }
0xae: {  	s0 =	simm.s32 @!p0 $0x5  }
0xaf: {  	_ =	swait.ge @!p0 [sflag:s0], s1  }
0xb0: {  	s1 =	ssub.s32 @!p0 $0x0, s1;
	[sflag:s0] =	ssyncset.done @!p0 $0x0  }
0xb1: {  	[sflag:s0] =	ssyncadd.s32 @!p0 s1  }
0xb2: {  	[bflag:$0x3] =	sbarrier.arrive $0xFFFF  }
0xb3: {  	_ =	shalt  }

// kernel: kernel.18.cloned.1.call-start
scs
__scs_entry_jumppad:
0x0: {  	(pc) =	sbr.rel $0x88, $3  }
0x1: {  	(tag) =	ssettag $0x0;
	lr =	simm.s32 $0x1  }
0x2: {  	[smem:$0x3F93] =	sst lr;
	_ =	strace $0xD0000000  }
0x3: {  	_ = 	snop  }
0x4: {  	_ = 	snop  }
0x5: {  	_ = 	snop  }
0x6: {  	_ = 	snop  }
0x7: {  	_ = 	snop  }
__scs_overlays_trampoline_lowered:
0x8: {  	[smem:$0x3FA2] =	sst s0  }
0x9: {  	[smem:$0x3FA3] =	sst s1  }
0xa: {  	[smem:$0x3FA4] =	sst s2  }
0xb: {  	[smem:$0x3FA5] =	sst s3  }
0xc: {  	[smem:$0x3FA6] =	sst s4  }
0xd: {  	[smem:$0x3FA7] =	sst s5  }
0xe: {  	[smem:$0x3FA8] =	sst s6  }
0xf: {  	[smem:$0x3FA9] =	sst s7  }
0x10: {  	[smem:$0x3FAA] =	sst s8  }
0x11: {  	[smem:$0x3FAB] =	sst s9;
	s0 =	simm.s32 @!p0 $0x0  }
0x12: {  	s1 =	sld [smem:$0x3F91];
	s0 =	simm.s32 @p0 $0x1  }
0x13: {  	[smem:$0x3FAC] =	sst s0;
	s0 =	simm.s32 @!p1 $0x0  }
0x14: {  	s2 =	sld [smem:$0x3F90];
	s0 =	simm.s32 @p1 $0x1  }
0x15: {  	[smem:$0x3FAD] =	sst s0;
	s0 =	simm.s32 @!p2 $0x0  }
0x16: {  	s3 =	sld [smem:$0x3FDB];
	s0 =	simm.s32 @p2 $0x1  }
0x17: {  	s4 =	simm.s32 $0x1BF5;
	[smem:$0x3FAF] =	sst s0  }
0x18: {  	s0 =	sld [smem:$0x3F92];
	_ =	swait.ge [sflag:s4], $0x0  }
0x19: {  	s7 =	sld [smem:$0x3F93]  }
0x1a: {  	s8 =	sadd.s32 $0xFFFFE003, lr  }
0x1b: {  	s9 =	sadd.s32 $0xFFFFFEF7, lr;
	s5 =	simm.s32 $0xFFFFFFFF;
	p2 =	slt.u32 s8, $0xFFFFF086  }
0x1c: {  	p1 =	slt.u32 s9, $0xF7A;
	s5 =	simm.s32 @!p2 $0x0  }
0x1d: {  	s5 =	simm.s32 @p1 $0x1;
	p0 =	seq.s32 s7, s2  }
0x1e: {  	s7 =	smul.u32 @!p0 $0xF7A, s2;
	p2 =	seq.s32 @!p0 s5, $0x0  }
0x1f: {  	s9 =	smul.u32 $0xF7A, s1;
	s8 =	simm.s32 @!p0 $0x1BF5;
	p2 =	por !p2, p0  }
0x20: {  	[sflag:s8] =	ssyncset.s32 @!p0 $0xFFFFF086;
	s6 =	sadd.s32 @!p0 s3, s7;
	s7 =	simm.s32 @!p0 $0x108  }
0x21: {  	s3 =	sadd.s32 s3, s9;
	s6 =	sadd.s32 @!p0 $0x88, s6;
	s7 =	simm.s32 @p2 $0x1082  }
0x22: {  	[simem:s7], [sflag:s8] =	dma.local @!p0 [hbm:s6], $0xF7A  }
0x23: {  	s9 =	sor.u32 $0xD0000000, s2;
	s6 =	simm.s32 $0x108;
	_ =	swait.ge @!p0 [sflag:s8], $0x0  }
0x24: {  	s3 =	sadd.s32 $0x88, s3;
	s6 =	simm.s32 @!p1 $0x1082;
	[sflag:s4] =	ssyncset.s32 $0xFFFFF086  }
0x25: {  	[simem:s6], [sflag:s4] =	dma.local [hbm:s3], $0xF7A  }
0x26: {  	[smem:$0x3F93] =	sst s1;
	(tag) =	ssettag s2;
	_ =	strace s9  }
0x27: {  	s1 =	sld [smem:$0x3FA3]  }
0x28: {  	s2 =	sld [smem:$0x3FA4]  }
0x29: {  	s4 =	sld [smem:$0x3FA6]  }
0x2a: {  	p0 =	seq.s32 s5, $0x0;
	s5 =	sld [smem:$0x3FA7]  }
0x2b: {  	s6 =	sld [smem:$0x3FA8]  }
0x2c: {  	s7 =	sld [smem:$0x3FA9]  }
0x2d: {  	s3 =	simm.s32 $0x108;
	s8 =	sld [smem:$0x3FAA]  }
0x2e: {  	s3 =	simm.s32 @!p0 $0x1082;
	s9 =	sld [smem:$0x3FAB]  }
0x2f: {  	lr =	sadd.s32 s0, s3;
	s0 =	sld [smem:$0x3FA2]  }
0x30: {  	s3 =	sld [smem:$0x3FA5]  }
0x31: {  	[smem:$0x3FAE] =	sst s10  }
0x32: {  	s10 =	sld [smem:$0x3FAC];
	_ =	sdelay $0x3  }
0x33: {  	p0 =	seq.s32 s10, $0x1;
	s10 =	sld [smem:$0x3FAE];
	_ =	sdelay $0x3  }
0x34: {  	[smem:$0x3FAE] =	sst s10  }
0x35: {  	s10 =	sld [smem:$0x3FAD];
	_ =	sdelay $0x3  }
0x36: {  	p1 =	seq.s32 s10, $0x1;
	s10 =	sld [smem:$0x3FAE];
	_ =	sdelay $0x3  }
0x37: {  	[smem:$0x3FAE] =	sst s10  }
0x38: {  	s10 =	sld [smem:$0x3FAF]  }
0x39: {  	_ = 	snop;
	(pc) =	sbr.ind lr, $3  }
0x3a: {  	_ = 	snop  }
0x3b: {  	_ = 	snop  }
0x3c: {  	p2 =	seq.s32 s10, $0x1;
	s10 =	sld [smem:$0x3FAE]  }
0x3d: {  	_ =	shalt  }
0x3e: {  	_ =	shalt  }
0x3f: {  	_ =	shalt  }
0x40: {  	_ =	shalt  }
0x41: {  	_ =	shalt  }
0x42: {  	_ =	shalt  }
0x43: {  	_ =	shalt  }
0x44: {  	_ =	shalt  }
0x45: {  	_ =	shalt  }
0x46: {  	_ =	shalt  }
0x47: {  	_ =	shalt  }
0x48: {  	_ =	shalt  }
0x49: {  	_ =	shalt  }
0x4a: {  	_ =	shalt  }
0x4b: {  	_ =	shalt  }
0x4c: {  	_ =	shalt  }
0x4d: {  	_ =	shalt  }
0x4e: {  	_ =	shalt  }
0x4f: {  	_ =	shalt  }
0x50: {  	_ =	shalt  }
0x51: {  	_ =	shalt  }
0x52: {  	_ =	shalt  }
0x53: {  	_ =	shalt  }
0x54: {  	_ =	shalt  }
0x55: {  	_ =	shalt  }
0x56: {  	_ =	shalt  }
0x57: {  	_ =	shalt  }
0x58: {  	_ =	shalt  }
0x59: {  	_ =	shalt  }
0x5a: {  	_ =	shalt  }
0x5b: {  	_ =	shalt  }
0x5c: {  	_ =	shalt  }
0x5d: {  	_ =	shalt  }
0x5e: {  	_ =	shalt  }
0x5f: {  	_ =	shalt  }
0x60: {  	_ =	shalt  }
0x61: {  	_ =	shalt  }
0x62: {  	_ =	shalt  }
0x63: {  	_ =	shalt  }
0x64: {  	_ =	shalt  }
0x65: {  	_ =	shalt  }
0x66: {  	_ =	shalt  }
0x67: {  	_ =	shalt  }
0x68: {  	_ =	shalt  }
0x69: {  	_ =	shalt  }
0x6a: {  	_ =	shalt  }
0x6b: {  	_ =	shalt  }
0x6c: {  	_ =	shalt  }
0x6d: {  	_ =	shalt  }
0x6e: {  	_ =	shalt  }
0x6f: {  	_ =	shalt  }
0x70: {  	_ =	shalt  }
0x71: {  	_ =	shalt  }
0x72: {  	_ =	shalt  }
0x73: {  	_ =	shalt  }
0x74: {  	_ =	shalt  }
0x75: {  	_ =	shalt  }
0x76: {  	_ =	shalt  }
0x77: {  	_ =	shalt  }
0x78: {  	_ =	shalt  }
0x79: {  	_ =	shalt  }
0x7a: {  	_ =	shalt  }
0x7b: {  	_ =	shalt  }
0x7c: {  	_ =	shalt  }
0x7d: {  	_ =	shalt  }
0x7e: {  	_ =	shalt  }
0x7f: {  	_ =	shalt  }
0x80: {  	_ =	shalt  }
0x81: {  	_ =	shalt  }
0x82: {  	_ =	shalt  }
0x83: {  	_ =	shalt  }
0x84: {  	_ =	shalt  }
0x85: {  	_ =	shalt  }
0x86: {  	_ =	shalt  }
0x87: {  	_ =	shalt  }
.Lfunc_end0:
.L_simem_size_0:
called_computation.3_lowered:
.L_overlay_start_0:
0x88: {  	s2 =	sld [smem:$0x3FD9]  }
0x89: {  	s3 =	sld [smem:$0x3FFE];
	_ =	sdelay $0x1  }
0x8a: {  	s1 =	srdreg.scid  }
0x8b: {  	s0 =	sand.u32 $0x1, s1  }
0x8c: {  	s17 =	sshll.u32 s0, $0xA;
	s2 =	sadd.s32 s3, s2  }
0x8d: {  	s2 =	sadd.s32 s2, s17  }
0x8e: {  	[smem:$0x3FBA] =	sst s2  }
0x8f: {  	_ = 	snop  }
0x90: {  	s2 =	sld [smem:$0x3FD0];
	(tm) =	ssettm $0x1  }
0x91: {  	s18 =	sld [smem:$0x3FFB];
	_ =	sdelay $0x3  }
0x92: {  	_ =	strace s18  }
0x93: {  	s3 =	sld [smem:$0x3FFC];
	_ =	sdelay $0x3  }
0x94: {  	_ =	strace s3  }
0x95: {  	s3 =	sld [smem:$0x3FFD];
	_ =	sdelay $0x3  }
0x96: {  	_ =	strace s3  }
0x97: {  	_ =	strace $0x8FFFFFFF  }
0x98: {  	s19 =	sld [smem:$0x3FDB];
	_ =	sdelay $0x1  }
0x99: {  	s4 =	simm.s32 $_scs_section_size  }
0x9a: {  	s5 =	simm.s32 $_size__tile_overlayer_lowered;
	s6 =	simm.s32 $_tile_overlayer_lowered  }
0x9b: {  	s22 =	simm.s32 $0x1BFF;
	s21 =	sshll.u32 s6, $0x1;
	s3 =	sadd.s32 s4, s19  }
0x9c: {  	s7 =	simm.s32 $0x0;
	s20 =	sshll.u32 s5, $0x1;
	s5 =	sadd.s32 s21, s3  }
0x9d: {  	[timem:s7], [sflag:s22] =	dma.local [hbm:s5], s20  }
0x9e: {  	_ =	swait.ge [sflag:s22], s20  }
0x9f: {  	s4 =	ssub.s32 $0x0, s20;
	[sflag:s22] =	ssyncset.done $0x0  }
0xa0: {  	[sflag:s22] =	ssyncadd.s32 s4;
	_ =	sdelay $0x1  }
0xa1: {  	s23 =	simm.s32 $0x1B8B  }
0xa2: {  	_ =	swait.ge [sflag:s23], $0x1  }
0xa3: {  	[sflag:s23] =	ssyncset.done $0x0  }
0xa4: {  	s25 =	simm.s32 $0x1B8E;
	s24 =	sld [smem:$0x3FFE];
	[sflag:s23] =	ssyncadd.s32 $0xFFFFFFFF  }
0xa5: {  	s26 =	simm.s32 $execute0_lowered;
	[smem:$0x3FD2] =	sst s25  }
0xa6: {  	s5 =	sshll.u32 s26, $0x1;
	_ =	strace $0x8000004F;
	[dreg:$0x1] =	wrdreg $0xFFFFFFFF  }
0xa7: {  	s28 =	simm.s32 $_size_execute0_lowered;
	s3 =	sadd.s32 s3, s5;
	[dreg:$0x0] =	wrdreg $0x0  }
0xa8: {  	s5 =	sshll.u32 s28, $0x1;
	[dreg:$0x2] =	wrdreg s3  }
0xa9: {  	[dreg:$0x3] =	wrdreg s5  }
0xaa: {  	[dreg:$0x4] =	wrdreg $0xC0  }
0xab: {  	_ =	task [dreg:s7], $0x5FFFF  }
0xac: {  	[dreg:$0x1] =	wrdreg $0xFFFFFFFF  }
0xad: {  	[dreg:$0x0] =	wrdreg $0x60  }
0xae: {  	[dreg:$0x2] =	wrdreg s2  }
0xaf: {  	[dreg:$0x3] =	wrdreg s24  }
0xb0: {  	[dreg:$0x4] =	wrdreg $0x98000  }
0xb1: {  	[dreg:$0x5] =	wrdreg $0x9  }
0xb2: {  	_ =	task.clear_ibuf [dreg:s7], $0x6FFFF;
	_ =	strace $0x9000004F  }
0xb3: {  	s29 =	simm.s32 $0x9;
	_ =	strace $0x80000051  }
0xb4: {  	_ =	swait.ge [sflag:s29], $0x1  }
0xb5: {  	[sflag:s29] =	ssyncadd.s32 $0xFFFFFFFF  }
0xb6: {  	_ =	strace $0x90000051  }
0xb7: {  	_ =	sfence  }
0xb8: {  	s30 =	sld [smem:$0x0];
	_ =	sdelay $0x2  }
0xb9: {  	s31 =	sshll.u32 s1, $0xD;
	s1 =	sshrl.u32 s1, $0x2  }
0xba: {  	s3 =	sand.u32 $0x4000, s31;
	s1 =	sadd.s32 s1, s30  }
0xbb: {  	s0 =	sor.u32 s3, s0;
	s1 =	sshll.u32 s1, $0x11  }
0xbc: {  	s0 =	sor.u32 s1, s0  }
0xbd: {  	s0 =	sadd.s32 $0x8F2B, s0  }
0xbe: {  	[sflag:s0] =	ssyncadd.remote.s32 $0x1  }
0xbf: {  	_ =	sfence.sel $0xFFFF  }
0xc0: {  	[dreg:$0x0] =	wrdreg $0xFFFFFFFF;
	(pc) =	sbr.abs _section_cstart, $3  }
0xc1: {  	[dreg:$0x1] =	wrdreg $0xFFFFFFFF  }
0xc2: {  	_ =	task.clear_ibuf [dreg:s7], $0x2FFFF;
	_ =	strace $0x9FFFFFFF  }
0xc3: {  	(tm) =	ssettm $0x7FFFFFFF  }
tec
execute0_lowered:
.L_overlay_start_1:
0x0: {  	(tag) =	ssettag $0x1  }
0x1: {  	s1 =	rddreg [dreg:$0x0]  }
0x2: {  	s0 =	rddreg [dreg:$0x1]  }
0x3: {  	s2 =	rddreg [dreg:$0x2];
	s4 =	simm.s32 $0x0  }
0x4: {  	s3 =	srdreg.scid;
	s9 =	stileid.u32;
	s16 =	simm.s32 $0x800  }
0x5: {  	s17 =	simm.s32 $0x1000;
	s18 =	simm.s32 $0x40;
	s19 =	simm.s32 $0x1800  }
0x6: {  	s20 =	simm.s32 $0x5800;
	s21 =	simm.s32 $0x1;
	s22 =	simm.s32 $0x3  }
0x7: {  	s23 =	simm.s32 $0x3800;
	s24 =	simm.s32 $0x7800;
	s25 =	simm.s32 $0x2  }
0x8: {  	[smem:$0x7FF] =	sst s4;
	s3 =	sand.u32 $0x1, s3;
	s11 =	smul.u32 $0x13C00, s9  }
0x9: {  	s5 =	sadd.s32 $0x6C00, s0;
	s6 =	sadd.s32 $0x5EE00, s0;
	s26 =	smul.u32 $0x4F000, s9  }
0xa: {  	s7 =	sadd.s32 $0x4AE00, s0;
	s8 =	sadd.s32 $0x36E00, s0;
	s13 =	smul.u32 $0x5000, s9  }
0xb: {  	s12 =	sadd.s32 $0xB800, s0;
	s31 =	sshll.u32 s9, $0x6;
	s10 =	smul.u32 $0x13C000, s3  }
0xc: {  	_ =	strace $0x80000050;
	[dreg:$0x4] =	wrdreg s12;
	s28 =	ssub.s32 $0x2, s3  }
0xd: {  	s3 =	smul.u32 $0x50000, s3;
	s29 =	sshrl.u32 s28, $0x1;
	s30 =	sshrl.u32 s26, $0x2  }
0xe: {  	s26 =	simm.s32 $0x4;
	s10 =	sadd.s32 s11, s10;
	s14 =	ssub.s32 s28, s29  }
0xf: {  	s15 =	sadd.s32 s30, s2;
	s11 =	sadd.s32 s13, s3;
	s10 =	sshrl.u32 s10, $0x3  }
0x10: {  	s13 =	smax.u32 s14, $0x1;
	s14 =	sshrl.u32 s15, $0x3;
	s0 =	sadd.s32 s10, s0  }
0x11: {  	s15 =	simm.s32 $0x5;
	s10 =	sor.u32 $0x1C05, s31;
	s12 =	sadd.s32 $0x72E00, s0  }
.LBB2_1:
0x12: {  	s0 =	rddreg [dreg:$0x4]  }
0x13: {  	[spmem:s14], [sflag:s10] =	dma.local [hbm:s0], $0x2780  }
0x14: {  	_ =	swait.ge [sflag:s15], $0x2780  }
0x15: {  	[sflag:s15] =	ssyncset.done $0x0  }
0x16: {  	[sflag:s15] =	ssyncadd.s32 $0xFFFFD880  }
0x17: {  	s28 =	simm.s32 $0x0;
	[bflag:$0x0] =	sbarrier.arrive $0xFFFF  }
.LBB2_2:
0x18: {  	s0 =	sshll.u32 s28, $0xB  }
0x19: {  	s0 =	sadd.s32 s0, s11  }
0x1a: {  	s0 =	sshrl.u32 s0, $0x3  }
0x1b: {  	s29 =	simm.s32 $0x0;
	s3 =	sadd.s32 s6, s0  }
0x1c: {  	[tilespmem:s29], [sflag:$0x5] =	stream.linear.gather [hbm4b:s3+s29], $0x800, $0x38;
	[tilespmem:$0x1D400] =	vst v63  }
0x1d: {  	_ =	swait.ge [sflag:s15], $0x800  }
0x1e: {  	[sflag:s15] =	ssyncset.done $0x0  }
0x1f: {  	s31 =	sadd.s32 s7, s0;
	[sflag:s15] =	ssyncadd.s32 $0xFFFFF800  }
0x20: {  	[tilespmem:s16], [sflag:$0x5] =	stream.linear.gather [hbm4b:s31+s29], $0x800, $0x38;
	[tilespmem:$0x1D400] =	vst v63  }
0x21: {  	_ =	swait.ge [sflag:s15], $0x800  }
0x22: {  	[sflag:s15] =	ssyncset.done $0x0  }
0x23: {  	s0 =	sadd.s32 s8, s0;
	[sflag:s15] =	ssyncadd.s32 $0xFFFFF800  }
0x24: {  	[tilespmem:s17], [sflag:$0x5] =	stream.linear.gather [hbm4b:s0+s29], $0x800, $0x38;
	[tilespmem:$0x1D400] =	vst v63  }
0x25: {  	_ =	swait.ge [sflag:s15], $0x800  }
0x26: {  	[sflag:s15] =	ssyncset.done $0x0  }
0x27: {  	[sflag:s15] =	ssyncadd.s32 $0xFFFFF800  }
0x28: {  	[tilespmem:s19], [sflag:$0x1] =	stream.indirect.gather [hbm4b:s1+s18], $0x80, s29, s18, $0xb8;
	[tilespmem:$0x1D400] =	vst v63  }
0x29: {  	_ = 	snop  }
0x2a: {  	[tilespmem:s20], [sflag:$0x3] =	stream.indirect.gather [hbm4b:s5+s18], $0x80, s17, s18, $0xb8;
	[tilespmem:$0x1D400] =	vst v63  }
.LBB2_3:
0x2b: {  	_ =	swait.ge [sflag:s21], $0x2000  }
0x2c: {  	[sflag:s21] =	ssyncset.done $0x0  }
0x2d: {  	[sflag:s21] =	ssyncadd.s32 $0xFFFFE000  }
0x2e: {  	_ =	swait.ge [sflag:s22], $0x2000  }
0x2f: {  	s31 =	sshll.u32 s29, $0x8;
	[sflag:s22] =	ssyncset.done $0x0  }
0x30: {  	s30 =	sor.u32 $0x80, s31;
	[sflag:s22] =	ssyncadd.s32 $0xFFFFE000  }
0x31: {  	[tilespmem:s23], [sflag:$0x2] =	stream.indirect.gather [hbm4b:s1+s18], $0x80, s30, s18, $0xb8;
	[tilespmem:$0x1D400] =	vst v63  }
0x32: {  	s0 =	sadd.s32 $0x1080, s31  }
0x33: {  	[tilespmem:s24], [sflag:$0x4] =	stream.indirect.gather [hbm4b:s5+s18], $0x80, s0, s18, $0xb8;
	[tilespmem:$0x1D400] =	vst v63  }
0x34: {  	s0 =	simm.s32 $0x0  }
0x35: {  	v6 =	vld [tilespmem:s0+$0x5800]  }
0x36: {  	v11 =	vld [tilespmem:s0+$0x5810]  }
0x37: {  	v5 =	vld [tilespmem:s0+$0x5820]  }
0x38: {  	v4 =	vld [tilespmem:s0+$0x5830]  }
0x39: {  	v3 =	vld [tilespmem:s0+$0x5840]  }
0x3a: {  	v2 =	vld [tilespmem:s0+$0x5850]  }
0x3b: {  	v1 =	vld [tilespmem:s0+$0x5860]  }
0x3c: {  	v0 =	vld [tilespmem:s0+$0x5870]  }
0x3d: {  	v12 =	vld [tilespmem:s0+$0x1800]  }
0x3e: {  	v13 =	vld [tilespmem:s0+$0x1810]  }
0x3f: {  	v10 =	vld [tilespmem:s0+$0x1820]  }
0x40: {  	v9 =	vld [tilespmem:s0+$0x1830]  }
0x41: {  	v8 =	vld [tilespmem:s0+$0x1840]  }
0x42: {  	v7 =	vld [tilespmem:s0+$0x1850];
	v12 =	vadd.f32 v6, v12  }
0x43: {  	s3 =	simm.s32 $0x200;
	v11 =	vadd.f32 v11, v13;
	v6 =	vld [tilespmem:s0+$0x1860]  }
.LBB2_4:
0x44: {  	s9 =	sshra.s32 s3, $0x2;
	p0 =	sne.s32 s3, $0x7E00;
	v12 =	vmax.f32 v12, $0.0e+00;
	v5 =	vadd.f32 v5, v10;
	v10 =	vld [tilespmem:s0+$0x1870]  }
0x45: {  	v13 =	vld [tilespmem:s9+$0x5800];
	[tilespmem:s0+$0x1800] =	vst v12;
	v11 =	vmax.f32 v11, $0.0e+00;
	v4 =	vadd.f32 v4, v9  }
0x46: {  	v14 =	vld [tilespmem:s9+$0x5810];
	[tilespmem:s0+$0x1810] =	vst v11;
	v9 =	vmax.f32 v5, $0.0e+00;
	v3 =	vadd.f32 v3, v8  }
0x47: {  	v5 =	vld [tilespmem:s9+$0x5820];
	[tilespmem:s0+$0x1820] =	vst v9;
	v8 =	vmax.f32 v4, $0.0e+00;
	v2 =	vadd.f32 v2, v7  }
0x48: {  	v4 =	vld [tilespmem:s9+$0x5830];
	[tilespmem:s0+$0x1830] =	vst v8;
	v7 =	vmax.f32 v3, $0.0e+00;
	v1 =	vadd.f32 v1, v6  }
0x49: {  	v3 =	vld [tilespmem:s9+$0x5840];
	[tilespmem:s0+$0x1840] =	vst v7;
	v6 =	vmax.f32 v2, $0.0e+00;
	v0 =	vadd.f32 v0, v10  }
0x4a: {  	v2 =	vld [tilespmem:s9+$0x5850];
	[tilespmem:s0+$0x1850] =	vst v6;
	v6 =	vmax.f32 v1, $0.0e+00  }
0x4b: {  	v1 =	vld [tilespmem:s9+$0x5860];
	[tilespmem:s0+$0x1860] =	vst v6;
	v6 =	vmax.f32 v0, $0.0e+00  }
0x4c: {  	v0 =	vld [tilespmem:s9+$0x5870];
	[tilespmem:s0+$0x1870] =	vst v6;
	s0 =	smov.u32 s9  }
0x4d: {  	v6 =	vld [tilespmem:s0+$0x1800]  }
0x4e: {  	v11 =	vld [tilespmem:s0+$0x1810]  }
.Ltmp0:
0x4f: {  	v10 =	vld [tilespmem:s0+$0x1820];
	(pc) =	sbr.rel @p0 .LBB2_4-.Ltmp0, $4  }
0x50: {  	v9 =	vld [tilespmem:s0+$0x1830]  }
0x51: {  	v8 =	vld [tilespmem:s0+$0x1840]  }
0x52: {  	v12 =	vadd.f32 v13, v6;
	v7 =	vld [tilespmem:s0+$0x1850]  }
0x53: {  	s3 =	sadd.s32 $0x200, s3;
	v11 =	vadd.f32 v14, v11;
	v6 =	vld [tilespmem:s0+$0x1860]  }
0x54: {  	v12 =	vmax.f32 v12, $0.0e+00;
	v5 =	vadd.f32 v5, v10;
	v10 =	vld [tilespmem:s0+$0x1870]  }
0x55: {  	[tilespmem:s0+$0x1800] =	vst v12;
	v11 =	vmax.f32 v11, $0.0e+00;
	v4 =	vadd.f32 v4, v9  }
0x56: {  	[tilespmem:s0+$0x1810] =	vst v11;
	v5 =	vmax.f32 v5, $0.0e+00;
	v3 =	vadd.f32 v3, v8  }
0x57: {  	[tilespmem:s0+$0x1820] =	vst v5;
	v4 =	vmax.f32 v4, $0.0e+00;
	v2 =	vadd.f32 v2, v7  }
0x58: {  	[tilespmem:s0+$0x1830] =	vst v4;
	v3 =	vmax.f32 v3, $0.0e+00;
	v1 =	vadd.f32 v1, v6  }
0x59: {  	[tilespmem:s0+$0x1840] =	vst v3;
	v2 =	vmax.f32 v2, $0.0e+00;
	v0 =	vadd.f32 v0, v10  }
0x5a: {  	[tilespmem:s0+$0x1850] =	vst v2;
	v1 =	vmax.f32 v1, $0.0e+00  }
0x5b: {  	s3 =	sand.u32 $0x3FFFFF00, s31;
	[tilespmem:s0+$0x1860] =	vst v1;
	v0 =	vmax.f32 v0, $0.0e+00  }
0x5c: {  	s9 =	sadd.s32 $0x800, s3;
	[tilespmem:s0+$0x1870] =	vst v0  }
0x5d: {  	[spmem:s2] =	stream.indirect.scatter.add.f32 [tilespmem:s19], [sflag:$0x5], $0x80, s9, s18, $0xb8;
	[tilespmem:$0x1D400] =	vst v63  }
0x5e: {  	_ =	swait.ge [sflag:s15], $0x2000  }
0x5f: {  	[sflag:s15] =	ssyncset.done $0x0  }
0x60: {  	[sflag:s15] =	ssyncadd.s32 $0xFFFFE000  }
0x61: {  	_ =	swait.ge [sflag:s25], $0x2000  }
0x62: {  	[sflag:s25] =	ssyncset.done $0x0  }
0x63: {  	[sflag:s25] =	ssyncadd.s32 $0xFFFFE000  }
0x64: {  	p0 =	seq.s32 s29, $0x7;
	_ =	swait.ge [sflag:s26], $0x2000  }
0x65: {  	s3 =	simm.s32 @!p0 $0x40;
	[sflag:s26] =	ssyncset.done $0x0  }
0x66: {  	s0 =	sadd.s32 @!p0 $0x100, s31;
	s9 =	simm.s32 @!p0 $0x1800;
	[sflag:s26] =	ssyncadd.s32 $0xFFFFE000  }
0x67: {  	[tilespmem:s9], [sflag:$0x1] =	stream.indirect.gather @!p0 [hbm4b:s1+s3], $0x80, s0, s3, $0xb8;
	[tilespmem:$0x1D400] =	vst v63  }
0x68: {  	s0 =	sadd.s32 @!p0 $0x1100, s31;
	s9 =	simm.s32 @!p0 $0x5800  }
0x69: {  	[tilespmem:s9], [sflag:$0x3] =	stream.indirect.gather @!p0 [hbm4b:s5+s3], $0x80, s0, s3, $0xb8;
	[tilespmem:$0x1D400] =	vst v63  }
0x6a: {  	s0 =	simm.s32 $0x0  }
0x6b: {  	v6 =	vld [tilespmem:s0+$0x7800]  }
0x6c: {  	v11 =	vld [tilespmem:s0+$0x7810]  }
0x6d: {  	v5 =	vld [tilespmem:s0+$0x7820]  }
0x6e: {  	v4 =	vld [tilespmem:s0+$0x7830]  }
0x6f: {  	v3 =	vld [tilespmem:s0+$0x7840]  }
0x70: {  	v2 =	vld [tilespmem:s0+$0x7850]  }
0x71: {  	v1 =	vld [tilespmem:s0+$0x7860]  }
0x72: {  	v0 =	vld [tilespmem:s0+$0x7870]  }
0x73: {  	v12 =	vld [tilespmem:s0+$0x3800]  }
0x74: {  	v13 =	vld [tilespmem:s0+$0x3810]  }
0x75: {  	v10 =	vld [tilespmem:s0+$0x3820]  }
0x76: {  	v9 =	vld [tilespmem:s0+$0x3830]  }
0x77: {  	v8 =	vld [tilespmem:s0+$0x3840]  }
0x78: {  	v7 =	vld [tilespmem:s0+$0x3850];
	v12 =	vadd.f32 v6, v12  }
0x79: {  	s3 =	simm.s32 $0x200;
	v11 =	vadd.f32 v11, v13;
	v6 =	vld [tilespmem:s0+$0x3860]  }
.LBB2_6:
0x7a: {  	s9 =	sshra.s32 s3, $0x2;
	p0 =	sne.s32 s3, $0x7E00;
	v12 =	vmax.f32 v12, $0.0e+00;
	v5 =	vadd.f32 v5, v10;
	v10 =	vld [tilespmem:s0+$0x3870]  }
0x7b: {  	v13 =	vld [tilespmem:s9+$0x7800];
	[tilespmem:s0+$0x3800] =	vst v12;
	v11 =	vmax.f32 v11, $0.0e+00;
	v4 =	vadd.f32 v4, v9  }
0x7c: {  	v14 =	vld [tilespmem:s9+$0x7810];
	[tilespmem:s0+$0x3810] =	vst v11;
	v9 =	vmax.f32 v5, $0.0e+00;
	v3 =	vadd.f32 v3, v8  }
0x7d: {  	v5 =	vld [tilespmem:s9+$0x7820];
	[tilespmem:s0+$0x3820] =	vst v9;
	v8 =	vmax.f32 v4, $0.0e+00;
	v2 =	vadd.f32 v2, v7  }
0x7e: {  	v4 =	vld [tilespmem:s9+$0x7830];
	[tilespmem:s0+$0x3830] =	vst v8;
	v7 =	vmax.f32 v3, $0.0e+00;
	v1 =	vadd.f32 v1, v6  }
0x7f: {  	v3 =	vld [tilespmem:s9+$0x7840];
	[tilespmem:s0+$0x3840] =	vst v7;
	v6 =	vmax.f32 v2, $0.0e+00;
	v0 =	vadd.f32 v0, v10  }
0x80: {  	v2 =	vld [tilespmem:s9+$0x7850];
	[tilespmem:s0+$0x3850] =	vst v6;
	v6 =	vmax.f32 v1, $0.0e+00  }
0x81: {  	v1 =	vld [tilespmem:s9+$0x7860];
	[tilespmem:s0+$0x3860] =	vst v6;
	v6 =	vmax.f32 v0, $0.0e+00  }
0x82: {  	v0 =	vld [tilespmem:s9+$0x7870];
	[tilespmem:s0+$0x3870] =	vst v6;
	s0 =	smov.u32 s9  }
0x83: {  	v6 =	vld [tilespmem:s0+$0x3800]  }
0x84: {  	v11 =	vld [tilespmem:s0+$0x3810]  }
.Ltmp1:
0x85: {  	v10 =	vld [tilespmem:s0+$0x3820];
	(pc) =	sbr.rel @p0 .LBB2_6-.Ltmp1, $4  }
0x86: {  	v9 =	vld [tilespmem:s0+$0x3830]  }
0x87: {  	v8 =	vld [tilespmem:s0+$0x3840]  }
0x88: {  	v12 =	vadd.f32 v13, v6;
	v7 =	vld [tilespmem:s0+$0x3850]  }
0x89: {  	s3 =	sadd.s32 $0x200, s3;
	v11 =	vadd.f32 v14, v11;
	v6 =	vld [tilespmem:s0+$0x3860]  }
0x8a: {  	v12 =	vmax.f32 v12, $0.0e+00;
	v5 =	vadd.f32 v5, v10;
	v63 =	vld [tilespmem:s0+$0x3870]  }
0x8b: {  	[tilespmem:s0+$0x3800] =	vst v12;
	v11 =	vmax.f32 v11, $0.0e+00;
	v4 =	vadd.f32 v4, v9  }
0x8c: {  	[tilespmem:s0+$0x3810] =	vst v11;
	v5 =	vmax.f32 v5, $0.0e+00;
	v3 =	vadd.f32 v3, v8  }
0x8d: {  	[tilespmem:s0+$0x3820] =	vst v5;
	v4 =	vmax.f32 v4, $0.0e+00;
	v2 =	vadd.f32 v2, v7  }
0x8e: {  	[tilespmem:s0+$0x3830] =	vst v4;
	v3 =	vmax.f32 v3, $0.0e+00;
	v1 =	vadd.f32 v1, v6  }
0x8f: {  	[tilespmem:s0+$0x3840] =	vst v3;
	v2 =	vmax.f32 v2, $0.0e+00;
	v0 =	vadd.f32 v0, v63  }
0x90: {  	s29 =	sadd.s32 $0x1, s29;
	[tilespmem:s0+$0x3850] =	vst v2;
	v1 =	vmax.f32 v1, $0.0e+00  }
0x91: {  	p0 =	sne.s32 s29, $0x8;
	[tilespmem:s0+$0x3860] =	vst v1;
	v0 =	vmax.f32 v0, $0.0e+00  }
.Ltmp2:
0x92: {  	s31 =	sadd.s32 $0x800, s30;
	[tilespmem:s0+$0x3870] =	vst v0;
	(pc) =	sbr.rel @p0 .LBB2_3-.Ltmp2, $4  }
0x93: {  	[spmem:s2] =	stream.indirect.scatter.add.f32 [tilespmem:s23], [sflag:$0x5], $0x80, s31, s18, $0xb8;
	[tilespmem:$0x1D400] =	vst v63  }
0x94: {  	_ =	swait.ge [sflag:s15], $0x2000  }
0x95: {  	[sflag:s15] =	ssyncset.done $0x0  }
0x96: {  	[sflag:s15] =	ssyncadd.s32 $0xFFFFE000  }
0x97: {  	s28 =	sadd.s32 $0x1, s28  }
0x98: {  	p0 =	sne.s32 s28, $0xA  }
.Ltmp3:
0x99: {  	_ = 	snop;
	(pc) =	sbr.rel @p0 .LBB2_2-.Ltmp3, $1  }
0x9a: {  	_ =	sdelay $0x3  }
0x9b: {  	s4 =	sadd.s32 $0x1, s4  }
0x9c: {  	p0 =	sne.s32 s4, s13  }
.Ltmp4:
0x9d: {  	[bflag:$0x0] =	sbarrier.arrive $0xFFFF;
	(pc) =	sbr.rel @p0 .LBB2_1-.Ltmp4, $4  }
0x9e: {  	[hbm:s12], [sflag:s10] =	dma.local [spmem:s14], $0x2780  }
0x9f: {  	_ =	swait.ge [sflag:s15], $0x2780  }
0xa0: {  	[sflag:s15] =	ssyncset.done $0x0  }
0xa1: {  	[sflag:s15] =	ssyncadd.s32 $0xFFFFD880  }
0xa2: {  	_ =	sfence.sel $0x180000  }
0xa3: {  	[bflag:$0x0] =	sbarrier.arrive $0xFFFF  }
0xa4: {  	_ =	strace $0x90000050  }
0xa5: {  	s0 =	stileid.u32;
	[bflag:$0x2] =	sbarrier.arrive $0xFFFF  }
0xa6: {  	p0 =	sne.s32 s0, $0x0;
	s0 =	rddreg [dreg:$0x3]  }
0xa7: {  	s0 =	sadd.s32 @!p0 $0x100000, s0  }
0xa8: {  	[sflag:s0] =	ssyncadd.tile.s32 @!p0 $0x1;
	_ =	shalt  }
.Lfunc_end2:
_tile_overlayer_lowered:
.L_overlay_start_2:
0xa9: {  	(tag) =	ssettag $0x2  }
0xaa: {  	s0 =	rddreg [dreg:$0x0];
	s2 =	stileid.u32  }
0xab: {  	s1 =	rddreg [dreg:$0x1];
	p0 =	sne.s32 s2, $0x0  }
0xac: {  	s3 =	rddreg [dreg:$0x2];
	[bflag:$0x3] =	sbarrier.arrive $0xFFFF;
	s2 =	simm.s32 @!p0 $0x1C05  }
0xad: {  	[timem:s3], [sflag:s2] =	dma.local @!p0 [hbm:s0], s1  }
0xae: {  	s0 =	simm.s32 @!p0 $0x5  }
0xaf: {  	_ =	swait.ge @!p0 [sflag:s0], s1  }
0xb0: {  	s1 =	ssub.s32 @!p0 $0x0, s1;
	[sflag:s0] =	ssyncset.done @!p0 $0x0  }
0xb1: {  	[sflag:s0] =	ssyncadd.s32 @!p0 s1  }
0xb2: {  	[bflag:$0x3] =	sbarrier.arrive $0xFFFF  }
0xb3: {  	_ =	shalt  }

// kernel: kernel.9.cloned.1.call-start
scs
__scs_entry_jumppad:
0x0: {  	(pc) =	sbr.rel $0x88, $3  }
0x1: {  	(tag) =	ssettag $0x0;
	lr =	simm.s32 $0x1  }
0x2: {  	[smem:$0x3F93] =	sst lr;
	_ =	strace $0xD0000000  }
0x3: {  	_ = 	snop  }
0x4: {  	_ = 	snop  }
0x5: {  	_ = 	snop  }
0x6: {  	_ = 	snop  }
0x7: {  	_ = 	snop  }
__scs_overlays_trampoline_lowered:
0x8: {  	[smem:$0x3FA2] =	sst s0  }
0x9: {  	[smem:$0x3FA3] =	sst s1  }
0xa: {  	[smem:$0x3FA4] =	sst s2  }
0xb: {  	[smem:$0x3FA5] =	sst s3  }
0xc: {  	[smem:$0x3FA6] =	sst s4  }
0xd: {  	[smem:$0x3FA7] =	sst s5  }
0xe: {  	[smem:$0x3FA8] =	sst s6  }
0xf: {  	[smem:$0x3FA9] =	sst s7  }
0x10: {  	[smem:$0x3FAA] =	sst s8  }
0x11: {  	[smem:$0x3FAB] =	sst s9;
	s0 =	simm.s32 @!p0 $0x0  }
0x12: {  	s1 =	sld [smem:$0x3F91];
	s0 =	simm.s32 @p0 $0x1  }
0x13: {  	[smem:$0x3FAC] =	sst s0;
	s0 =	simm.s32 @!p1 $0x0  }
0x14: {  	s2 =	sld [smem:$0x3F90];
	s0 =	simm.s32 @p1 $0x1  }
0x15: {  	[smem:$0x3FAD] =	sst s0;
	s0 =	simm.s32 @!p2 $0x0  }
0x16: {  	s3 =	sld [smem:$0x3FDB];
	s0 =	simm.s32 @p2 $0x1  }
0x17: {  	s4 =	simm.s32 $0x1BF5;
	[smem:$0x3FAF] =	sst s0  }
0x18: {  	s0 =	sld [smem:$0x3F92];
	_ =	swait.ge [sflag:s4], $0x0  }
0x19: {  	s7 =	sld [smem:$0x3F93]  }
0x1a: {  	s8 =	sadd.s32 $0xFFFFE003, lr  }
0x1b: {  	s9 =	sadd.s32 $0xFFFFFEF7, lr;
	s5 =	simm.s32 $0xFFFFFFFF;
	p2 =	slt.u32 s8, $0xFFFFF086  }
0x1c: {  	p1 =	slt.u32 s9, $0xF7A;
	s5 =	simm.s32 @!p2 $0x0  }
0x1d: {  	s5 =	simm.s32 @p1 $0x1;
	p0 =	seq.s32 s7, s2  }
0x1e: {  	s7 =	smul.u32 @!p0 $0xF7A, s2;
	p2 =	seq.s32 @!p0 s5, $0x0  }
0x1f: {  	s9 =	smul.u32 $0xF7A, s1;
	s8 =	simm.s32 @!p0 $0x1BF5;
	p2 =	por !p2, p0  }
0x20: {  	[sflag:s8] =	ssyncset.s32 @!p0 $0xFFFFF086;
	s6 =	sadd.s32 @!p0 s3, s7;
	s7 =	simm.s32 @!p0 $0x108  }
0x21: {  	s3 =	sadd.s32 s3, s9;
	s6 =	sadd.s32 @!p0 $0x88, s6;
	s7 =	simm.s32 @p2 $0x1082  }
0x22: {  	[simem:s7], [sflag:s8] =	dma.local @!p0 [hbm:s6], $0xF7A  }
0x23: {  	s9 =	sor.u32 $0xD0000000, s2;
	s6 =	simm.s32 $0x108;
	_ =	swait.ge @!p0 [sflag:s8], $0x0  }
0x24: {  	s3 =	sadd.s32 $0x88, s3;
	s6 =	simm.s32 @!p1 $0x1082;
	[sflag:s4] =	ssyncset.s32 $0xFFFFF086  }
0x25: {  	[simem:s6], [sflag:s4] =	dma.local [hbm:s3], $0xF7A  }
0x26: {  	[smem:$0x3F93] =	sst s1;
	(tag) =	ssettag s2;
	_ =	strace s9  }
0x27: {  	s1 =	sld [smem:$0x3FA3]  }
0x28: {  	s2 =	sld [smem:$0x3FA4]  }
0x29: {  	s4 =	sld [smem:$0x3FA6]  }
0x2a: {  	p0 =	seq.s32 s5, $0x0;
	s5 =	sld [smem:$0x3FA7]  }
0x2b: {  	s6 =	sld [smem:$0x3FA8]  }
0x2c: {  	s7 =	sld [smem:$0x3FA9]  }
0x2d: {  	s3 =	simm.s32 $0x108;
	s8 =	sld [smem:$0x3FAA]  }
0x2e: {  	s3 =	simm.s32 @!p0 $0x1082;
	s9 =	sld [smem:$0x3FAB]  }
0x2f: {  	lr =	sadd.s32 s0, s3;
	s0 =	sld [smem:$0x3FA2]  }
0x30: {  	s3 =	sld [smem:$0x3FA5]  }
0x31: {  	[smem:$0x3FAE] =	sst s10  }
0x32: {  	s10 =	sld [smem:$0x3FAC];
	_ =	sdelay $0x3  }
0x33: {  	p0 =	seq.s32 s10, $0x1;
	s10 =	sld [smem:$0x3FAE];
	_ =	sdelay $0x3  }
0x34: {  	[smem:$0x3FAE] =	sst s10  }
0x35: {  	s10 =	sld [smem:$0x3FAD];
	_ =	sdelay $0x3  }
0x36: {  	p1 =	seq.s32 s10, $0x1;
	s10 =	sld [smem:$0x3FAE];
	_ =	sdelay $0x3  }
0x37: {  	[smem:$0x3FAE] =	sst s10  }
0x38: {  	s10 =	sld [smem:$0x3FAF]  }
0x39: {  	_ = 	snop;
	(pc) =	sbr.ind lr, $3  }
0x3a: {  	_ = 	snop  }
0x3b: {  	_ = 	snop  }
0x3c: {  	p2 =	seq.s32 s10, $0x1;
	s10 =	sld [smem:$0x3FAE]  }
0x3d: {  	_ =	shalt  }
0x3e: {  	_ =	shalt  }
0x3f: {  	_ =	shalt  }
0x40: {  	_ =	shalt  }
0x41: {  	_ =	shalt  }
0x42: {  	_ =	shalt  }
0x43: {  	_ =	shalt  }
0x44: {  	_ =	shalt  }
0x45: {  	_ =	shalt  }
0x46: {  	_ =	shalt  }
0x47: {  	_ =	shalt  }
0x48: {  	_ =	shalt  }
0x49: {  	_ =	shalt  }
0x4a: {  	_ =	shalt  }
0x4b: {  	_ =	shalt  }
0x4c: {  	_ =	shalt  }
0x4d: {  	_ =	shalt  }
0x4e: {  	_ =	shalt  }
0x4f: {  	_ =	shalt  }
0x50: {  	_ =	shalt  }
0x51: {  	_ =	shalt  }
0x52: {  	_ =	shalt  }
0x53: {  	_ =	shalt  }
0x54: {  	_ =	shalt  }
0x55: {  	_ =	shalt  }
0x56: {  	_ =	shalt  }
0x57: {  	_ =	shalt  }
0x58: {  	_ =	shalt  }
0x59: {  	_ =	shalt  }
0x5a: {  	_ =	shalt  }
0x5b: {  	_ =	shalt  }
0x5c: {  	_ =	shalt  }
0x5d: {  	_ =	shalt  }
0x5e: {  	_ =	shalt  }
0x5f: {  	_ =	shalt  }
0x60: {  	_ =	shalt  }
0x61: {  	_ =	shalt  }
0x62: {  	_ =	shalt  }
0x63: {  	_ =	shalt  }
0x64: {  	_ =	shalt  }
0x65: {  	_ =	shalt  }
0x66: {  	_ =	shalt  }
0x67: {  	_ =	shalt  }
0x68: {  	_ =	shalt  }
0x69: {  	_ =	shalt  }
0x6a: {  	_ =	shalt  }
0x6b: {  	_ =	shalt  }
0x6c: {  	_ =	shalt  }
0x6d: {  	_ =	shalt  }
0x6e: {  	_ =	shalt  }
0x6f: {  	_ =	shalt  }
0x70: {  	_ =	shalt  }
0x71: {  	_ =	shalt  }
0x72: {  	_ =	shalt  }
0x73: {  	_ =	shalt  }
0x74: {  	_ =	shalt  }
0x75: {  	_ =	shalt  }
0x76: {  	_ =	shalt  }
0x77: {  	_ =	shalt  }
0x78: {  	_ =	shalt  }
0x79: {  	_ =	shalt  }
0x7a: {  	_ =	shalt  }
0x7b: {  	_ =	shalt  }
0x7c: {  	_ =	shalt  }
0x7d: {  	_ =	shalt  }
0x7e: {  	_ =	shalt  }
0x7f: {  	_ =	shalt  }
0x80: {  	_ =	shalt  }
0x81: {  	_ =	shalt  }
0x82: {  	_ =	shalt  }
0x83: {  	_ =	shalt  }
0x84: {  	_ =	shalt  }
0x85: {  	_ =	shalt  }
0x86: {  	_ =	shalt  }
0x87: {  	_ =	shalt  }
.Lfunc_end0:
.L_simem_size_0:
called_computation_lowered:
.L_overlay_start_0:
0x88: {  	s2 =	sld [smem:$0x3FD9]  }
0x89: {  	s3 =	sld [smem:$0x3FFE];
	_ =	sdelay $0x1  }
0x8a: {  	s1 =	srdreg.scid  }
0x8b: {  	s0 =	sand.u32 $0x1, s1  }
0x8c: {  	s17 =	sshll.u32 s0, $0xA;
	s2 =	sadd.s32 s3, s2  }
0x8d: {  	s2 =	sadd.s32 s2, s17  }
0x8e: {  	[smem:$0x3FBA] =	sst s2  }
0x8f: {  	_ = 	snop  }
0x90: {  	s2 =	sld [smem:$0x3FD0];
	(tm) =	ssettm $0x1  }
0x91: {  	s18 =	sld [smem:$0x3FFB];
	_ =	sdelay $0x3  }
0x92: {  	_ =	strace s18  }
0x93: {  	s3 =	sld [smem:$0x3FFC];
	_ =	sdelay $0x3  }
0x94: {  	_ =	strace s3  }
0x95: {  	s3 =	sld [smem:$0x3FFD];
	_ =	sdelay $0x3  }
0x96: {  	_ =	strace s3  }
0x97: {  	_ =	strace $0x8FFFFFFF  }
0x98: {  	s19 =	sld [smem:$0x3FDB];
	_ =	sdelay $0x1  }
0x99: {  	s4 =	simm.s32 $_scs_section_size  }
0x9a: {  	s5 =	simm.s32 $_size__tile_overlayer_lowered;
	s6 =	simm.s32 $_tile_overlayer_lowered  }
0x9b: {  	s22 =	simm.s32 $0x1BFF;
	s21 =	sshll.u32 s6, $0x1;
	s3 =	sadd.s32 s4, s19  }
0x9c: {  	s7 =	simm.s32 $0x0;
	s20 =	sshll.u32 s5, $0x1;
	s5 =	sadd.s32 s21, s3  }
0x9d: {  	[timem:s7], [sflag:s22] =	dma.local [hbm:s5], s20  }
0x9e: {  	_ =	swait.ge [sflag:s22], s20  }
0x9f: {  	s4 =	ssub.s32 $0x0, s20;
	[sflag:s22] =	ssyncset.done $0x0  }
0xa0: {  	[sflag:s22] =	ssyncadd.s32 s4;
	_ =	sdelay $0x1  }
0xa1: {  	s23 =	simm.s32 $0x1B8B  }
0xa2: {  	_ =	swait.ge [sflag:s23], $0x1  }
0xa3: {  	[sflag:s23] =	ssyncset.done $0x0  }
0xa4: {  	s25 =	simm.s32 $0x1B8E;
	s24 =	sld [smem:$0x3FFE];
	[sflag:s23] =	ssyncadd.s32 $0xFFFFFFFF  }
0xa5: {  	s26 =	simm.s32 $execute0_lowered;
	[smem:$0x3FD2] =	sst s25  }
0xa6: {  	s5 =	sshll.u32 s26, $0x1;
	_ =	strace $0x80000046;
	[dreg:$0x1] =	wrdreg $0xFFFFFFFF  }
0xa7: {  	s28 =	simm.s32 $_size_execute0_lowered;
	s3 =	sadd.s32 s3, s5;
	[dreg:$0x0] =	wrdreg $0x0  }
0xa8: {  	s5 =	sshll.u32 s28, $0x1;
	[dreg:$0x2] =	wrdreg s3  }
0xa9: {  	[dreg:$0x3] =	wrdreg s5  }
0xaa: {  	[dreg:$0x4] =	wrdreg $0xC0  }
0xab: {  	_ =	task [dreg:s7], $0x5FFFF  }
0xac: {  	[dreg:$0x1] =	wrdreg $0xFFFFFFFF  }
0xad: {  	[dreg:$0x0] =	wrdreg $0x60  }
0xae: {  	[dreg:$0x2] =	wrdreg s2  }
0xaf: {  	[dreg:$0x3] =	wrdreg s24  }
0xb0: {  	[dreg:$0x4] =	wrdreg $0x98000  }
0xb1: {  	[dreg:$0x5] =	wrdreg $0x9  }
0xb2: {  	_ =	task.clear_ibuf [dreg:s7], $0x6FFFF;
	_ =	strace $0x90000046  }
0xb3: {  	s29 =	simm.s32 $0x9;
	_ =	strace $0x80000048  }
0xb4: {  	_ =	swait.ge [sflag:s29], $0x1  }
0xb5: {  	[sflag:s29] =	ssyncadd.s32 $0xFFFFFFFF  }
0xb6: {  	_ =	strace $0x90000048  }
0xb7: {  	_ =	sfence  }
0xb8: {  	s30 =	sld [smem:$0x0];
	_ =	sdelay $0x2  }
0xb9: {  	s31 =	sshll.u32 s1, $0xD;
	s1 =	sshrl.u32 s1, $0x2  }
0xba: {  	s3 =	sand.u32 $0x4000, s31;
	s1 =	sadd.s32 s1, s30  }
0xbb: {  	s0 =	sor.u32 s3, s0;
	s1 =	sshll.u32 s1, $0x11  }
0xbc: {  	s0 =	sor.u32 s1, s0  }
0xbd: {  	s0 =	sadd.s32 $0x8F2B, s0  }
0xbe: {  	[sflag:s0] =	ssyncadd.remote.s32 $0x1  }
0xbf: {  	_ =	sfence.sel $0xFFFF  }
0xc0: {  	[dreg:$0x0] =	wrdreg $0xFFFFFFFF;
	(pc) =	sbr.abs _section_cstart, $3  }
0xc1: {  	[dreg:$0x1] =	wrdreg $0xFFFFFFFF  }
0xc2: {  	_ =	task.clear_ibuf [dreg:s7], $0x2FFFF;
	_ =	strace $0x9FFFFFFF  }
0xc3: {  	(tm) =	ssettm $0x7FFFFFFF  }
tec
execute0_lowered:
.L_overlay_start_1:
0x0: {  	(tag) =	ssettag $0x1  }
0x1: {  	s1 =	rddreg [dreg:$0x0]  }
0x2: {  	s6 =	rddreg [dreg:$0x1]  }
0x3: {  	s3 =	rddreg [dreg:$0x2]  }
0x4: {  	s0 =	srdreg.scid;
	s2 =	rddreg [dreg:$0x3];
	s4 =	simm.s32 $0x0  }
0x5: {  	s14 =	simm.s32 $0x80;
	s15 =	simm.s32 $0x1800;
	s16 =	simm.s32 $0x1  }
0x6: {  	s17 =	simm.s32 $0x5800;
	s18 =	simm.s32 $0x2;
	s5 =	sand.u32 $0x1, s0  }
0x7: {  	s19 =	simm.s32 $0xB80;
	s0 =	stileid.u32;
	s7 =	smul.u32 $0xC000, s5  }
0x8: {  	s20 =	simm.s32 $0x1700;
	s21 =	simm.s32 $0x1780;
	s8 =	smul.u32 $0xC00, s0  }
0x9: {  	s22 =	simm.s32 $0x0;
	[smem:$0x7FF] =	sst s4;
	s9 =	smul.u32 $0xA0000, s5  }
0xa: {  	s24 =	smul.u32 $0xA000, s0;
	_ =	strace $0x80000047;
	s26 =	ssub.s32 $0x2, s5  }
0xb: {  	s28 =	smul.u32 $0x28000, s0;
	s5 =	sadd.s32 $0xB800, s6;
	s31 =	sshll.u32 s0, $0x6  }
0xc: {  	s29 =	sshrl.u32 s26, $0x1;
	s7 =	sadd.s32 s8, s7;
	s25 =	sadd.s32 s24, s9  }
0xd: {  	s12 =	ssub.s32 s26, s29;
	s30 =	sshrl.u32 s28, $0x2;
	s7 =	sshrl.u32 s7, $0x3  }
0xe: {  	s13 =	sadd.s32 s30, s3;
	s10 =	sadd.s32 s7, s6;
	s7 =	sshrl.u32 s25, $0x3  }
0xf: {  	s11 =	sadd.s32 s7, s6;
	s6 =	sor.u32 $0x1C03, s31;
	s7 =	sadd.s32 $0x5800, s10  }
0x10: {  	s8 =	sadd.s32 $0x8800, s10;
	s10 =	smax.u32 s12, $0x1;
	s12 =	simm.s32 $0x3  }
0x11: {  	s9 =	sadd.s32 $0xE000, s11;
	s11 =	sshrl.u32 s13, $0x3;
	s13 =	simm.s32 $0xC00  }
.LBB2_1:
0x12: {  	[spmem:s11], [sflag:s6] =	dma.local [hbm:s5], $0x1400  }
0x13: {  	_ =	swait.ge [sflag:s12], $0x1400  }
0x14: {  	[sflag:s12] =	ssyncset.done $0x0  }
0x15: {  	[sflag:s12] =	ssyncadd.s32 $0xFFFFEC00  }
0x16: {  	[tilespmem:s4], [sflag:$0x3] =	stream.linear.gather [hbm4b:s7+s4], $0xC00, $0x38;
	[tilespmem:$0x13800] =	vst v63  }
0x17: {  	_ =	swait.ge [sflag:s12], $0xC00  }
0x18: {  	[sflag:s12] =	ssyncset.done $0x0  }
0x19: {  	[sflag:s12] =	ssyncadd.s32 $0xFFFFF400  }
0x1a: {  	[tilespmem:s13], [sflag:$0x3] =	stream.linear.gather [hbm4b:s8+s4], $0xC00, $0x38;
	[tilespmem:$0x13800] =	vst v63  }
0x1b: {  	_ =	swait.ge [sflag:s12], $0xC00  }
0x1c: {  	[sflag:s12] =	ssyncset.done $0x0  }
0x1d: {  	[sflag:s12] =	ssyncadd.s32 $0xFFFFF400  }
0x1e: {  	[bflag:$0x0] =	sbarrier.arrive $0xFFFF  }
0x1f: {  	[tilespmem:s15], [sflag:$0x1] =	stream.indirect.gather [hbm4b:s1+s14], $0x80, s4, s14, $0xb8;
	[tilespmem:$0x13800] =	vst v63  }
0x20: {  	_ =	swait.ge [sflag:s16], $0x4000  }
0x21: {  	[sflag:s16] =	ssyncset.done $0x0  }
0x22: {  	s23 =	simm.s32 $0x80;
	[sflag:s16] =	ssyncadd.s32 $0xFFFFC000  }
0x23: {  	[tilespmem:s17], [sflag:$0x2] =	stream.indirect.gather [hbm4b:s1+s14], $0x80, s23, s14, $0xb8;
	[tilespmem:$0x13800] =	vst v63  }
0x24: {  	s29 =	simm.s32 $0xC00  }
0x25: {  	[spmem:s3] =	stream.indirect.scatter.add.f32 [tilespmem:s15], [sflag:$0x3], $0x80, s29, s14, $0xb8;
	[tilespmem:$0x13800] =	vst v63  }
0x26: {  	_ =	swait.ge [sflag:s12], $0x4000  }
0x27: {  	[sflag:s12] =	ssyncset.done $0x0  }
0x28: {  	[sflag:s12] =	ssyncadd.s32 $0xFFFFC000  }
0x29: {  	_ =	swait.ge [sflag:s18], $0x4000  }
0x2a: {  	[sflag:s18] =	ssyncset.done $0x0  }
0x2b: {  	s30 =	simm.s32 $0x100;
	[sflag:s18] =	ssyncadd.s32 $0xFFFFC000  }
0x2c: {  	[tilespmem:s15], [sflag:$0x1] =	stream.indirect.gather [hbm4b:s1+s14], $0x80, s30, s14, $0xb8;
	[tilespmem:$0x13800] =	vst v63  }
0x2d: {  	s31 =	simm.s32 $0xC80  }
0x2e: {  	[spmem:s3] =	stream.indirect.scatter.add.f32 [tilespmem:s17], [sflag:$0x3], $0x80, s31, s14, $0xb8;
	[tilespmem:$0x13800] =	vst v63  }
0x2f: {  	_ =	swait.ge [sflag:s12], $0x4000  }
0x30: {  	s23 =	simm.s32 $0x400;
	[sflag:s12] =	ssyncset.done $0x0  }
.LBB2_2:
0x31: {  	p0 =	sne.s32 s23, $0x2800  }
0x32: {  	[sflag:s12] =	ssyncadd.s32 $0xFFFFC000;
	s24 =	smov.u32 s23;
	s23 =	sadd.s32 $0x400, s23  }
0x33: {  	_ = 	snop  }
0x34: {  	_ =	swait.ge [sflag:s16], $0x4000  }
0x35: {  	s24 =	sshra.s32 s24, $0x2;
	[sflag:s16] =	ssyncset.done $0x0  }
0x36: {  	s25 =	sadd.s32 $0x80, s24;
	[sflag:s16] =	ssyncadd.s32 $0xFFFFC000  }
0x37: {  	[tilespmem:s17], [sflag:$0x2] =	stream.indirect.gather [hbm4b:s1+s14], $0x80, s25, s14, $0xb8;
	[tilespmem:$0x13800] =	vst v63  }
0x38: {  	s25 =	sadd.s32 $0xC00, s24  }
0x39: {  	[spmem:s3] =	stream.indirect.scatter.add.f32 [tilespmem:s15], [sflag:$0x3], $0x80, s25, s14, $0xb8;
	[tilespmem:$0x13800] =	vst v63  }
0x3a: {  	_ =	swait.ge [sflag:s12], $0x4000  }
0x3b: {  	[sflag:s12] =	ssyncset.done $0x0  }
0x3c: {  	[sflag:s12] =	ssyncadd.s32 $0xFFFFC000  }
0x3d: {  	_ =	swait.ge [sflag:s18], $0x4000  }
0x3e: {  	[sflag:s18] =	ssyncset.done $0x0  }
0x3f: {  	s25 =	sadd.s32 $0x100, s24;
	[sflag:s18] =	ssyncadd.s32 $0xFFFFC000  }
0x40: {  	[tilespmem:s15], [sflag:$0x1] =	stream.indirect.gather [hbm4b:s1+s14], $0x80, s25, s14, $0xb8;
	[tilespmem:$0x13800] =	vst v63  }
.Ltmp0:
0x41: {  	_ = 	snop;
	(pc) =	sbr.rel @p0 .LBB2_2-.Ltmp0, $4  }
0x42: {  	s24 =	sadd.s32 $0xC80, s24  }
0x43: {  	[spmem:s3] =	stream.indirect.scatter.add.f32 [tilespmem:s17], [sflag:$0x3], $0x80, s24, s14, $0xb8;
	[tilespmem:$0x13800] =	vst v63  }
0x44: {  	_ =	swait.ge [sflag:s12], $0x4000  }
0x45: {  	[sflag:s12] =	ssyncset.done $0x0  }
0x46: {  	[sflag:s12] =	ssyncadd.s32 $0xFFFFC000  }
0x47: {  	_ =	swait.ge [sflag:s16], $0x4000  }
0x48: {  	[sflag:s16] =	ssyncset.done $0x0  }
0x49: {  	[sflag:s16] =	ssyncadd.s32 $0xFFFFC000  }
0x4a: {  	[tilespmem:s17], [sflag:$0x2] =	stream.indirect.gather [hbm4b:s1+s14], $0x80, s19, s14, $0xb8;
	[tilespmem:$0x13800] =	vst v63  }
0x4b: {  	_ = 	snop  }
0x4c: {  	[spmem:s3] =	stream.indirect.scatter.add.f32 [tilespmem:s15], [sflag:$0x3], $0x80, s20, s14, $0xb8;
	[tilespmem:$0x13800] =	vst v63  }
0x4d: {  	_ =	swait.ge [sflag:s12], $0x4000  }
0x4e: {  	[sflag:s12] =	ssyncset.done $0x0  }
0x4f: {  	[sflag:s12] =	ssyncadd.s32 $0xFFFFC000  }
0x50: {  	_ =	swait.ge [sflag:s18], $0x4000  }
0x51: {  	[sflag:s18] =	ssyncset.done $0x0  }
0x52: {  	[sflag:s18] =	ssyncadd.s32 $0xFFFFC000  }
0x53: {  	[spmem:s3] =	stream.indirect.scatter.add.f32 [tilespmem:s17], [sflag:$0x3], $0x80, s21, s14, $0xb8;
	[tilespmem:$0x13800] =	vst v63  }
0x54: {  	_ =	swait.ge [sflag:s12], $0x4000  }
0x55: {  	s22 =	sadd.s32 $0x1, s22;
	[sflag:s12] =	ssyncset.done $0x0  }
0x56: {  	p0 =	sne.s32 s22, s10;
	[sflag:s12] =	ssyncadd.s32 $0xFFFFC000  }
.Ltmp1:
0x57: {  	[bflag:$0x0] =	sbarrier.arrive $0xFFFF;
	(pc) =	sbr.rel @p0 .LBB2_1-.Ltmp1, $4  }
0x58: {  	[hbm:s9], [sflag:s6] =	dma.local [spmem:s11], $0x1400  }
0x59: {  	_ =	swait.ge [sflag:s12], $0x1400  }
0x5a: {  	[sflag:s12] =	ssyncset.done $0x0  }
0x5b: {  	[sflag:s12] =	ssyncadd.s32 $0xFFFFEC00  }
0x5c: {  	_ =	sfence.sel $0x180000  }
0x5d: {  	[bflag:$0x0] =	sbarrier.arrive $0xFFFF  }
0x5e: {  	p0 =	sne.s32 s0, $0x0;
	_ =	strace $0x90000047  }
0x5f: {  	s0 =	sadd.s32 @!p0 $0x100000, s2;
	[bflag:$0x2] =	sbarrier.arrive $0xFFFF  }
0x60: {  	[sflag:s0] =	ssyncadd.tile.s32 @!p0 $0x1;
	_ =	shalt  }
.Lfunc_end2:
_tile_overlayer_lowered:
.L_overlay_start_2:
0x61: {  	(tag) =	ssettag $0x2  }
0x62: {  	s0 =	rddreg [dreg:$0x0];
	s2 =	stileid.u32  }
0x63: {  	s1 =	rddreg [dreg:$0x1];
	p0 =	sne.s32 s2, $0x0  }
0x64: {  	s3 =	rddreg [dreg:$0x2];
	[bflag:$0x3] =	sbarrier.arrive $0xFFFF;
	s2 =	simm.s32 @!p0 $0x1C03  }
0x65: {  	[timem:s3], [sflag:s2] =	dma.local @!p0 [hbm:s0], s1  }
0x66: {  	s0 =	simm.s32 @!p0 $0x3  }
0x67: {  	_ =	swait.ge @!p0 [sflag:s0], s1  }
0x68: {  	s1 =	ssub.s32 @!p0 $0x0, s1;
	[sflag:s0] =	ssyncset.done @!p0 $0x0  }
0x69: {  	[sflag:s0] =	ssyncadd.s32 @!p0 s1  }
0x6a: {  	[bflag:$0x3] =	sbarrier.arrive $0xFFFF  }
0x6b: {  	_ =	shalt  }

</sc_bundles>
